<compile_context>
chip_gen: v7x
topology: tpu7x:2x2x1
jax: 0.10.2.dev20260603
libtpu: 0.0.44.dev20260713+nightly
codegen_flags: <defaults>
</compile_context>

<pallas_src>
import functools

import jax
import jax.numpy as jnp
from jax import lax
from jax.experimental import pallas as pl
from jax.experimental.pallas import tpu as pltpu
from jax.experimental.pallas import tpu_sc as plsc

NC = 2
NS = 16
CHUNK = 128
W2 = 128
N_PAD = 10240
BN = 1024
NBLK = N_PAD // BN
RPT = N_PAD // NS


def _mesh():
    return plsc.VectorSubcoreMesh(core_axis_name="c", subcore_axis_name="s")


def _make_sc_deg(e_pad):
    ept = e_pad // (NC * NS)
    n_chunks = ept // CHUNK

    @functools.partial(
        pl.kernel,
        out_type=jax.ShapeDtypeStruct((NC * N_PAD, W2), jnp.float32),
        mesh=_mesh(),
        scratch_types=[
            pltpu.VMEM((CHUNK,), jnp.int32),
            pltpu.VMEM((CHUNK, W2), jnp.float32),
            pltpu.VMEM_SHARED((N_PAD, W2), jnp.float32),
        ],
    )
    def k(dst_hbm, out_hbm, dst_v, ones_v, acc):
        c = lax.axis_index("c")
        s = lax.axis_index("s")
        wid = c * NS + s

        def fill_zero(i, _):
            for j in range(W2 // 16):
                ones_v[i, pl.ds(j * 16, 16)] = jnp.zeros((16,), jnp.float32)
            return 0

        lax.fori_loop(0, CHUNK, fill_zero, 0)

        def zero_acc(i, _):
            pltpu.sync_copy(ones_v, acc.at[pl.ds(s * RPT + i * CHUNK, CHUNK)])
            return 0

        lax.fori_loop(0, RPT // CHUNK, zero_acc, 0)

        def fill_ones(i, _):
            for j in range(W2 // 16):
                ones_v[i, pl.ds(j * 16, 16)] = jnp.ones((16,), jnp.float32)
            return 0

        lax.fori_loop(0, CHUNK, fill_ones, 0)
        plsc.subcore_barrier()

        def body(i, _):
            base = wid * ept + i * CHUNK
            pltpu.sync_copy(dst_hbm.at[pl.ds(base, CHUNK)], dst_v)
            pltpu.sync_copy(ones_v, acc.at[dst_v], add=True)
            return 0

        lax.fori_loop(0, n_chunks, body, 0)
        plsc.subcore_barrier()
        pltpu.sync_copy(acc.at[pl.ds(s * RPT, RPT)],
                        out_hbm.at[pl.ds(c * N_PAD + s * RPT, RPT)])

    return k


def _make_sc_agg(e_pad, feat_split):
    ept = e_pad // NS if feat_split else e_pad // (NC * NS)
    n_chunks = ept // CHUNK
    assert n_chunks % 2 == 0

    @functools.partial(
        pl.kernel,
        out_type=jax.ShapeDtypeStruct((NC * N_PAD, W2), jnp.float32),
        mesh=_mesh(),
        scratch_types=[
            pltpu.VMEM((CHUNK,), jnp.int32),
            pltpu.VMEM((1, CHUNK), jnp.int32),
            pltpu.VMEM((CHUNK, W2), jnp.float32),
            pltpu.VMEM_SHARED((N_PAD, W2), jnp.float32),
            pltpu.SemaphoreType.DMA,
        ],
    )
    def k(y_hbm, src_hbm, dst_hbm, out_hbm, src_v, dst_v, rows_v, acc, sem):
        c = lax.axis_index("c")
        s = lax.axis_index("s")
        row0 = c * N_PAD
        ebase = s * ept if feat_split else (c * NS + s) * ept

        if feat_split:
            pltpu.sync_copy(y_hbm.at[pl.ds(row0 + s * RPT, RPT)],
                            acc.at[pl.ds(s * RPT, RPT)])
        else:
            @pl.when(c == 0)
            def _():
                pltpu.sync_copy(y_hbm.at[pl.ds(s * RPT, RPT)],
                                acc.at[pl.ds(s * RPT, RPT)])

            @pl.when(c != 0)
            def _():
                def fill_zero(i, _):
                    for j in range(W2 // 16):
                        rows_v[i, pl.ds(j * 16, 16)] = (
                            jnp.zeros((16,), jnp.float32))
                    return 0

                lax.fori_loop(0, CHUNK, fill_zero, 0)

                def zero_acc(i, _):
                    pltpu.sync_copy(
                        rows_v,
                        acc.at[pl.ds(s * RPT + i * CHUNK, CHUNK)])
                    return 0

                lax.fori_loop(0, RPT // CHUNK, zero_acc, 0)

        plsc.subcore_barrier()

        def body(i, _):
            base = ebase + i * CHUNK
            pltpu.sync_copy(src_hbm.at[pl.ds(base, CHUNK)], src_v)
            pltpu.sync_copy(dst_hbm.at[pl.ds(base, CHUNK)], dst_v.at[0])
            for j in range(CHUNK // 16):
                sl = pl.ds(j * 16, 16)
                src_v[sl] = src_v[sl] + row0
            pltpu.async_copy(y_hbm.at[src_v], rows_v, sem).wait()
            pltpu.sync_copy(rows_v, acc.at[dst_v.at[0]], add=True)
            return 0

        lax.fori_loop(0, n_chunks, body, 0)
        plsc.subcore_barrier()
        pltpu.sync_copy(acc.at[pl.ds(s * RPT, RPT)],
                        out_hbm.at[pl.ds(row0 + s * RPT, RPT)])

    return k


def _split_w(W):
    w_in, w_out = W.shape
    return jnp.moveaxis(W.reshape(w_in, 2, w_out // 2), 1, 0)


def _dinv_body(p0_ref, p1_ref, out_ref):
    cnt = p0_ref[:, 0:1] + p1_ref[:, 0:1]
    out_ref[...] = lax.rsqrt(cnt + 1.0)


def _t_dinv(partials):
    return pl.pallas_call(
        _dinv_body,
        grid=(NBLK,),
        in_specs=[
            pl.BlockSpec((BN, W2), lambda i: (i, 0)),
            pl.BlockSpec((BN, W2), lambda i: (NBLK + i, 0)),
        ],
        out_specs=pl.BlockSpec((BN, 1), lambda i: (i, 0)),
        out_shape=jax.ShapeDtypeStruct((N_PAD, 1), jnp.float32),
    )(partials, partials)


def _lin1_body(x_ref, w_ref, dinv_ref, out_ref):
    out_ref[...] = dinv_ref[...] * jnp.dot(
        x_ref[...], w_ref[...], preferred_element_type=jnp.float32)


def _t_lin1(x_p, W1, dinv):
    w_in, w_out = W1.shape
    return pl.pallas_call(
        _lin1_body,
        grid=(NC, NBLK),
        in_specs=[
            pl.BlockSpec((BN, w_in), lambda c, i: (i, 0)),
            pl.BlockSpec((w_in, w_out), lambda c, i: (0, 0)),
            pl.BlockSpec((BN, 1), lambda c, i: (i, 0)),
        ],
        out_specs=pl.BlockSpec((BN, w_out), lambda c, i: (c * NBLK + i, 0)),
        out_shape=jax.ShapeDtypeStruct((NC * N_PAD, w_out), jnp.float32),
    )(x_p, W1, dinv)


def _sum_to_feat_body(p0_ref, p1_ref, b_ref, w_ref, dinv_ref, out_ref):
    h = p0_ref[...] + p1_ref[...]
    h = jnp.maximum(dinv_ref[...] * h + b_ref[...], 0.0)
    out_ref[...] = dinv_ref[...] * jnp.dot(
        h, w_ref[0], preferred_element_type=jnp.float32)


def _t_sum_to_feat(acc, b_prev, W, dinv):
    w_in = W.shape[0]
    w2 = W.shape[1] // 2
    return pl.pallas_call(
        _sum_to_feat_body,
        grid=(NC, NBLK),
        in_specs=[
            pl.BlockSpec((BN, w_in), lambda c, i: (i, 0)),
            pl.BlockSpec((BN, w_in), lambda c, i: (NBLK + i, 0)),
            pl.BlockSpec((1, w_in), lambda c, i: (0, 0)),
            pl.BlockSpec((1, w_in, w2), lambda c, i: (c, 0, 0)),
            pl.BlockSpec((BN, 1), lambda c, i: (i, 0)),
        ],
        out_specs=pl.BlockSpec((BN, w2), lambda c, i: (c * NBLK + i, 0)),
        out_shape=jax.ShapeDtypeStruct((NC * N_PAD, w2), jnp.float32),
    )(acc, acc, b_prev.reshape(1, -1), _split_w(W), dinv)


def _feat_to_feat_body(a0_ref, a1_ref, b_ref, w_ref, dinv_ref, out_ref):
    h = jnp.concatenate([a0_ref[...], a1_ref[...]], axis=1)
    h = jnp.maximum(dinv_ref[...] * h + b_ref[...], 0.0)
    out_ref[...] = dinv_ref[...] * jnp.dot(
        h, w_ref[0], preferred_element_type=jnp.float32)


def _t_feat_to_feat(acc, b_prev, W, dinv):
    w_in = W.shape[0]
    w2_in = w_in // 2
    w2 = W.shape[1] // 2
    return pl.pallas_call(
        _feat_to_feat_body,
        grid=(NC, NBLK),
        in_specs=[
            pl.BlockSpec((BN, w2_in), lambda c, i: (i, 0)),
            pl.BlockSpec((BN, w2_in), lambda c, i: (NBLK + i, 0)),
            pl.BlockSpec((1, w_in), lambda c, i: (0, 0)),
            pl.BlockSpec((1, w_in, w2), lambda c, i: (c, 0, 0)),
            pl.BlockSpec((BN, 1), lambda c, i: (i, 0)),
        ],
        out_specs=pl.BlockSpec((BN, w2), lambda c, i: (c * NBLK + i, 0)),
        out_shape=jax.ShapeDtypeStruct((NC * N_PAD, w2), jnp.float32),
    )(acc, acc, b_prev.reshape(1, -1), _split_w(W), dinv)


def _feat_to_edge_body(a0_ref, a1_ref, b_ref, w_ref, dinv_ref, out_ref):
    h = jnp.concatenate([a0_ref[...], a1_ref[...]], axis=1)
    h = jnp.maximum(dinv_ref[...] * h + b_ref[...], 0.0)
    out_ref[...] = dinv_ref[...] * jnp.dot(
        h, w_ref[...], preferred_element_type=jnp.float32)


def _t_feat_to_edge(acc, b_prev, W, dinv):
    w_in, w_out = W.shape
    w2_in = w_in // 2
    return pl.pallas_call(
        _feat_to_edge_body,
        grid=(NC, NBLK),
        in_specs=[
            pl.BlockSpec((BN, w2_in), lambda c, i: (i, 0)),
            pl.BlockSpec((BN, w2_in), lambda c, i: (NBLK + i, 0)),
            pl.BlockSpec((1, w_in), lambda c, i: (0, 0)),
            pl.BlockSpec((w_in, w_out), lambda c, i: (0, 0)),
            pl.BlockSpec((BN, 1), lambda c, i: (i, 0)),
        ],
        out_specs=pl.BlockSpec((BN, w_out), lambda c, i: (c * NBLK + i, 0)),
        out_shape=jax.ShapeDtypeStruct((NC * N_PAD, w_out), jnp.float32),
    )(acc, acc, b_prev.reshape(1, -1), W, dinv)


def _head_body(p0_ref, p1_ref, b4_ref, w_ref, b5_ref, dinv_ref, out_ref):
    h = p0_ref[...] + p1_ref[...]
    h = jnp.maximum(dinv_ref[...] * h + b4_ref[...], 0.0)
    out_ref[...] = jnp.dot(
        h, w_ref[...], preferred_element_type=jnp.float32) + b5_ref[...]


def _t_head(acc, b4, W5, b5, dinv):
    w_in, c_out = W5.shape
    return pl.pallas_call(
        _head_body,
        grid=(NBLK,),
        in_specs=[
            pl.BlockSpec((BN, w_in), lambda i: (i, 0)),
            pl.BlockSpec((BN, w_in), lambda i: (NBLK + i, 0)),
            pl.BlockSpec((1, w_in), lambda i: (0, 0)),
            pl.BlockSpec((w_in, c_out), lambda i: (0, 0)),
            pl.BlockSpec((1, c_out), lambda i: (0, 0)),
            pl.BlockSpec((BN, 1), lambda i: (i, 0)),
        ],
        out_specs=pl.BlockSpec((BN, c_out), lambda i: (i, 0)),
        out_shape=jax.ShapeDtypeStruct((N_PAD, c_out), jnp.float32),
    )(acc, acc, b4.reshape(1, -1), W5, b5.reshape(1, -1), dinv)


def kernel(x, edge_index, batch, W1, b1, W2_, b2, W3, b3, W4, b4, W5, b5):
    n = x.shape[0]
    e = edge_index.shape[1]
    e_pad = -(-e // (NC * NS * CHUNK * 2)) * (NC * NS * CHUNK * 2)

    src = edge_index[0].astype(jnp.int32)
    dst = edge_index[1].astype(jnp.int32)
    pad = e_pad - e
    src_p = jnp.concatenate([src, jnp.zeros((pad,), jnp.int32)])
    dst_p = jnp.concatenate([dst, jnp.full((pad,), n, jnp.int32)])
    x_p = jnp.pad(x, ((0, N_PAD - n), (0, 0)))

    sc_deg = _make_sc_deg(e_pad)
    sc_agg_edge = _make_sc_agg(e_pad, feat_split=False)
    sc_agg_feat = _make_sc_agg(e_pad, feat_split=True)

    deg_part = sc_deg(dst_p)
    dinv = _t_dinv(deg_part)

    y1 = _t_lin1(x_p, W1, dinv)
    a1 = sc_agg_edge(y1, src_p, dst_p)
    y2 = _t_sum_to_feat(a1, b1, W2_, dinv)
    a2 = sc_agg_feat(y2, src_p, dst_p)
    y3 = _t_feat_to_feat(a2, b2, W3, dinv)
    a3 = sc_agg_feat(y3, src_p, dst_p)
    y4 = _t_feat_to_edge(a3, b3, W4, dinv)
    a4 = sc_agg_edge(y4, src_p, dst_p)
    out = _t_head(a4, b4, W5, b5, dinv)
    return out[:n]

# --- scband reference (transcript-rebuilt; emitter-appended) ---
"""Pipeline reference for scband-code-graph-nn-31155692765403 (READ-ONLY COPY).

The authoritative reference and input builder live on the scoring server;
editing this copy changes nothing except your own understanding.
"""

import jax, jax.numpy as jnp
import numpy as np

N = 10000
E = 320000
F_IN = 128
H = 128
C = 32


def gcn_conv(x, edge_index, W, b):
    n = x.shape[0]
    src = edge_index[0]
    dst = edge_index[1]
    loop = jnp.arange(n, dtype=src.dtype)
    src = jnp.concatenate([src, loop])
    dst = jnp.concatenate([dst, loop])
    deg = jax.ops.segment_sum(jnp.ones_like(dst, dtype=x.dtype), dst, num_segments=n)
    dinv = jax.lax.rsqrt(jnp.maximum(deg, 1.0))
    norm = dinv[src] * dinv[dst]
    xw = x @ W
    msg = xw[src] * norm[:, None]
    out = jax.ops.segment_sum(msg, dst, num_segments=n)
    return out + b


def setup_inputs(seed: int = 0) -> dict:
    key = jax.random.key(seed)
    ks = jax.random.split(key, 16)
    x = jax.random.normal(ks[0], (N, F_IN), dtype=jnp.float32)
    edge_index = jax.random.randint(ks[1], (2, E), 0, N, dtype=jnp.int64)
    batch = jnp.sort(jax.random.randint(ks[2], (N,), 0, 8, dtype=jnp.int64))
    def w(k, fan_in, fan_out):
        return jax.random.normal(k, (fan_in, fan_out), dtype=jnp.float32) * (1.0 / np.sqrt(fan_in))
    W1 = w(ks[3], F_IN, H)
    b1 = jnp.zeros((H,), dtype=jnp.float32)
    W2 = w(ks[4], H, 2 * H)
    b2 = jnp.zeros((2 * H,), dtype=jnp.float32)
    W3 = w(ks[5], 2 * H, 2 * H)
    b3 = jnp.zeros((2 * H,), dtype=jnp.float32)
    W4 = w(ks[6], 2 * H, H)
    b4 = jnp.zeros((H,), dtype=jnp.float32)
    W5 = w(ks[7], H, C)
    b5 = jnp.zeros((C,), dtype=jnp.float32)
    return {"x": x, "edge_index": edge_index, "batch": batch,
            "W1": W1, "b1": b1, "W2": W2, "b2": b2, "W3": W3, "b3": b3,
            "W4": W4, "b4": b4, "W5": W5, "b5": b5}


def reference(x, edge_index, batch, W1, b1, W2, b2, W3, b3, W4, b4, W5, b5):
    # batch is accepted but unused by the original forward (no pooling is applied)
    h = jax.nn.relu(gcn_conv(x, edge_index, W1, b1))
    # dropout(p=0.2) is identity in eval mode
    h = jax.nn.relu(gcn_conv(h, edge_index, W2, b2))
    h = jax.nn.relu(gcn_conv(h, edge_index, W3, b3))
    h = jax.nn.relu(gcn_conv(h, edge_index, W4, b4))
    out = h @ W5 + b5
    return out

if __name__ == "__main__":
    import jax
    _d = setup_inputs()
    print(jax.jit(kernel)(*tuple(_d.values())))

</pallas_src>

<mosaic_0001>
#map = affine_map<(d0, d1) -> (0, 0)>
#map1 = affine_map<(d0, d1) -> (0)>
module attributes {stable_mosaic.version = 14 : i64} {
  func.func @k(%arg0: i32, %arg1: i32, %arg2: memref<20480x128xf32, #tpu.memory_space<hbm>>, %arg3: memref<327680xi32, #tpu.memory_space<hbm>>, %arg4: memref<327680xi32, #tpu.memory_space<hbm>>, %arg5: memref<20480x128xf32, #tpu.memory_space<hbm>>, %arg6: memref<128xi32, #tpu.memory_space<vmem>>, %arg7: memref<1x128xi32, #tpu.memory_space<vmem>>, %arg8: memref<128x128xf32, #tpu.memory_space<vmem>>, %arg9: memref<10240x128xf32, #tpu.memory_space<vmem_shared>>, %arg10: memref<!tpu.dma_semaphore, #tpu.memory_space<semaphore_mem>>) attributes {dimension_semantics = [#tpu.dimension_semantics<core_parallel>, #tpu.dimension_semantics<subcore_parallel>], iteration_bounds = array<i64: 2, 16>, scalar_prefetch = 0 : i64, scratch_operands = 5 : i64, tpu.core_type = #tpu.core_type<sc_vector_subcore>, window_params = [{transform_indices = #map}, {transform_indices = #map1}, {transform_indices = #map1}, {transform_indices = #map}]} {
    %mul3A = arith.constant 10240 : i32
    %mul3A_0 = arith.muli %arg0, %mul3A : i32
    %mul3A_1 = arith.constant 20480 : i32
    %mul3A_2 = arith.muli %arg1, %mul3A_1 : i32
    %mul3A_3 = arith.constant 640 : i32
    %mul3A_4 = arith.muli %arg1, %mul3A_3 : i32
    %add3A = arith.addi %mul3A_0, %mul3A_4 : i32
    %mul3A_5 = arith.constant 640 : i32
    %mul3A_6 = arith.muli %arg1, %mul3A_5 : i32
    "tpu.region"() ({
      %run_scoped3A = tpu.sem_alloc : memref<!tpu.dma_semaphore, #tpu.memory_space<semaphore_mem>>
      %dma_start3A = arith.constant 0 : i32
      %dma_start3A_19 = tpu.memref_slice %arg9[%mul3A_6, %dma_start3A] : memref<10240x128xf32, #tpu.memory_space<vmem_shared>> -> memref<640x128xf32, #tpu.memory_space<vmem_shared>>
      %dma_start3A_20 = arith.constant 0 : i32
      %dma_start3A_21 = tpu.memref_slice %arg2[%add3A, %dma_start3A_20] : memref<20480x128xf32, #tpu.memory_space<hbm>> -> memref<640x128xf32, #tpu.memory_space<hbm>>
      tpu.enqueue_dma source(%dma_start3A_21 : memref<640x128xf32, #tpu.memory_space<hbm>>) target(%dma_start3A_19 : memref<640x128xf32, #tpu.memory_space<vmem_shared>>) target_semaphore(%run_scoped3A : memref<!tpu.dma_semaphore, #tpu.memory_space<semaphore_mem>>)
      %dma_wait3A = arith.constant 0 : i32
      %dma_wait3A_22 = tpu.memref_slice %arg9[%mul3A_6, %dma_wait3A] : memref<10240x128xf32, #tpu.memory_space<vmem_shared>> -> memref<640x128xf32, #tpu.memory_space<vmem_shared>>
      %dma_wait3A_23 = arith.constant 0 : i32
      %dma_wait3A_24 = tpu.memref_slice %arg2[%add3A, %dma_wait3A_23] : memref<20480x128xf32, #tpu.memory_space<hbm>> -> memref<640x128xf32, #tpu.memory_space<hbm>>
      tpu.wait_dma2 semaphore(%run_scoped3A : memref<!tpu.dma_semaphore, #tpu.memory_space<semaphore_mem>>) src(%dma_wait3A_24 : memref<640x128xf32, #tpu.memory_space<hbm>>) dst(%dma_wait3A_22 : memref<640x128xf32, #tpu.memory_space<vmem_shared>>)
      tpu.yield
    }) : () -> ()
    %barrier3A = arith.constant 0 : index
    tpu.barrier barrier_id(%barrier3A)
    %scan3A = arith.constant 0 : i32
    %scan3A_7 = arith.constant 0 : i32
    %scan3A_8 = arith.constant 160 : i32
    %scan3A_9 = arith.addi %scan3A_7, %scan3A_8 : i32
    %scan3A_10 = arith.constant 1 : i32
    %scan3A_11 = scf.for %scan3A_19 = %scan3A_7 to %scan3A_9 step %scan3A_10 iter_args(%scan3A_20 = %scan3A) -> (i32)  : i32 {
      %mul3A_21 = arith.constant 128 : i32
      %mul3A_22 = arith.muli %scan3A_19, %mul3A_21 : i32
      %add3A_23 = arith.addi %mul3A_2, %mul3A_22 : i32
      "tpu.region"() ({
        %run_scoped3A_100 = tpu.sem_alloc : memref<!tpu.dma_semaphore, #tpu.memory_space<semaphore_mem>>
        %dma_start3A_101 = tpu.memref_slice %arg3[%add3A_23] : memref<327680xi32, #tpu.memory_space<hbm>> -> memref<128xi32, #tpu.memory_space<hbm>>
        %dma_start3A_102 = tpu.memref_slice %arg3[%add3A_23] : memref<327680xi32, #tpu.memory_space<hbm>> -> memref<128xi32, #tpu.memory_space<hbm>>
        tpu.enqueue_dma source(%dma_start3A_102 : memref<128xi32, #tpu.memory_space<hbm>>) target(%arg6 : memref<128xi32, #tpu.memory_space<vmem>>) target_semaphore(%run_scoped3A_100 : memref<!tpu.dma_semaphore, #tpu.memory_space<semaphore_mem>>)
        %dma_wait3A_103 = tpu.memref_slice %arg3[%add3A_23] : memref<327680xi32, #tpu.memory_space<hbm>> -> memref<128xi32, #tpu.memory_space<hbm>>
        %dma_wait3A_104 = tpu.memref_slice %arg3[%add3A_23] : memref<327680xi32, #tpu.memory_space<hbm>> -> memref<128xi32, #tpu.memory_space<hbm>>
        tpu.wait_dma2 semaphore(%run_scoped3A_100 : memref<!tpu.dma_semaphore, #tpu.memory_space<semaphore_mem>>) src(%dma_wait3A_104 : memref<128xi32, #tpu.memory_space<hbm>>) dst(%arg6 : memref<128xi32, #tpu.memory_space<vmem>>)
        tpu.yield
      }) : () -> ()
      %run_scoped3A = arith.constant 0 : i32
      "tpu.region"() ({
        %run_scoped3A_100 = tpu.sem_alloc : memref<!tpu.dma_semaphore, #tpu.memory_space<semaphore_mem>>
        %dma_start3A_101 = arith.constant 0 : i32
        %dma_start3A_102 = tpu.memref_slice %arg7[%run_scoped3A, %dma_start3A_101] : memref<1x128xi32, #tpu.memory_space<vmem>> -> memref<1x128xi32, #tpu.memory_space<vmem>>
        %dma_start3A_103 = tpu.memref_squeeze %dma_start3A_102 : memref<1x128xi32, #tpu.memory_space<vmem>> -> memref<128xi32, #tpu.memory_space<vmem>>
        %dma_start3A_104 = tpu.memref_slice %arg4[%add3A_23] : memref<327680xi32, #tpu.memory_space<hbm>> -> memref<128xi32, #tpu.memory_space<hbm>>
        %dma_start3A_105 = arith.constant 0 : i32
        %dma_start3A_106 = tpu.memref_slice %arg7[%run_scoped3A, %dma_start3A_105] : memref<1x128xi32, #tpu.memory_space<vmem>> -> memref<1x128xi32, #tpu.memory_space<vmem>>
        %dma_start3A_107 = tpu.memref_squeeze %dma_start3A_106 : memref<1x128xi32, #tpu.memory_space<vmem>> -> memref<128xi32, #tpu.memory_space<vmem>>
        %dma_start3A_108 = tpu.memref_slice %arg4[%add3A_23] : memref<327680xi32, #tpu.memory_space<hbm>> -> memref<128xi32, #tpu.memory_space<hbm>>
        tpu.enqueue_dma source(%dma_start3A_108 : memref<128xi32, #tpu.memory_space<hbm>>) target(%dma_start3A_107 : memref<128xi32, #tpu.memory_space<vmem>>) target_semaphore(%run_scoped3A_100 : memref<!tpu.dma_semaphore, #tpu.memory_space<semaphore_mem>>)
        %dma_wait3A_109 = arith.constant 0 : i32
        %dma_wait3A_110 = tpu.memref_slice %arg7[%run_scoped3A, %dma_wait3A_109] : memref<1x128xi32, #tpu.memory_space<vmem>> -> memref<1x128xi32, #tpu.memory_space<vmem>>
        %dma_wait3A_111 = tpu.memref_squeeze %dma_wait3A_110 : memref<1x128xi32, #tpu.memory_space<vmem>> -> memref<128xi32, #tpu.memory_space<vmem>>
        %dma_wait3A_112 = tpu.memref_slice %arg4[%add3A_23] : memref<327680xi32, #tpu.memory_space<hbm>> -> memref<128xi32, #tpu.memory_space<hbm>>
        %dma_wait3A_113 = arith.constant 0 : i32
        %dma_wait3A_114 = tpu.memref_slice %arg7[%run_scoped3A, %dma_wait3A_113] : memref<1x128xi32, #tpu.memory_space<vmem>> -> memref<1x128xi32, #tpu.memory_space<vmem>>
        %dma_wait3A_115 = tpu.memref_squeeze %dma_wait3A_114 : memref<1x128xi32, #tpu.memory_space<vmem>> -> memref<128xi32, #tpu.memory_space<vmem>>
        %dma_wait3A_116 = tpu.memref_slice %arg4[%add3A_23] : memref<327680xi32, #tpu.memory_space<hbm>> -> memref<128xi32, #tpu.memory_space<hbm>>
        tpu.wait_dma2 semaphore(%run_scoped3A_100 : memref<!tpu.dma_semaphore, #tpu.memory_space<semaphore_mem>>) src(%dma_wait3A_116 : memref<128xi32, #tpu.memory_space<hbm>>) dst(%dma_wait3A_115 : memref<128xi32, #tpu.memory_space<vmem>>)
        tpu.yield
      }) : () -> ()
      %get3A = arith.constant 0 : index
      %get3A_24 = tpu.vector_load %arg6[%get3A] {strides = array<i32>} : memref<128xi32, #tpu.memory_space<vmem>>, vector<16xi32>,
      %get3A_25 = vector.shape_cast %get3A_24 : vector<16xi32> to vector<16xi32>
      %add3A_26 = vector.broadcast %mul3A_0 : i32 to vector<16xi32>
      %add3A_27 = arith.addi %get3A_25, %add3A_26 : vector<16xi32>
      %swap3A = arith.constant 0 : index
      %swap3A_28 = tpu.vector_load %arg6[%swap3A] {strides = array<i32>} : memref<128xi32, #tpu.memory_space<vmem>>, vector<16xi32>,
      %swap3A_29 = vector.shape_cast %swap3A_28 : vector<16xi32> to vector<16xi32>
      %swap3A_30 = vector.shape_cast %add3A_27 : vector<16xi32> to vector<16xi32>
      tpu.vector_store %arg6[%swap3A], %swap3A_30 {strides = array<i32>} : memref<128xi32, #tpu.memory_space<vmem>>, vector<16xi32>,
      %get3A_31 = arith.constant 16 : index
      %get3A_32 = tpu.vector_load %arg6[%get3A_31] {strides = array<i32>} : memref<128xi32, #tpu.memory_space<vmem>>, vector<16xi32>,
      %get3A_33 = vector.shape_cast %get3A_32 : vector<16xi32> to vector<16xi32>
      %add3A_34 = vector.broadcast %mul3A_0 : i32 to vector<16xi32>
      %add3A_35 = arith.addi %get3A_33, %add3A_34 : vector<16xi32>
      %swap3A_36 = arith.constant 16 : index
      %swap3A_37 = tpu.vector_load %arg6[%swap3A_36] {strides = array<i32>} : memref<128xi32, #tpu.memory_space<vmem>>, vector<16xi32>,
      %swap3A_38 = vector.shape_cast %swap3A_37 : vector<16xi32> to vector<16xi32>
      %swap3A_39 = vector.shape_cast %add3A_35 : vector<16xi32> to vector<16xi32>
      tpu.vector_store %arg6[%swap3A_36], %swap3A_39 {strides = array<i32>} : memref<128xi32, #tpu.memory_space<vmem>>, vector<16xi32>,
      %get3A_40 = arith.constant 32 : index
      %get3A_41 = tpu.vector_load %arg6[%get3A_40] {strides = array<i32>} : memref<128xi32, #tpu.memory_space<vmem>>, vector<16xi32>,
      %get3A_42 = vector.shape_cast %get3A_41 : vector<16xi32> to vector<16xi32>
      %add3A_43 = vector.broadcast %mul3A_0 : i32 to vector<16xi32>
      %add3A_44 = arith.addi %get3A_42, %add3A_43 : vector<16xi32>
      %swap3A_45 = arith.constant 32 : index
      %swap3A_46 = tpu.vector_load %arg6[%swap3A_45] {strides = array<i32>} : memref<128xi32, #tpu.memory_space<vmem>>, vector<16xi32>,
      %swap3A_47 = vector.shape_cast %swap3A_46 : vector<16xi32> to vector<16xi32>
      %swap3A_48 = vector.shape_cast %add3A_44 : vector<16xi32> to vector<16xi32>
      tpu.vector_store %arg6[%swap3A_45], %swap3A_48 {strides = array<i32>} : memref<128xi32, #tpu.memory_space<vmem>>, vector<16xi32>,
      %get3A_49 = arith.constant 48 : index
      %get3A_50 = tpu.vector_load %arg6[%get3A_49] {strides = array<i32>} : memref<128xi32, #tpu.memory_space<vmem>>, vector<16xi32>,
      %get3A_51 = vector.shape_cast %get3A_50 : vector<16xi32> to vector<16xi32>
      %add3A_52 = vector.broadcast %mul3A_0 : i32 to vector<16xi32>
      %add3A_53 = arith.addi %get3A_51, %add3A_52 : vector<16xi32>
      %swap3A_54 = arith.constant 48 : index
      %swap3A_55 = tpu.vector_load %arg6[%swap3A_54] {strides = array<i32>} : memref<128xi32, #tpu.memory_space<vmem>>, vector<16xi32>,
      %swap3A_56 = vector.shape_cast %swap3A_55 : vector<16xi32> to vector<16xi32>
      %swap3A_57 = vector.shape_cast %add3A_53 : vector<16xi32> to vector<16xi32>
      tpu.vector_store %arg6[%swap3A_54], %swap3A_57 {strides = array<i32>} : memref<128xi32, #tpu.memory_space<vmem>>, vector<16xi32>,
      %get3A_58 = arith.constant 64 : index
      %get3A_59 = tpu.vector_load %arg6[%get3A_58] {strides = array<i32>} : memref<128xi32, #tpu.memory_space<vmem>>, vector<16xi32>,
      %get3A_60 = vector.shape_cast %get3A_59 : vector<16xi32> to vector<16xi32>
      %add3A_61 = vector.broadcast %mul3A_0 : i32 to vector<16xi32>
      %add3A_62 = arith.addi %get3A_60, %add3A_61 : vector<16xi32>
      %swap3A_63 = arith.constant 64 : index
      %swap3A_64 = tpu.vector_load %arg6[%swap3A_63] {strides = array<i32>} : memref<128xi32, #tpu.memory_space<vmem>>, vector<16xi32>,
      %swap3A_65 = vector.shape_cast %swap3A_64 : vector<16xi32> to vector<16xi32>
      %swap3A_66 = vector.shape_cast %add3A_62 : vector<16xi32> to vector<16xi32>
      tpu.vector_store %arg6[%swap3A_63], %swap3A_66 {strides = array<i32>} : memref<128xi32, #tpu.memory_space<vmem>>, vector<16xi32>,
      %get3A_67 = arith.constant 80 : index
      %get3A_68 = tpu.vector_load %arg6[%get3A_67] {strides = array<i32>} : memref<128xi32, #tpu.memory_space<vmem>>, vector<16xi32>,
      %get3A_69 = vector.shape_cast %get3A_68 : vector<16xi32> to vector<16xi32>
      %add3A_70 = vector.broadcast %mul3A_0 : i32 to vector<16xi32>
      %add3A_71 = arith.addi %get3A_69, %add3A_70 : vector<16xi32>
      %swap3A_72 = arith.constant 80 : index
      %swap3A_73 = tpu.vector_load %arg6[%swap3A_72] {strides = array<i32>} : memref<128xi32, #tpu.memory_space<vmem>>, vector<16xi32>,
      %swap3A_74 = vector.shape_cast %swap3A_73 : vector<16xi32> to vector<16xi32>
      %swap3A_75 = vector.shape_cast %add3A_71 : vector<16xi32> to vector<16xi32>
      tpu.vector_store %arg6[%swap3A_72], %swap3A_75 {strides = array<i32>} : memref<128xi32, #tpu.memory_space<vmem>>, vector<16xi32>,
      %get3A_76 = arith.constant 96 : index
      %get3A_77 = tpu.vector_load %arg6[%get3A_76] {strides = array<i32>} : memref<128xi32, #tpu.memory_space<vmem>>, vector<16xi32>,
      %get3A_78 = vector.shape_cast %get3A_77 : vector<16xi32> to vector<16xi32>
      %add3A_79 = vector.broadcast %mul3A_0 : i32 to vector<16xi32>
      %add3A_80 = arith.addi %get3A_78, %add3A_79 : vector<16xi32>
      %swap3A_81 = arith.constant 96 : index
      %swap3A_82 = tpu.vector_load %arg6[%swap3A_81] {strides = array<i32>} : memref<128xi32, #tpu.memory_space<vmem>>, vector<16xi32>,
      %swap3A_83 = vector.shape_cast %swap3A_82 : vector<16xi32> to vector<16xi32>
      %swap3A_84 = vector.shape_cast %add3A_80 : vector<16xi32> to vector<16xi32>
      tpu.vector_store %arg6[%swap3A_81], %swap3A_84 {strides = array<i32>} : memref<128xi32, #tpu.memory_space<vmem>>, vector<16xi32>,
      %get3A_85 = arith.constant 112 : index
      %get3A_86 = tpu.vector_load %arg6[%get3A_85] {strides = array<i32>} : memref<128xi32, #tpu.memory_space<vmem>>, vector<16xi32>,
      %get3A_87 = vector.shape_cast %get3A_86 : vector<16xi32> to vector<16xi32>
      %add3A_88 = vector.broadcast %mul3A_0 : i32 to vector<16xi32>
      %add3A_89 = arith.addi %get3A_87, %add3A_88 : vector<16xi32>
      %swap3A_90 = arith.constant 112 : index
      %swap3A_91 = tpu.vector_load %arg6[%swap3A_90] {strides = array<i32>} : memref<128xi32, #tpu.memory_space<vmem>>, vector<16xi32>,
      %swap3A_92 = vector.shape_cast %swap3A_91 : vector<16xi32> to vector<16xi32>
      %swap3A_93 = vector.shape_cast %add3A_89 : vector<16xi32> to vector<16xi32>
      tpu.vector_store %arg6[%swap3A_90], %swap3A_93 {strides = array<i32>} : memref<128xi32, #tpu.memory_space<vmem>>, vector<16xi32>,
      %dma_start3A = arith.constant 0 : i32
      %dma_start3A_94 = arith.constant 0 : i32
      %dma_start3A_95 = tpu.memref_slice %arg2[%dma_start3A, %dma_start3A_94] : memref<20480x128xf32, #tpu.memory_space<hbm>> -> memref<20480x128xf32, #tpu.memory_space<hbm>>
      tpu.enqueue_indirect_dma source(%dma_start3A_95 : memref<20480x128xf32, #tpu.memory_space<hbm>>) target(%arg8 : memref<128x128xf32, #tpu.memory_space<vmem>>) offsets(%arg6 : memref<128xi32, #tpu.memory_space<vmem>>) semaphore(%arg10 : memref<!tpu.dma_semaphore, #tpu.memory_space<semaphore_mem>>)
      %dma_wait3A = arith.constant 0 : i32
      %dma_wait3A_96 = arith.constant 0 : i32
      %dma_wait3A_97 = tpu.memref_slice %arg2[%dma_wait3A, %dma_wait3A_96] : memref<20480x128xf32, #tpu.memory_space<hbm>> -> memref<20480x128xf32, #tpu.memory_space<hbm>>
      tpu.wait_indirect_dma semaphore(%arg10 : memref<!tpu.dma_semaphore, #tpu.memory_space<semaphore_mem>>) src(%dma_wait3A_97 : memref<20480x128xf32, #tpu.memory_space<hbm>>) dst(%arg8 : memref<128x128xf32, #tpu.memory_space<vmem>>)
      %run_scoped3A_98 = arith.constant 0 : i32
      "tpu.region"() ({
        %run_scoped3A_100 = tpu.sem_alloc : memref<!tpu.dma_semaphore, #tpu.memory_space<semaphore_mem>>
        %dma_start3A_101 = arith.constant 0 : i32
        %dma_start3A_102 = tpu.memref_slice %arg7[%run_scoped3A_98, %dma_start3A_101] : memref<1x128xi32, #tpu.memory_space<vmem>> -> memref<1x128xi32, #tpu.memory_space<vmem>>
        %dma_start3A_103 = tpu.memref_squeeze %dma_start3A_102 : memref<1x128xi32, #tpu.memory_space<vmem>> -> memref<128xi32, #tpu.memory_space<vmem>>
        %dma_start3A_104 = arith.constant 0 : i32
        %dma_start3A_105 = arith.constant 0 : i32
        %dma_start3A_106 = tpu.memref_slice %arg9[%dma_start3A_104, %dma_start3A_105] : memref<10240x128xf32, #tpu.memory_space<vmem_shared>> -> memref<10240x128xf32, #tpu.memory_space<vmem_shared>>
        tpu.enqueue_indirect_dma source(%arg8 : memref<128x128xf32, #tpu.memory_space<vmem>>) target(%dma_start3A_106 : memref<10240x128xf32, #tpu.memory_space<vmem_shared>>) offsets(%dma_start3A_103 : memref<128xi32, #tpu.memory_space<vmem>>) semaphore(%run_scoped3A_100 : memref<!tpu.dma_semaphore, #tpu.memory_space<semaphore_mem>>) {add = true}
        %dma_wait3A_107 = arith.constant 0 : i32
        %dma_wait3A_108 = tpu.memref_slice %arg7[%run_scoped3A_98, %dma_wait3A_107] : memref<1x128xi32, #tpu.memory_space<vmem>> -> memref<1x128xi32, #tpu.memory_space<vmem>>
        %dma_wait3A_109 = tpu.memref_squeeze %dma_wait3A_108 : memref<1x128xi32, #tpu.memory_space<vmem>> -> memref<128xi32, #tpu.memory_space<vmem>>
        %dma_wait3A_110 = arith.constant 0 : i32
        %dma_wait3A_111 = arith.constant 0 : i32
        %dma_wait3A_112 = tpu.memref_slice %arg9[%dma_wait3A_110, %dma_wait3A_111] : memref<10240x128xf32, #tpu.memory_space<vmem_shared>> -> memref<10240x128xf32, #tpu.memory_space<vmem_shared>>
        tpu.wait_indirect_dma semaphore(%run_scoped3A_100 : memref<!tpu.dma_semaphore, #tpu.memory_space<semaphore_mem>>) src(%arg8 : memref<128x128xf32, #tpu.memory_space<vmem>>) dst(%dma_wait3A_112 : memref<10240x128xf32, #tpu.memory_space<vmem_shared>>)
        tpu.yield
      }) : () -> ()
      %scan3A_99 = arith.constant 0 : i32
      scf.yield %scan3A_99 : i32
    }
    %scan3A_12 = arith.constant 160 : i32
    %barrier3A_13 = arith.constant 0 : index
    tpu.barrier barrier_id(%barrier3A_13)
    %mul3A_14 = arith.constant 640 : i32
    %mul3A_15 = arith.muli %arg1, %mul3A_14 : i32
    %mul3A_16 = arith.constant 640 : i32
    %mul3A_17 = arith.muli %arg1, %mul3A_16 : i32
    %add3A_18 = arith.addi %mul3A_0, %mul3A_17 : i32
    "tpu.region"() ({
      %run_scoped3A = tpu.sem_alloc : memref<!tpu.dma_semaphore, #tpu.memory_space<semaphore_mem>>
      %dma_start3A = arith.constant 0 : i32
      %dma_start3A_19 = tpu.memref_slice %arg5[%add3A_18, %dma_start3A] : memref<20480x128xf32, #tpu.memory_space<hbm>> -> memref<640x128xf32, #tpu.memory_space<hbm>>
      %dma_start3A_20 = arith.constant 0 : i32
      %dma_start3A_21 = tpu.memref_slice %arg9[%mul3A_15, %dma_start3A_20] : memref<10240x128xf32, #tpu.memory_space<vmem_shared>> -> memref<640x128xf32, #tpu.memory_space<vmem_shared>>
      tpu.enqueue_dma source(%dma_start3A_21 : memref<640x128xf32, #tpu.memory_space<vmem_shared>>) target(%dma_start3A_19 : memref<640x128xf32, #tpu.memory_space<hbm>>) target_semaphore(%run_scoped3A : memref<!tpu.dma_semaphore, #tpu.memory_space<semaphore_mem>>)
      %dma_wait3A = arith.constant 0 : i32
      %dma_wait3A_22 = tpu.memref_slice %arg5[%add3A_18, %dma_wait3A] : memref<20480x128xf32, #tpu.memory_space<hbm>> -> memref<640x128xf32, #tpu.memory_space<hbm>>
      %dma_wait3A_23 = arith.constant 0 : i32
      %dma_wait3A_24 = tpu.memref_slice %arg9[%mul3A_15, %dma_wait3A_23] : memref<10240x128xf32, #tpu.memory_space<vmem_shared>> -> memref<640x128xf32, #tpu.memory_space<vmem_shared>>
      tpu.wait_dma2 semaphore(%run_scoped3A : memref<!tpu.dma_semaphore, #tpu.memory_space<semaphore_mem>>) src(%dma_wait3A_24 : memref<640x128xf32, #tpu.memory_space<vmem_shared>>) dst(%dma_wait3A_22 : memref<640x128xf32, #tpu.memory_space<hbm>>)
      tpu.yield
    }) : () -> ()
    return
  }
}

#map = affine_map<(d0, d1) -> (0)>
#map1 = affine_map<(d0, d1) -> (0, 0)>
module attributes {stable_mosaic.version = 14 : i64} {
  func.func @k(%arg0: i32, %arg1: i32, %arg2: memref<327680xi32, #tpu.memory_space<hbm>>, %arg3: memref<20480x128xf32, #tpu.memory_space<hbm>>, %arg4: memref<128xi32, #tpu.memory_space<vmem>>, %arg5: memref<128x128xf32, #tpu.memory_space<vmem>>, %arg6: memref<10240x128xf32, #tpu.memory_space<vmem_shared>>) attributes {dimension_semantics = [#tpu.dimension_semantics<core_parallel>, #tpu.dimension_semantics<subcore_parallel>], iteration_bounds = array<i64: 2, 16>, scalar_prefetch = 0 : i64, scratch_operands = 3 : i64, tpu.core_type = #tpu.core_type<sc_vector_subcore>, window_params = [{transform_indices = #map}, {transform_indices = #map1}]} {
    %mul3A = arith.constant 16 : i32
    %mul3A_0 = arith.muli %arg0, %mul3A : i32
    %add3A = arith.addi %mul3A_0, %arg1 : i32
    %scan3A = arith.constant 0 : i32
    %scan3A_1 = arith.constant 0 : i32
    %scan3A_2 = arith.constant 128 : i32
    %scan3A_3 = arith.addi %scan3A_1, %scan3A_2 : i32
    %scan3A_4 = arith.constant 1 : i32
    %scan3A_5 = scf.for %scan3A_36 = %scan3A_1 to %scan3A_3 step %scan3A_4 iter_args(%scan3A_37 = %scan3A) -> (i32)  : i32 {
      %broadcast_in_dim3A = arith.constant 0.000000e+00 : f32
      %broadcast_in_dim3A_38 = vector.broadcast %broadcast_in_dim3A : f32 to vector<16xf32>
      %swap3A = arith.index_cast %scan3A_36 : i32 to index
      %swap3A_39 = arith.constant 0 : index
      %swap3A_40 = tpu.vector_load %arg5[%swap3A, %swap3A_39] {strides = array<i32>} : memref<128x128xf32, #tpu.memory_space<vmem>>, vector<1x16xf32>,
      %swap3A_41 = vector.shape_cast %swap3A_40 : vector<1x16xf32> to vector<16xf32>
      %swap3A_42 = vector.shape_cast %broadcast_in_dim3A_38 : vector<16xf32> to vector<1x16xf32>
      tpu.vector_store %arg5[%swap3A, %swap3A_39], %swap3A_42 {strides = array<i32>} : memref<128x128xf32, #tpu.memory_space<vmem>>, vector<1x16xf32>,
      %broadcast_in_dim3A_43 = arith.constant 0.000000e+00 : f32
      %broadcast_in_dim3A_44 = vector.broadcast %broadcast_in_dim3A_43 : f32 to vector<16xf32>
      %swap3A_45 = arith.index_cast %scan3A_36 : i32 to index
      %swap3A_46 = arith.constant 16 : index
      %swap3A_47 = tpu.vector_load %arg5[%swap3A_45, %swap3A_46] {strides = array<i32>} : memref<128x128xf32, #tpu.memory_space<vmem>>, vector<1x16xf32>,
      %swap3A_48 = vector.shape_cast %swap3A_47 : vector<1x16xf32> to vector<16xf32>
      %swap3A_49 = vector.shape_cast %broadcast_in_dim3A_44 : vector<16xf32> to vector<1x16xf32>
      tpu.vector_store %arg5[%swap3A_45, %swap3A_46], %swap3A_49 {strides = array<i32>} : memref<128x128xf32, #tpu.memory_space<vmem>>, vector<1x16xf32>,
      %broadcast_in_dim3A_50 = arith.constant 0.000000e+00 : f32
      %broadcast_in_dim3A_51 = vector.broadcast %broadcast_in_dim3A_50 : f32 to vector<16xf32>
      %swap3A_52 = arith.index_cast %scan3A_36 : i32 to index
      %swap3A_53 = arith.constant 32 : index
      %swap3A_54 = tpu.vector_load %arg5[%swap3A_52, %swap3A_53] {strides = array<i32>} : memref<128x128xf32, #tpu.memory_space<vmem>>, vector<1x16xf32>,
      %swap3A_55 = vector.shape_cast %swap3A_54 : vector<1x16xf32> to vector<16xf32>
      %swap3A_56 = vector.shape_cast %broadcast_in_dim3A_51 : vector<16xf32> to vector<1x16xf32>
      tpu.vector_store %arg5[%swap3A_52, %swap3A_53], %swap3A_56 {strides = array<i32>} : memref<128x128xf32, #tpu.memory_space<vmem>>, vector<1x16xf32>,
      %broadcast_in_dim3A_57 = arith.constant 0.000000e+00 : f32
      %broadcast_in_dim3A_58 = vector.broadcast %broadcast_in_dim3A_57 : f32 to vector<16xf32>
      %swap3A_59 = arith.index_cast %scan3A_36 : i32 to index
      %swap3A_60 = arith.constant 48 : index
      %swap3A_61 = tpu.vector_load %arg5[%swap3A_59, %swap3A_60] {strides = array<i32>} : memref<128x128xf32, #tpu.memory_space<vmem>>, vector<1x16xf32>,
      %swap3A_62 = vector.shape_cast %swap3A_61 : vector<1x16xf32> to vector<16xf32>
      %swap3A_63 = vector.shape_cast %broadcast_in_dim3A_58 : vector<16xf32> to vector<1x16xf32>
      tpu.vector_store %arg5[%swap3A_59, %swap3A_60], %swap3A_63 {strides = array<i32>} : memref<128x128xf32, #tpu.memory_space<vmem>>, vector<1x16xf32>,
      %broadcast_in_dim3A_64 = arith.constant 0.000000e+00 : f32
      %broadcast_in_dim3A_65 = vector.broadcast %broadcast_in_dim3A_64 : f32 to vector<16xf32>
      %swap3A_66 = arith.index_cast %scan3A_36 : i32 to index
      %swap3A_67 = arith.constant 64 : index
      %swap3A_68 = tpu.vector_load %arg5[%swap3A_66, %swap3A_67] {strides = array<i32>} : memref<128x128xf32, #tpu.memory_space<vmem>>, vector<1x16xf32>,
      %swap3A_69 = vector.shape_cast %swap3A_68 : vector<1x16xf32> to vector<16xf32>
      %swap3A_70 = vector.shape_cast %broadcast_in_dim3A_65 : vector<16xf32> to vector<1x16xf32>
      tpu.vector_store %arg5[%swap3A_66, %swap3A_67], %swap3A_70 {strides = array<i32>} : memref<128x128xf32, #tpu.memory_space<vmem>>, vector<1x16xf32>,
      %broadcast_in_dim3A_71 = arith.constant 0.000000e+00 : f32
      %broadcast_in_dim3A_72 = vector.broadcast %broadcast_in_dim3A_71 : f32 to vector<16xf32>
      %swap3A_73 = arith.index_cast %scan3A_36 : i32 to index
      %swap3A_74 = arith.constant 80 : index
      %swap3A_75 = tpu.vector_load %arg5[%swap3A_73, %swap3A_74] {strides = array<i32>} : memref<128x128xf32, #tpu.memory_space<vmem>>, vector<1x16xf32>,
      %swap3A_76 = vector.shape_cast %swap3A_75 : vector<1x16xf32> to vector<16xf32>
      %swap3A_77 = vector.shape_cast %broadcast_in_dim3A_72 : vector<16xf32> to vector<1x16xf32>
      tpu.vector_store %arg5[%swap3A_73, %swap3A_74], %swap3A_77 {strides = array<i32>} : memref<128x128xf32, #tpu.memory_space<vmem>>, vector<1x16xf32>,
      %broadcast_in_dim3A_78 = arith.constant 0.000000e+00 : f32
      %broadcast_in_dim3A_79 = vector.broadcast %broadcast_in_dim3A_78 : f32 to vector<16xf32>
      %swap3A_80 = arith.index_cast %scan3A_36 : i32 to index
      %swap3A_81 = arith.constant 96 : index
      %swap3A_82 = tpu.vector_load %arg5[%swap3A_80, %swap3A_81] {strides = array<i32>} : memref<128x128xf32, #tpu.memory_space<vmem>>, vector<1x16xf32>,
      %swap3A_83 = vector.shape_cast %swap3A_82 : vector<1x16xf32> to vector<16xf32>
      %swap3A_84 = vector.shape_cast %broadcast_in_dim3A_79 : vector<16xf32> to vector<1x16xf32>
      tpu.vector_store %arg5[%swap3A_80, %swap3A_81], %swap3A_84 {strides = array<i32>} : memref<128x128xf32, #tpu.memory_space<vmem>>, vector<1x16xf32>,
      %broadcast_in_dim3A_85 = arith.constant 0.000000e+00 : f32
      %broadcast_in_dim3A_86 = vector.broadcast %broadcast_in_dim3A_85 : f32 to vector<16xf32>
      %swap3A_87 = arith.index_cast %scan3A_36 : i32 to index
      %swap3A_88 = arith.constant 112 : index
      %swap3A_89 = tpu.vector_load %arg5[%swap3A_87, %swap3A_88] {strides = array<i32>} : memref<128x128xf32, #tpu.memory_space<vmem>>, vector<1x16xf32>,
      %swap3A_90 = vector.shape_cast %swap3A_89 : vector<1x16xf32> to vector<16xf32>
      %swap3A_91 = vector.shape_cast %broadcast_in_dim3A_86 : vector<16xf32> to vector<1x16xf32>
      tpu.vector_store %arg5[%swap3A_87, %swap3A_88], %swap3A_91 {strides = array<i32>} : memref<128x128xf32, #tpu.memory_space<vmem>>, vector<1x16xf32>,
      %scan3A_92 = arith.constant 0 : i32
      scf.yield %scan3A_92 : i32
    }
    %scan3A_6 = arith.constant 128 : i32
    %scan3A_7 = arith.constant 0 : i32
    %scan3A_8 = arith.constant 0 : i32
    %scan3A_9 = arith.constant 5 : i32
    %scan3A_10 = arith.addi %scan3A_8, %scan3A_9 : i32
    %scan3A_11 = arith.constant 1 : i32
    %scan3A_12 = scf.for %scan3A_36 = %scan3A_8 to %scan3A_10 step %scan3A_11 iter_args(%scan3A_37 = %scan3A_7) -> (i32)  : i32 {
      %mul3A_38 = arith.constant 640 : i32
      %mul3A_39 = arith.muli %arg1, %mul3A_38 : i32
      %mul3A_40 = arith.constant 128 : i32
      %mul3A_41 = arith.muli %scan3A_36, %mul3A_40 : i32
      %add3A_42 = arith.addi %mul3A_39, %mul3A_41 : i32
      "tpu.region"() ({
        %run_scoped3A = tpu.sem_alloc : memref<!tpu.dma_semaphore, #tpu.memory_space<semaphore_mem>>
        %dma_start3A = arith.constant 0 : i32
        %dma_start3A_44 = tpu.memref_slice %arg6[%add3A_42, %dma_start3A] : memref<10240x128xf32, #tpu.memory_space<vmem_shared>> -> memref<128x128xf32, #tpu.memory_space<vmem_shared>>
        %dma_start3A_45 = arith.constant 0 : i32
        %dma_start3A_46 = tpu.memref_slice %arg6[%add3A_42, %dma_start3A_45] : memref<10240x128xf32, #tpu.memory_space<vmem_shared>> -> memref<128x128xf32, #tpu.memory_space<vmem_shared>>
        tpu.enqueue_dma source(%arg5 : memref<128x128xf32, #tpu.memory_space<vmem>>) target(%dma_start3A_46 : memref<128x128xf32, #tpu.memory_space<vmem_shared>>) target_semaphore(%run_scoped3A : memref<!tpu.dma_semaphore, #tpu.memory_space<semaphore_mem>>)
        %dma_wait3A = arith.constant 0 : i32
        %dma_wait3A_47 = tpu.memref_slice %arg6[%add3A_42, %dma_wait3A] : memref<10240x128xf32, #tpu.memory_space<vmem_shared>> -> memref<128x128xf32, #tpu.memory_space<vmem_shared>>
        %dma_wait3A_48 = arith.constant 0 : i32
        %dma_wait3A_49 = tpu.memref_slice %arg6[%add3A_42, %dma_wait3A_48] : memref<10240x128xf32, #tpu.memory_space<vmem_shared>> -> memref<128x128xf32, #tpu.memory_space<vmem_shared>>
        tpu.wait_dma2 semaphore(%run_scoped3A : memref<!tpu.dma_semaphore, #tpu.memory_space<semaphore_mem>>) src(%arg5 : memref<128x128xf32, #tpu.memory_space<vmem>>) dst(%dma_wait3A_49 : memref<128x128xf32, #tpu.memory_space<vmem_shared>>)
        tpu.yield
      }) : () -> ()
      %scan3A_43 = arith.constant 0 : i32
      scf.yield %scan3A_43 : i32
    }
    %scan3A_13 = arith.constant 5 : i32
    %scan3A_14 = arith.constant 0 : i32
    %scan3A_15 = arith.constant 0 : i32
    %scan3A_16 = arith.constant 128 : i32
    %scan3A_17 = arith.addi %scan3A_15, %scan3A_16 : i32
    %scan3A_18 = arith.constant 1 : i32
    %scan3A_19 = scf.for %scan3A_36 = %scan3A_15 to %scan3A_17 step %scan3A_18 iter_args(%scan3A_37 = %scan3A_14) -> (i32)  : i32 {
      %broadcast_in_dim3A = arith.constant 1.000000e+00 : f32
      %broadcast_in_dim3A_38 = vector.broadcast %broadcast_in_dim3A : f32 to vector<16xf32>
      %swap3A = arith.index_cast %scan3A_36 : i32 to index
      %swap3A_39 = arith.constant 0 : index
      %swap3A_40 = tpu.vector_load %arg5[%swap3A, %swap3A_39] {strides = array<i32>} : memref<128x128xf32, #tpu.memory_space<vmem>>, vector<1x16xf32>,
      %swap3A_41 = vector.shape_cast %swap3A_40 : vector<1x16xf32> to vector<16xf32>
      %swap3A_42 = vector.shape_cast %broadcast_in_dim3A_38 : vector<16xf32> to vector<1x16xf32>
      tpu.vector_store %arg5[%swap3A, %swap3A_39], %swap3A_42 {strides = array<i32>} : memref<128x128xf32, #tpu.memory_space<vmem>>, vector<1x16xf32>,
      %broadcast_in_dim3A_43 = arith.constant 1.000000e+00 : f32
      %broadcast_in_dim3A_44 = vector.broadcast %broadcast_in_dim3A_43 : f32 to vector<16xf32>
      %swap3A_45 = arith.index_cast %scan3A_36 : i32 to index
      %swap3A_46 = arith.constant 16 : index
      %swap3A_47 = tpu.vector_load %arg5[%swap3A_45, %swap3A_46] {strides = array<i32>} : memref<128x128xf32, #tpu.memory_space<vmem>>, vector<1x16xf32>,
      %swap3A_48 = vector.shape_cast %swap3A_47 : vector<1x16xf32> to vector<16xf32>
      %swap3A_49 = vector.shape_cast %broadcast_in_dim3A_44 : vector<16xf32> to vector<1x16xf32>
      tpu.vector_store %arg5[%swap3A_45, %swap3A_46], %swap3A_49 {strides = array<i32>} : memref<128x128xf32, #tpu.memory_space<vmem>>, vector<1x16xf32>,
      %broadcast_in_dim3A_50 = arith.constant 1.000000e+00 : f32
      %broadcast_in_dim3A_51 = vector.broadcast %broadcast_in_dim3A_50 : f32 to vector<16xf32>
      %swap3A_52 = arith.index_cast %scan3A_36 : i32 to index
      %swap3A_53 = arith.constant 32 : index
      %swap3A_54 = tpu.vector_load %arg5[%swap3A_52, %swap3A_53] {strides = array<i32>} : memref<128x128xf32, #tpu.memory_space<vmem>>, vector<1x16xf32>,
      %swap3A_55 = vector.shape_cast %swap3A_54 : vector<1x16xf32> to vector<16xf32>
      %swap3A_56 = vector.shape_cast %broadcast_in_dim3A_51 : vector<16xf32> to vector<1x16xf32>
      tpu.vector_store %arg5[%swap3A_52, %swap3A_53], %swap3A_56 {strides = array<i32>} : memref<128x128xf32, #tpu.memory_space<vmem>>, vector<1x16xf32>,
      %broadcast_in_dim3A_57 = arith.constant 1.000000e+00 : f32
      %broadcast_in_dim3A_58 = vector.broadcast %broadcast_in_dim3A_57 : f32 to vector<16xf32>
      %swap3A_59 = arith.index_cast %scan3A_36 : i32 to index
      %swap3A_60 = arith.constant 48 : index
      %swap3A_61 = tpu.vector_load %arg5[%swap3A_59, %swap3A_60] {strides = array<i32>} : memref<128x128xf32, #tpu.memory_space<vmem>>, vector<1x16xf32>,
      %swap3A_62 = vector.shape_cast %swap3A_61 : vector<1x16xf32> to vector<16xf32>
      %swap3A_63 = vector.shape_cast %broadcast_in_dim3A_58 : vector<16xf32> to vector<1x16xf32>
      tpu.vector_store %arg5[%swap3A_59, %swap3A_60], %swap3A_63 {strides = array<i32>} : memref<128x128xf32, #tpu.memory_space<vmem>>, vector<1x16xf32>,
      %broadcast_in_dim3A_64 = arith.constant 1.000000e+00 : f32
      %broadcast_in_dim3A_65 = vector.broadcast %broadcast_in_dim3A_64 : f32 to vector<16xf32>
      %swap3A_66 = arith.index_cast %scan3A_36 : i32 to index
      %swap3A_67 = arith.constant 64 : index
      %swap3A_68 = tpu.vector_load %arg5[%swap3A_66, %swap3A_67] {strides = array<i32>} : memref<128x128xf32, #tpu.memory_space<vmem>>, vector<1x16xf32>,
      %swap3A_69 = vector.shape_cast %swap3A_68 : vector<1x16xf32> to vector<16xf32>
      %swap3A_70 = vector.shape_cast %broadcast_in_dim3A_65 : vector<16xf32> to vector<1x16xf32>
      tpu.vector_store %arg5[%swap3A_66, %swap3A_67], %swap3A_70 {strides = array<i32>} : memref<128x128xf32, #tpu.memory_space<vmem>>, vector<1x16xf32>,
      %broadcast_in_dim3A_71 = arith.constant 1.000000e+00 : f32
      %broadcast_in_dim3A_72 = vector.broadcast %broadcast_in_dim3A_71 : f32 to vector<16xf32>
      %swap3A_73 = arith.index_cast %scan3A_36 : i32 to index
      %swap3A_74 = arith.constant 80 : index
      %swap3A_75 = tpu.vector_load %arg5[%swap3A_73, %swap3A_74] {strides = array<i32>} : memref<128x128xf32, #tpu.memory_space<vmem>>, vector<1x16xf32>,
      %swap3A_76 = vector.shape_cast %swap3A_75 : vector<1x16xf32> to vector<16xf32>
      %swap3A_77 = vector.shape_cast %broadcast_in_dim3A_72 : vector<16xf32> to vector<1x16xf32>
      tpu.vector_store %arg5[%swap3A_73, %swap3A_74], %swap3A_77 {strides = array<i32>} : memref<128x128xf32, #tpu.memory_space<vmem>>, vector<1x16xf32>,
      %broadcast_in_dim3A_78 = arith.constant 1.000000e+00 : f32
      %broadcast_in_dim3A_79 = vector.broadcast %broadcast_in_dim3A_78 : f32 to vector<16xf32>
      %swap3A_80 = arith.index_cast %scan3A_36 : i32 to index
      %swap3A_81 = arith.constant 96 : index
      %swap3A_82 = tpu.vector_load %arg5[%swap3A_80, %swap3A_81] {strides = array<i32>} : memref<128x128xf32, #tpu.memory_space<vmem>>, vector<1x16xf32>,
      %swap3A_83 = vector.shape_cast %swap3A_82 : vector<1x16xf32> to vector<16xf32>
      %swap3A_84 = vector.shape_cast %broadcast_in_dim3A_79 : vector<16xf32> to vector<1x16xf32>
      tpu.vector_store %arg5[%swap3A_80, %swap3A_81], %swap3A_84 {strides = array<i32>} : memref<128x128xf32, #tpu.memory_space<vmem>>, vector<1x16xf32>,
      %broadcast_in_dim3A_85 = arith.constant 1.000000e+00 : f32
      %broadcast_in_dim3A_86 = vector.broadcast %broadcast_in_dim3A_85 : f32 to vector<16xf32>
      %swap3A_87 = arith.index_cast %scan3A_36 : i32 to index
      %swap3A_88 = arith.constant 112 : index
      %swap3A_89 = tpu.vector_load %arg5[%swap3A_87, %swap3A_88] {strides = array<i32>} : memref<128x128xf32, #tpu.memory_space<vmem>>, vector<1x16xf32>,
      %swap3A_90 = vector.shape_cast %swap3A_89 : vector<1x16xf32> to vector<16xf32>
      %swap3A_91 = vector.shape_cast %broadcast_in_dim3A_86 : vector<16xf32> to vector<1x16xf32>
      tpu.vector_store %arg5[%swap3A_87, %swap3A_88], %swap3A_91 {strides = array<i32>} : memref<128x128xf32, #tpu.memory_space<vmem>>, vector<1x16xf32>,
      %scan3A_92 = arith.constant 0 : i32
      scf.yield %scan3A_92 : i32
    }
    %scan3A_20 = arith.constant 128 : i32
    %barrier3A = arith.constant 0 : index
    tpu.barrier barrier_id(%barrier3A)
    %scan3A_21 = arith.constant 0 : i32
    %scan3A_22 = arith.constant 0 : i32
    %scan3A_23 = arith.constant 80 : i32
    %scan3A_24 = arith.addi %scan3A_22, %scan3A_23 : i32
    %scan3A_25 = arith.constant 1 : i32
    %scan3A_26 = scf.for %scan3A_36 = %scan3A_22 to %scan3A_24 step %scan3A_25 iter_args(%scan3A_37 = %scan3A_21) -> (i32)  : i32 {
      %mul3A_38 = arith.constant 10240 : i32
      %mul3A_39 = arith.muli %add3A, %mul3A_38 : i32
      %mul3A_40 = arith.constant 128 : i32
      %mul3A_41 = arith.muli %scan3A_36, %mul3A_40 : i32
      %add3A_42 = arith.addi %mul3A_39, %mul3A_41 : i32
      "tpu.region"() ({
        %run_scoped3A = tpu.sem_alloc : memref<!tpu.dma_semaphore, #tpu.memory_space<semaphore_mem>>
        %dma_start3A = tpu.memref_slice %arg2[%add3A_42] : memref<327680xi32, #tpu.memory_space<hbm>> -> memref<128xi32, #tpu.memory_space<hbm>>
        %dma_start3A_44 = tpu.memref_slice %arg2[%add3A_42] : memref<327680xi32, #tpu.memory_space<hbm>> -> memref<128xi32, #tpu.memory_space<hbm>>
        tpu.enqueue_dma source(%dma_start3A_44 : memref<128xi32, #tpu.memory_space<hbm>>) target(%arg4 : memref<128xi32, #tpu.memory_space<vmem>>) target_semaphore(%run_scoped3A : memref<!tpu.dma_semaphore, #tpu.memory_space<semaphore_mem>>)
        %dma_wait3A = tpu.memref_slice %arg2[%add3A_42] : memref<327680xi32, #tpu.memory_space<hbm>> -> memref<128xi32, #tpu.memory_space<hbm>>
        %dma_wait3A_45 = tpu.memref_slice %arg2[%add3A_42] : memref<327680xi32, #tpu.memory_space<hbm>> -> memref<128xi32, #tpu.memory_space<hbm>>
        tpu.wait_dma2 semaphore(%run_scoped3A : memref<!tpu.dma_semaphore, #tpu.memory_space<semaphore_mem>>) src(%dma_wait3A_45 : memref<128xi32, #tpu.memory_space<hbm>>) dst(%arg4 : memref<128xi32, #tpu.memory_space<vmem>>)
        tpu.yield
      }) : () -> ()
      "tpu.region"() ({
        %run_scoped3A = tpu.sem_alloc : memref<!tpu.dma_semaphore, #tpu.memory_space<semaphore_mem>>
        %dma_start3A = arith.constant 0 : i32
        %dma_start3A_44 = arith.constant 0 : i32
        %dma_start3A_45 = tpu.memref_slice %arg6[%dma_start3A, %dma_start3A_44] : memref<10240x128xf32, #tpu.memory_space<vmem_shared>> -> memref<10240x128xf32, #tpu.memory_space<vmem_shared>>
        tpu.enqueue_indirect_dma source(%arg5 : memref<128x128xf32, #tpu.memory_space<vmem>>) target(%dma_start3A_45 : memref<10240x128xf32, #tpu.memory_space<vmem_shared>>) offsets(%arg4 : memref<128xi32, #tpu.memory_space<vmem>>) semaphore(%run_scoped3A : memref<!tpu.dma_semaphore, #tpu.memory_space<semaphore_mem>>) {add = true}
        %dma_wait3A = arith.constant 0 : i32
        %dma_wait3A_46 = arith.constant 0 : i32
        %dma_wait3A_47 = tpu.memref_slice %arg6[%dma_wait3A, %dma_wait3A_46] : memref<10240x128xf32, #tpu.memory_space<vmem_shared>> -> memref<10240x128xf32, #tpu.memory_space<vmem_shared>>
        tpu.wait_indirect_dma semaphore(%run_scoped3A : memref<!tpu.dma_semaphore, #tpu.memory_space<semaphore_mem>>) src(%arg5 : memref<128x128xf32, #tpu.memory_space<vmem>>) dst(%dma_wait3A_47 : memref<10240x128xf32, #tpu.memory_space<vmem_shared>>)
        tpu.yield
      }) : () -> ()
      %scan3A_43 = arith.constant 0 : i32
      scf.yield %scan3A_43 : i32
    }
    %scan3A_27 = arith.constant 80 : i32
    %barrier3A_28 = arith.constant 0 : index
    tpu.barrier barrier_id(%barrier3A_28)
    %mul3A_29 = arith.constant 640 : i32
    %mul3A_30 = arith.muli %arg1, %mul3A_29 : i32
    %mul3A_31 = arith.constant 10240 : i32
    %mul3A_32 = arith.muli %arg0, %mul3A_31 : i32
    %mul3A_33 = arith.constant 640 : i32
    %mul3A_34 = arith.muli %arg1, %mul3A_33 : i32
    %add3A_35 = arith.addi %mul3A_32, %mul3A_34 : i32
    "tpu.region"() ({
      %run_scoped3A = tpu.sem_alloc : memref<!tpu.dma_semaphore, #tpu.memory_space<semaphore_mem>>
      %dma_start3A = arith.constant 0 : i32
      %dma_start3A_36 = tpu.memref_slice %arg3[%add3A_35, %dma_start3A] : memref<20480x128xf32, #tpu.memory_space<hbm>> -> memref<640x128xf32, #tpu.memory_space<hbm>>
      %dma_start3A_37 = arith.constant 0 : i32
      %dma_start3A_38 = tpu.memref_slice %arg6[%mul3A_30, %dma_start3A_37] : memref<10240x128xf32, #tpu.memory_space<vmem_shared>> -> memref<640x128xf32, #tpu.memory_space<vmem_shared>>
      tpu.enqueue_dma source(%dma_start3A_38 : memref<640x128xf32, #tpu.memory_space<vmem_shared>>) target(%dma_start3A_36 : memref<640x128xf32, #tpu.memory_space<hbm>>) target_semaphore(%run_scoped3A : memref<!tpu.dma_semaphore, #tpu.memory_space<semaphore_mem>>)
      %dma_wait3A = arith.constant 0 : i32
      %dma_wait3A_39 = tpu.memref_slice %arg3[%add3A_35, %dma_wait3A] : memref<20480x128xf32, #tpu.memory_space<hbm>> -> memref<640x128xf32, #tpu.memory_space<hbm>>
      %dma_wait3A_40 = arith.constant 0 : i32
      %dma_wait3A_41 = tpu.memref_slice %arg6[%mul3A_30, %dma_wait3A_40] : memref<10240x128xf32, #tpu.memory_space<vmem_shared>> -> memref<640x128xf32, #tpu.memory_space<vmem_shared>>
      tpu.wait_dma2 semaphore(%run_scoped3A : memref<!tpu.dma_semaphore, #tpu.memory_space<semaphore_mem>>) src(%dma_wait3A_41 : memref<640x128xf32, #tpu.memory_space<vmem_shared>>) dst(%dma_wait3A_39 : memref<640x128xf32, #tpu.memory_space<hbm>>)
      tpu.yield
    }) : () -> ()
    return
  }
}

#map = affine_map<(d0, d1) -> (0, 0)>
#map1 = affine_map<(d0, d1) -> (0)>
module attributes {stable_mosaic.version = 14 : i64} {
  func.func @k(%arg0: i32, %arg1: i32, %arg2: memref<20480x128xf32, #tpu.memory_space<hbm>>, %arg3: memref<327680xi32, #tpu.memory_space<hbm>>, %arg4: memref<327680xi32, #tpu.memory_space<hbm>>, %arg5: memref<20480x128xf32, #tpu.memory_space<hbm>>, %arg6: memref<128xi32, #tpu.memory_space<vmem>>, %arg7: memref<1x128xi32, #tpu.memory_space<vmem>>, %arg8: memref<128x128xf32, #tpu.memory_space<vmem>>, %arg9: memref<10240x128xf32, #tpu.memory_space<vmem_shared>>, %arg10: memref<!tpu.dma_semaphore, #tpu.memory_space<semaphore_mem>>) attributes {dimension_semantics = [#tpu.dimension_semantics<core_parallel>, #tpu.dimension_semantics<subcore_parallel>], iteration_bounds = array<i64: 2, 16>, scalar_prefetch = 0 : i64, scratch_operands = 5 : i64, tpu.core_type = #tpu.core_type<sc_vector_subcore>, window_params = [{transform_indices = #map}, {transform_indices = #map1}, {transform_indices = #map1}, {transform_indices = #map}]} {
    %mul3A = arith.constant 10240 : i32
    %mul3A_0 = arith.muli %arg0, %mul3A : i32
    %mul3A_1 = arith.constant 20480 : i32
    %mul3A_2 = arith.muli %arg1, %mul3A_1 : i32
    %mul3A_3 = arith.constant 640 : i32
    %mul3A_4 = arith.muli %arg1, %mul3A_3 : i32
    %add3A = arith.addi %mul3A_0, %mul3A_4 : i32
    %mul3A_5 = arith.constant 640 : i32
    %mul3A_6 = arith.muli %arg1, %mul3A_5 : i32
    "tpu.region"() ({
      %run_scoped3A = tpu.sem_alloc : memref<!tpu.dma_semaphore, #tpu.memory_space<semaphore_mem>>
      %dma_start3A = arith.constant 0 : i32
      %dma_start3A_19 = tpu.memref_slice %arg9[%mul3A_6, %dma_start3A] : memref<10240x128xf32, #tpu.memory_space<vmem_shared>> -> memref<640x128xf32, #tpu.memory_space<vmem_shared>>
      %dma_start3A_20 = arith.constant 0 : i32
      %dma_start3A_21 = tpu.memref_slice %arg2[%add3A, %dma_start3A_20] : memref<20480x128xf32, #tpu.memory_space<hbm>> -> memref<640x128xf32, #tpu.memory_space<hbm>>
      tpu.enqueue_dma source(%dma_start3A_21 : memref<640x128xf32, #tpu.memory_space<hbm>>) target(%dma_start3A_19 : memref<640x128xf32, #tpu.memory_space<vmem_shared>>) target_semaphore(%run_scoped3A : memref<!tpu.dma_semaphore, #tpu.memory_space<semaphore_mem>>)
      %dma_wait3A = arith.constant 0 : i32
      %dma_wait3A_22 = tpu.memref_slice %arg9[%mul3A_6, %dma_wait3A] : memref<10240x128xf32, #tpu.memory_space<vmem_shared>> -> memref<640x128xf32, #tpu.memory_space<vmem_shared>>
      %dma_wait3A_23 = arith.constant 0 : i32
      %dma_wait3A_24 = tpu.memref_slice %arg2[%add3A, %dma_wait3A_23] : memref<20480x128xf32, #tpu.memory_space<hbm>> -> memref<640x128xf32, #tpu.memory_space<hbm>>
      tpu.wait_dma2 semaphore(%run_scoped3A : memref<!tpu.dma_semaphore, #tpu.memory_space<semaphore_mem>>) src(%dma_wait3A_24 : memref<640x128xf32, #tpu.memory_space<hbm>>) dst(%dma_wait3A_22 : memref<640x128xf32, #tpu.memory_space<vmem_shared>>)
      tpu.yield
    }) : () -> ()
    %barrier3A = arith.constant 0 : index
    tpu.barrier barrier_id(%barrier3A)
    %scan3A = arith.constant 0 : i32
    %scan3A_7 = arith.constant 0 : i32
    %scan3A_8 = arith.constant 160 : i32
    %scan3A_9 = arith.addi %scan3A_7, %scan3A_8 : i32
    %scan3A_10 = arith.constant 1 : i32
    %scan3A_11 = scf.for %scan3A_19 = %scan3A_7 to %scan3A_9 step %scan3A_10 iter_args(%scan3A_20 = %scan3A) -> (i32)  : i32 {
      %mul3A_21 = arith.constant 128 : i32
      %mul3A_22 = arith.muli %scan3A_19, %mul3A_21 : i32
      %add3A_23 = arith.addi %mul3A_2, %mul3A_22 : i32
      "tpu.region"() ({
        %run_scoped3A_100 = tpu.sem_alloc : memref<!tpu.dma_semaphore, #tpu.memory_space<semaphore_mem>>
        %dma_start3A_101 = tpu.memref_slice %arg3[%add3A_23] : memref<327680xi32, #tpu.memory_space<hbm>> -> memref<128xi32, #tpu.memory_space<hbm>>
        %dma_start3A_102 = tpu.memref_slice %arg3[%add3A_23] : memref<327680xi32, #tpu.memory_space<hbm>> -> memref<128xi32, #tpu.memory_space<hbm>>
        tpu.enqueue_dma source(%dma_start3A_102 : memref<128xi32, #tpu.memory_space<hbm>>) target(%arg6 : memref<128xi32, #tpu.memory_space<vmem>>) target_semaphore(%run_scoped3A_100 : memref<!tpu.dma_semaphore, #tpu.memory_space<semaphore_mem>>)
        %dma_wait3A_103 = tpu.memref_slice %arg3[%add3A_23] : memref<327680xi32, #tpu.memory_space<hbm>> -> memref<128xi32, #tpu.memory_space<hbm>>
        %dma_wait3A_104 = tpu.memref_slice %arg3[%add3A_23] : memref<327680xi32, #tpu.memory_space<hbm>> -> memref<128xi32, #tpu.memory_space<hbm>>
        tpu.wait_dma2 semaphore(%run_scoped3A_100 : memref<!tpu.dma_semaphore, #tpu.memory_space<semaphore_mem>>) src(%dma_wait3A_104 : memref<128xi32, #tpu.memory_space<hbm>>) dst(%arg6 : memref<128xi32, #tpu.memory_space<vmem>>)
        tpu.yield
      }) : () -> ()
      %run_scoped3A = arith.constant 0 : i32
      "tpu.region"() ({
        %run_scoped3A_100 = tpu.sem_alloc : memref<!tpu.dma_semaphore, #tpu.memory_space<semaphore_mem>>
        %dma_start3A_101 = arith.constant 0 : i32
        %dma_start3A_102 = tpu.memref_slice %arg7[%run_scoped3A, %dma_start3A_101] : memref<1x128xi32, #tpu.memory_space<vmem>> -> memref<1x128xi32, #tpu.memory_space<vmem>>
        %dma_start3A_103 = tpu.memref_squeeze %dma_start3A_102 : memref<1x128xi32, #tpu.memory_space<vmem>> -> memref<128xi32, #tpu.memory_space<vmem>>
        %dma_start3A_104 = tpu.memref_slice %arg4[%add3A_23] : memref<327680xi32, #tpu.memory_space<hbm>> -> memref<128xi32, #tpu.memory_space<hbm>>
        %dma_start3A_105 = arith.constant 0 : i32
        %dma_start3A_106 = tpu.memref_slice %arg7[%run_scoped3A, %dma_start3A_105] : memref<1x128xi32, #tpu.memory_space<vmem>> -> memref<1x128xi32, #tpu.memory_space<vmem>>
        %dma_start3A_107 = tpu.memref_squeeze %dma_start3A_106 : memref<1x128xi32, #tpu.memory_space<vmem>> -> memref<128xi32, #tpu.memory_space<vmem>>
        %dma_start3A_108 = tpu.memref_slice %arg4[%add3A_23] : memref<327680xi32, #tpu.memory_space<hbm>> -> memref<128xi32, #tpu.memory_space<hbm>>
        tpu.enqueue_dma source(%dma_start3A_108 : memref<128xi32, #tpu.memory_space<hbm>>) target(%dma_start3A_107 : memref<128xi32, #tpu.memory_space<vmem>>) target_semaphore(%run_scoped3A_100 : memref<!tpu.dma_semaphore, #tpu.memory_space<semaphore_mem>>)
        %dma_wait3A_109 = arith.constant 0 : i32
        %dma_wait3A_110 = tpu.memref_slice %arg7[%run_scoped3A, %dma_wait3A_109] : memref<1x128xi32, #tpu.memory_space<vmem>> -> memref<1x128xi32, #tpu.memory_space<vmem>>
        %dma_wait3A_111 = tpu.memref_squeeze %dma_wait3A_110 : memref<1x128xi32, #tpu.memory_space<vmem>> -> memref<128xi32, #tpu.memory_space<vmem>>
        %dma_wait3A_112 = tpu.memref_slice %arg4[%add3A_23] : memref<327680xi32, #tpu.memory_space<hbm>> -> memref<128xi32, #tpu.memory_space<hbm>>
        %dma_wait3A_113 = arith.constant 0 : i32
        %dma_wait3A_114 = tpu.memref_slice %arg7[%run_scoped3A, %dma_wait3A_113] : memref<1x128xi32, #tpu.memory_space<vmem>> -> memref<1x128xi32, #tpu.memory_space<vmem>>
        %dma_wait3A_115 = tpu.memref_squeeze %dma_wait3A_114 : memref<1x128xi32, #tpu.memory_space<vmem>> -> memref<128xi32, #tpu.memory_space<vmem>>
        %dma_wait3A_116 = tpu.memref_slice %arg4[%add3A_23] : memref<327680xi32, #tpu.memory_space<hbm>> -> memref<128xi32, #tpu.memory_space<hbm>>
        tpu.wait_dma2 semaphore(%run_scoped3A_100 : memref<!tpu.dma_semaphore, #tpu.memory_space<semaphore_mem>>) src(%dma_wait3A_116 : memref<128xi32, #tpu.memory_space<hbm>>) dst(%dma_wait3A_115 : memref<128xi32, #tpu.memory_space<vmem>>)
        tpu.yield
      }) : () -> ()
      %get3A = arith.constant 0 : index
      %get3A_24 = tpu.vector_load %arg6[%get3A] {strides = array<i32>} : memref<128xi32, #tpu.memory_space<vmem>>, vector<16xi32>,
      %get3A_25 = vector.shape_cast %get3A_24 : vector<16xi32> to vector<16xi32>
      %add3A_26 = vector.broadcast %mul3A_0 : i32 to vector<16xi32>
      %add3A_27 = arith.addi %get3A_25, %add3A_26 : vector<16xi32>
      %swap3A = arith.constant 0 : index
      %swap3A_28 = tpu.vector_load %arg6[%swap3A] {strides = array<i32>} : memref<128xi32, #tpu.memory_space<vmem>>, vector<16xi32>,
      %swap3A_29 = vector.shape_cast %swap3A_28 : vector<16xi32> to vector<16xi32>
      %swap3A_30 = vector.shape_cast %add3A_27 : vector<16xi32> to vector<16xi32>
      tpu.vector_store %arg6[%swap3A], %swap3A_30 {strides = array<i32>} : memref<128xi32, #tpu.memory_space<vmem>>, vector<16xi32>,
      %get3A_31 = arith.constant 16 : index
      %get3A_32 = tpu.vector_load %arg6[%get3A_31] {strides = array<i32>} : memref<128xi32, #tpu.memory_space<vmem>>, vector<16xi32>,
      %get3A_33 = vector.shape_cast %get3A_32 : vector<16xi32> to vector<16xi32>
      %add3A_34 = vector.broadcast %mul3A_0 : i32 to vector<16xi32>
      %add3A_35 = arith.addi %get3A_33, %add3A_34 : vector<16xi32>
      %swap3A_36 = arith.constant 16 : index
      %swap3A_37 = tpu.vector_load %arg6[%swap3A_36] {strides = array<i32>} : memref<128xi32, #tpu.memory_space<vmem>>, vector<16xi32>,
      %swap3A_38 = vector.shape_cast %swap3A_37 : vector<16xi32> to vector<16xi32>
      %swap3A_39 = vector.shape_cast %add3A_35 : vector<16xi32> to vector<16xi32>
      tpu.vector_store %arg6[%swap3A_36], %swap3A_39 {strides = array<i32>} : memref<128xi32, #tpu.memory_space<vmem>>, vector<16xi32>,
      %get3A_40 = arith.constant 32 : index
      %get3A_41 = tpu.vector_load %arg6[%get3A_40] {strides = array<i32>} : memref<128xi32, #tpu.memory_space<vmem>>, vector<16xi32>,
      %get3A_42 = vector.shape_cast %get3A_41 : vector<16xi32> to vector<16xi32>
      %add3A_43 = vector.broadcast %mul3A_0 : i32 to vector<16xi32>
      %add3A_44 = arith.addi %get3A_42, %add3A_43 : vector<16xi32>
      %swap3A_45 = arith.constant 32 : index
      %swap3A_46 = tpu.vector_load %arg6[%swap3A_45] {strides = array<i32>} : memref<128xi32, #tpu.memory_space<vmem>>, vector<16xi32>,
      %swap3A_47 = vector.shape_cast %swap3A_46 : vector<16xi32> to vector<16xi32>
      %swap3A_48 = vector.shape_cast %add3A_44 : vector<16xi32> to vector<16xi32>
      tpu.vector_store %arg6[%swap3A_45], %swap3A_48 {strides = array<i32>} : memref<128xi32, #tpu.memory_space<vmem>>, vector<16xi32>,
      %get3A_49 = arith.constant 48 : index
      %get3A_50 = tpu.vector_load %arg6[%get3A_49] {strides = array<i32>} : memref<128xi32, #tpu.memory_space<vmem>>, vector<16xi32>,
      %get3A_51 = vector.shape_cast %get3A_50 : vector<16xi32> to vector<16xi32>
      %add3A_52 = vector.broadcast %mul3A_0 : i32 to vector<16xi32>
      %add3A_53 = arith.addi %get3A_51, %add3A_52 : vector<16xi32>
      %swap3A_54 = arith.constant 48 : index
      %swap3A_55 = tpu.vector_load %arg6[%swap3A_54] {strides = array<i32>} : memref<128xi32, #tpu.memory_space<vmem>>, vector<16xi32>,
      %swap3A_56 = vector.shape_cast %swap3A_55 : vector<16xi32> to vector<16xi32>
      %swap3A_57 = vector.shape_cast %add3A_53 : vector<16xi32> to vector<16xi32>
      tpu.vector_store %arg6[%swap3A_54], %swap3A_57 {strides = array<i32>} : memref<128xi32, #tpu.memory_space<vmem>>, vector<16xi32>,
      %get3A_58 = arith.constant 64 : index
      %get3A_59 = tpu.vector_load %arg6[%get3A_58] {strides = array<i32>} : memref<128xi32, #tpu.memory_space<vmem>>, vector<16xi32>,
      %get3A_60 = vector.shape_cast %get3A_59 : vector<16xi32> to vector<16xi32>
      %add3A_61 = vector.broadcast %mul3A_0 : i32 to vector<16xi32>
      %add3A_62 = arith.addi %get3A_60, %add3A_61 : vector<16xi32>
      %swap3A_63 = arith.constant 64 : index
      %swap3A_64 = tpu.vector_load %arg6[%swap3A_63] {strides = array<i32>} : memref<128xi32, #tpu.memory_space<vmem>>, vector<16xi32>,
      %swap3A_65 = vector.shape_cast %swap3A_64 : vector<16xi32> to vector<16xi32>
      %swap3A_66 = vector.shape_cast %add3A_62 : vector<16xi32> to vector<16xi32>
      tpu.vector_store %arg6[%swap3A_63], %swap3A_66 {strides = array<i32>} : memref<128xi32, #tpu.memory_space<vmem>>, vector<16xi32>,
      %get3A_67 = arith.constant 80 : index
      %get3A_68 = tpu.vector_load %arg6[%get3A_67] {strides = array<i32>} : memref<128xi32, #tpu.memory_space<vmem>>, vector<16xi32>,
      %get3A_69 = vector.shape_cast %get3A_68 : vector<16xi32> to vector<16xi32>
      %add3A_70 = vector.broadcast %mul3A_0 : i32 to vector<16xi32>
      %add3A_71 = arith.addi %get3A_69, %add3A_70 : vector<16xi32>
      %swap3A_72 = arith.constant 80 : index
      %swap3A_73 = tpu.vector_load %arg6[%swap3A_72] {strides = array<i32>} : memref<128xi32, #tpu.memory_space<vmem>>, vector<16xi32>,
      %swap3A_74 = vector.shape_cast %swap3A_73 : vector<16xi32> to vector<16xi32>
      %swap3A_75 = vector.shape_cast %add3A_71 : vector<16xi32> to vector<16xi32>
      tpu.vector_store %arg6[%swap3A_72], %swap3A_75 {strides = array<i32>} : memref<128xi32, #tpu.memory_space<vmem>>, vector<16xi32>,
      %get3A_76 = arith.constant 96 : index
      %get3A_77 = tpu.vector_load %arg6[%get3A_76] {strides = array<i32>} : memref<128xi32, #tpu.memory_space<vmem>>, vector<16xi32>,
      %get3A_78 = vector.shape_cast %get3A_77 : vector<16xi32> to vector<16xi32>
      %add3A_79 = vector.broadcast %mul3A_0 : i32 to vector<16xi32>
      %add3A_80 = arith.addi %get3A_78, %add3A_79 : vector<16xi32>
      %swap3A_81 = arith.constant 96 : index
      %swap3A_82 = tpu.vector_load %arg6[%swap3A_81] {strides = array<i32>} : memref<128xi32, #tpu.memory_space<vmem>>, vector<16xi32>,
      %swap3A_83 = vector.shape_cast %swap3A_82 : vector<16xi32> to vector<16xi32>
      %swap3A_84 = vector.shape_cast %add3A_80 : vector<16xi32> to vector<16xi32>
      tpu.vector_store %arg6[%swap3A_81], %swap3A_84 {strides = array<i32>} : memref<128xi32, #tpu.memory_space<vmem>>, vector<16xi32>,
      %get3A_85 = arith.constant 112 : index
      %get3A_86 = tpu.vector_load %arg6[%get3A_85] {strides = array<i32>} : memref<128xi32, #tpu.memory_space<vmem>>, vector<16xi32>,
      %get3A_87 = vector.shape_cast %get3A_86 : vector<16xi32> to vector<16xi32>
      %add3A_88 = vector.broadcast %mul3A_0 : i32 to vector<16xi32>
      %add3A_89 = arith.addi %get3A_87, %add3A_88 : vector<16xi32>
      %swap3A_90 = arith.constant 112 : index
      %swap3A_91 = tpu.vector_load %arg6[%swap3A_90] {strides = array<i32>} : memref<128xi32, #tpu.memory_space<vmem>>, vector<16xi32>,
      %swap3A_92 = vector.shape_cast %swap3A_91 : vector<16xi32> to vector<16xi32>
      %swap3A_93 = vector.shape_cast %add3A_89 : vector<16xi32> to vector<16xi32>
      tpu.vector_store %arg6[%swap3A_90], %swap3A_93 {strides = array<i32>} : memref<128xi32, #tpu.memory_space<vmem>>, vector<16xi32>,
      %dma_start3A = arith.constant 0 : i32
      %dma_start3A_94 = arith.constant 0 : i32
      %dma_start3A_95 = tpu.memref_slice %arg2[%dma_start3A, %dma_start3A_94] : memref<20480x128xf32, #tpu.memory_space<hbm>> -> memref<20480x128xf32, #tpu.memory_space<hbm>>
      tpu.enqueue_indirect_dma source(%dma_start3A_95 : memref<20480x128xf32, #tpu.memory_space<hbm>>) target(%arg8 : memref<128x128xf32, #tpu.memory_space<vmem>>) offsets(%arg6 : memref<128xi32, #tpu.memory_space<vmem>>) semaphore(%arg10 : memref<!tpu.dma_semaphore, #tpu.memory_space<semaphore_mem>>)
      %dma_wait3A = arith.constant 0 : i32
      %dma_wait3A_96 = arith.constant 0 : i32
      %dma_wait3A_97 = tpu.memref_slice %arg2[%dma_wait3A, %dma_wait3A_96] : memref<20480x128xf32, #tpu.memory_space<hbm>> -> memref<20480x128xf32, #tpu.memory_space<hbm>>
      tpu.wait_indirect_dma semaphore(%arg10 : memref<!tpu.dma_semaphore, #tpu.memory_space<semaphore_mem>>) src(%dma_wait3A_97 : memref<20480x128xf32, #tpu.memory_space<hbm>>) dst(%arg8 : memref<128x128xf32, #tpu.memory_space<vmem>>)
      %run_scoped3A_98 = arith.constant 0 : i32
      "tpu.region"() ({
        %run_scoped3A_100 = tpu.sem_alloc : memref<!tpu.dma_semaphore, #tpu.memory_space<semaphore_mem>>
        %dma_start3A_101 = arith.constant 0 : i32
        %dma_start3A_102 = tpu.memref_slice %arg7[%run_scoped3A_98, %dma_start3A_101] : memref<1x128xi32, #tpu.memory_space<vmem>> -> memref<1x128xi32, #tpu.memory_space<vmem>>
        %dma_start3A_103 = tpu.memref_squeeze %dma_start3A_102 : memref<1x128xi32, #tpu.memory_space<vmem>> -> memref<128xi32, #tpu.memory_space<vmem>>
        %dma_start3A_104 = arith.constant 0 : i32
        %dma_start3A_105 = arith.constant 0 : i32
        %dma_start3A_106 = tpu.memref_slice %arg9[%dma_start3A_104, %dma_start3A_105] : memref<10240x128xf32, #tpu.memory_space<vmem_shared>> -> memref<10240x128xf32, #tpu.memory_space<vmem_shared>>
        tpu.enqueue_indirect_dma source(%arg8 : memref<128x128xf32, #tpu.memory_space<vmem>>) target(%dma_start3A_106 : memref<10240x128xf32, #tpu.memory_space<vmem_shared>>) offsets(%dma_start3A_103 : memref<128xi32, #tpu.memory_space<vmem>>) semaphore(%run_scoped3A_100 : memref<!tpu.dma_semaphore, #tpu.memory_space<semaphore_mem>>) {add = true}
        %dma_wait3A_107 = arith.constant 0 : i32
        %dma_wait3A_108 = tpu.memref_slice %arg7[%run_scoped3A_98, %dma_wait3A_107] : memref<1x128xi32, #tpu.memory_space<vmem>> -> memref<1x128xi32, #tpu.memory_space<vmem>>
        %dma_wait3A_109 = tpu.memref_squeeze %dma_wait3A_108 : memref<1x128xi32, #tpu.memory_space<vmem>> -> memref<128xi32, #tpu.memory_space<vmem>>
        %dma_wait3A_110 = arith.constant 0 : i32
        %dma_wait3A_111 = arith.constant 0 : i32
        %dma_wait3A_112 = tpu.memref_slice %arg9[%dma_wait3A_110, %dma_wait3A_111] : memref<10240x128xf32, #tpu.memory_space<vmem_shared>> -> memref<10240x128xf32, #tpu.memory_space<vmem_shared>>
        tpu.wait_indirect_dma semaphore(%run_scoped3A_100 : memref<!tpu.dma_semaphore, #tpu.memory_space<semaphore_mem>>) src(%arg8 : memref<128x128xf32, #tpu.memory_space<vmem>>) dst(%dma_wait3A_112 : memref<10240x128xf32, #tpu.memory_space<vmem_shared>>)
        tpu.yield
      }) : () -> ()
      %scan3A_99 = arith.constant 0 : i32
      scf.yield %scan3A_99 : i32
    }
    %scan3A_12 = arith.constant 160 : i32
    %barrier3A_13 = arith.constant 0 : index
    tpu.barrier barrier_id(%barrier3A_13)
    %mul3A_14 = arith.constant 640 : i32
    %mul3A_15 = arith.muli %arg1, %mul3A_14 : i32
    %mul3A_16 = arith.constant 640 : i32
    %mul3A_17 = arith.muli %arg1, %mul3A_16 : i32
    %add3A_18 = arith.addi %mul3A_0, %mul3A_17 : i32
    "tpu.region"() ({
      %run_scoped3A = tpu.sem_alloc : memref<!tpu.dma_semaphore, #tpu.memory_space<semaphore_mem>>
      %dma_start3A = arith.constant 0 : i32
      %dma_start3A_19 = tpu.memref_slice %arg5[%add3A_18, %dma_start3A] : memref<20480x128xf32, #tpu.memory_space<hbm>> -> memref<640x128xf32, #tpu.memory_space<hbm>>
      %dma_start3A_20 = arith.constant 0 : i32
      %dma_start3A_21 = tpu.memref_slice %arg9[%mul3A_15, %dma_start3A_20] : memref<10240x128xf32, #tpu.memory_space<vmem_shared>> -> memref<640x128xf32, #tpu.memory_space<vmem_shared>>
      tpu.enqueue_dma source(%dma_start3A_21 : memref<640x128xf32, #tpu.memory_space<vmem_shared>>) target(%dma_start3A_19 : memref<640x128xf32, #tpu.memory_space<hbm>>) target_semaphore(%run_scoped3A : memref<!tpu.dma_semaphore, #tpu.memory_space<semaphore_mem>>)
      %dma_wait3A = arith.constant 0 : i32
      %dma_wait3A_22 = tpu.memref_slice %arg5[%add3A_18, %dma_wait3A] : memref<20480x128xf32, #tpu.memory_space<hbm>> -> memref<640x128xf32, #tpu.memory_space<hbm>>
      %dma_wait3A_23 = arith.constant 0 : i32
      %dma_wait3A_24 = tpu.memref_slice %arg9[%mul3A_15, %dma_wait3A_23] : memref<10240x128xf32, #tpu.memory_space<vmem_shared>> -> memref<640x128xf32, #tpu.memory_space<vmem_shared>>
      tpu.wait_dma2 semaphore(%run_scoped3A : memref<!tpu.dma_semaphore, #tpu.memory_space<semaphore_mem>>) src(%dma_wait3A_24 : memref<640x128xf32, #tpu.memory_space<vmem_shared>>) dst(%dma_wait3A_22 : memref<640x128xf32, #tpu.memory_space<hbm>>)
      tpu.yield
    }) : () -> ()
    return
  }
}

#map = affine_map<(d0, d1) -> (0, 0)>
#map1 = affine_map<(d0, d1) -> (0)>
module attributes {stable_mosaic.version = 14 : i64} {
  func.func @k(%arg0: i32, %arg1: i32, %arg2: memref<20480x128xf32, #tpu.memory_space<hbm>>, %arg3: memref<327680xi32, #tpu.memory_space<hbm>>, %arg4: memref<327680xi32, #tpu.memory_space<hbm>>, %arg5: memref<20480x128xf32, #tpu.memory_space<hbm>>, %arg6: memref<128xi32, #tpu.memory_space<vmem>>, %arg7: memref<1x128xi32, #tpu.memory_space<vmem>>, %arg8: memref<128x128xf32, #tpu.memory_space<vmem>>, %arg9: memref<10240x128xf32, #tpu.memory_space<vmem_shared>>, %arg10: memref<!tpu.dma_semaphore, #tpu.memory_space<semaphore_mem>>) attributes {dimension_semantics = [#tpu.dimension_semantics<core_parallel>, #tpu.dimension_semantics<subcore_parallel>], iteration_bounds = array<i64: 2, 16>, scalar_prefetch = 0 : i64, scratch_operands = 5 : i64, tpu.core_type = #tpu.core_type<sc_vector_subcore>, window_params = [{transform_indices = #map}, {transform_indices = #map1}, {transform_indices = #map1}, {transform_indices = #map}]} {
    %mul3A = arith.constant 10240 : i32
    %mul3A_0 = arith.muli %arg0, %mul3A : i32
    %mul3A_1 = arith.constant 16 : i32
    %mul3A_2 = arith.muli %arg0, %mul3A_1 : i32
    %add3A = arith.addi %mul3A_2, %arg1 : i32
    %mul3A_3 = arith.constant 10240 : i32
    %mul3A_4 = arith.muli %add3A, %mul3A_3 : i32
    %eq3A = arith.constant 0 : i32
    %eq3A_5 = arith.cmpi eq, %arg0, %eq3A : i32
    %convert_element_type3A = arith.extui %eq3A_5 : i1 to i32
    %cond3A = arith.constant 0 : i32
    %cond3A_6 = arith.cmpi ne, %convert_element_type3A, %cond3A : i32
    scf.if %cond3A_6 {
      %mul3A_23 = arith.constant 640 : i32
      %mul3A_24 = arith.muli %arg1, %mul3A_23 : i32
      %mul3A_25 = arith.constant 640 : i32
      %mul3A_26 = arith.muli %arg1, %mul3A_25 : i32
      "tpu.region"() ({
        %run_scoped3A = tpu.sem_alloc : memref<!tpu.dma_semaphore, #tpu.memory_space<semaphore_mem>>
        %dma_start3A = arith.constant 0 : i32
        %dma_start3A_27 = tpu.memref_slice %arg9[%mul3A_26, %dma_start3A] : memref<10240x128xf32, #tpu.memory_space<vmem_shared>> -> memref<640x128xf32, #tpu.memory_space<vmem_shared>>
        %dma_start3A_28 = arith.constant 0 : i32
        %dma_start3A_29 = tpu.memref_slice %arg2[%mul3A_24, %dma_start3A_28] : memref<20480x128xf32, #tpu.memory_space<hbm>> -> memref<640x128xf32, #tpu.memory_space<hbm>>
        tpu.enqueue_dma source(%dma_start3A_29 : memref<640x128xf32, #tpu.memory_space<hbm>>) target(%dma_start3A_27 : memref<640x128xf32, #tpu.memory_space<vmem_shared>>) target_semaphore(%run_scoped3A : memref<!tpu.dma_semaphore, #tpu.memory_space<semaphore_mem>>)
        %dma_wait3A = arith.constant 0 : i32
        %dma_wait3A_30 = tpu.memref_slice %arg9[%mul3A_26, %dma_wait3A] : memref<10240x128xf32, #tpu.memory_space<vmem_shared>> -> memref<640x128xf32, #tpu.memory_space<vmem_shared>>
        %dma_wait3A_31 = arith.constant 0 : i32
        %dma_wait3A_32 = tpu.memref_slice %arg2[%mul3A_24, %dma_wait3A_31] : memref<20480x128xf32, #tpu.memory_space<hbm>> -> memref<640x128xf32, #tpu.memory_space<hbm>>
        tpu.wait_dma2 semaphore(%run_scoped3A : memref<!tpu.dma_semaphore, #tpu.memory_space<semaphore_mem>>) src(%dma_wait3A_32 : memref<640x128xf32, #tpu.memory_space<hbm>>) dst(%dma_wait3A_30 : memref<640x128xf32, #tpu.memory_space<vmem_shared>>)
        tpu.yield
      }) : () -> ()
    } else {
    }
    %ne3A = arith.constant 0 : i32
    %ne3A_7 = arith.cmpi ne, %arg0, %ne3A : i32
    %convert_element_type3A_8 = arith.extui %ne3A_7 : i1 to i32
    %cond3A_9 = arith.constant 0 : i32
    %cond3A_10 = arith.cmpi ne, %convert_element_type3A_8, %cond3A_9 : i32
    scf.if %cond3A_10 {
      %scan3A_23 = arith.constant 0 : i32
      %scan3A_24 = arith.constant 0 : i32
      %scan3A_25 = arith.constant 128 : i32
      %scan3A_26 = arith.addi %scan3A_24, %scan3A_25 : i32
      %scan3A_27 = arith.constant 1 : i32
      %scan3A_28 = scf.for %scan3A_37 = %scan3A_24 to %scan3A_26 step %scan3A_27 iter_args(%scan3A_38 = %scan3A_23) -> (i32)  : i32 {
        %broadcast_in_dim3A = arith.constant 0.000000e+00 : f32
        %broadcast_in_dim3A_39 = vector.broadcast %broadcast_in_dim3A : f32 to vector<16xf32>
        %swap3A = arith.index_cast %scan3A_37 : i32 to index
        %swap3A_40 = arith.constant 0 : index
        %swap3A_41 = tpu.vector_load %arg8[%swap3A, %swap3A_40] {strides = array<i32>} : memref<128x128xf32, #tpu.memory_space<vmem>>, vector<1x16xf32>,
        %swap3A_42 = vector.shape_cast %swap3A_41 : vector<1x16xf32> to vector<16xf32>
        %swap3A_43 = vector.shape_cast %broadcast_in_dim3A_39 : vector<16xf32> to vector<1x16xf32>
        tpu.vector_store %arg8[%swap3A, %swap3A_40], %swap3A_43 {strides = array<i32>} : memref<128x128xf32, #tpu.memory_space<vmem>>, vector<1x16xf32>,
        %broadcast_in_dim3A_44 = arith.constant 0.000000e+00 : f32
        %broadcast_in_dim3A_45 = vector.broadcast %broadcast_in_dim3A_44 : f32 to vector<16xf32>
        %swap3A_46 = arith.index_cast %scan3A_37 : i32 to index
        %swap3A_47 = arith.constant 16 : index
        %swap3A_48 = tpu.vector_load %arg8[%swap3A_46, %swap3A_47] {strides = array<i32>} : memref<128x128xf32, #tpu.memory_space<vmem>>, vector<1x16xf32>,
        %swap3A_49 = vector.shape_cast %swap3A_48 : vector<1x16xf32> to vector<16xf32>
        %swap3A_50 = vector.shape_cast %broadcast_in_dim3A_45 : vector<16xf32> to vector<1x16xf32>
        tpu.vector_store %arg8[%swap3A_46, %swap3A_47], %swap3A_50 {strides = array<i32>} : memref<128x128xf32, #tpu.memory_space<vmem>>, vector<1x16xf32>,
        %broadcast_in_dim3A_51 = arith.constant 0.000000e+00 : f32
        %broadcast_in_dim3A_52 = vector.broadcast %broadcast_in_dim3A_51 : f32 to vector<16xf32>
        %swap3A_53 = arith.index_cast %scan3A_37 : i32 to index
        %swap3A_54 = arith.constant 32 : index
        %swap3A_55 = tpu.vector_load %arg8[%swap3A_53, %swap3A_54] {strides = array<i32>} : memref<128x128xf32, #tpu.memory_space<vmem>>, vector<1x16xf32>,
        %swap3A_56 = vector.shape_cast %swap3A_55 : vector<1x16xf32> to vector<16xf32>
        %swap3A_57 = vector.shape_cast %broadcast_in_dim3A_52 : vector<16xf32> to vector<1x16xf32>
        tpu.vector_store %arg8[%swap3A_53, %swap3A_54], %swap3A_57 {strides = array<i32>} : memref<128x128xf32, #tpu.memory_space<vmem>>, vector<1x16xf32>,
        %broadcast_in_dim3A_58 = arith.constant 0.000000e+00 : f32
        %broadcast_in_dim3A_59 = vector.broadcast %broadcast_in_dim3A_58 : f32 to vector<16xf32>
        %swap3A_60 = arith.index_cast %scan3A_37 : i32 to index
        %swap3A_61 = arith.constant 48 : index
        %swap3A_62 = tpu.vector_load %arg8[%swap3A_60, %swap3A_61] {strides = array<i32>} : memref<128x128xf32, #tpu.memory_space<vmem>>, vector<1x16xf32>,
        %swap3A_63 = vector.shape_cast %swap3A_62 : vector<1x16xf32> to vector<16xf32>
        %swap3A_64 = vector.shape_cast %broadcast_in_dim3A_59 : vector<16xf32> to vector<1x16xf32>
        tpu.vector_store %arg8[%swap3A_60, %swap3A_61], %swap3A_64 {strides = array<i32>} : memref<128x128xf32, #tpu.memory_space<vmem>>, vector<1x16xf32>,
        %broadcast_in_dim3A_65 = arith.constant 0.000000e+00 : f32
        %broadcast_in_dim3A_66 = vector.broadcast %broadcast_in_dim3A_65 : f32 to vector<16xf32>
        %swap3A_67 = arith.index_cast %scan3A_37 : i32 to index
        %swap3A_68 = arith.constant 64 : index
        %swap3A_69 = tpu.vector_load %arg8[%swap3A_67, %swap3A_68] {strides = array<i32>} : memref<128x128xf32, #tpu.memory_space<vmem>>, vector<1x16xf32>,
        %swap3A_70 = vector.shape_cast %swap3A_69 : vector<1x16xf32> to vector<16xf32>
        %swap3A_71 = vector.shape_cast %broadcast_in_dim3A_66 : vector<16xf32> to vector<1x16xf32>
        tpu.vector_store %arg8[%swap3A_67, %swap3A_68], %swap3A_71 {strides = array<i32>} : memref<128x128xf32, #tpu.memory_space<vmem>>, vector<1x16xf32>,
        %broadcast_in_dim3A_72 = arith.constant 0.000000e+00 : f32
        %broadcast_in_dim3A_73 = vector.broadcast %broadcast_in_dim3A_72 : f32 to vector<16xf32>
        %swap3A_74 = arith.index_cast %scan3A_37 : i32 to index
        %swap3A_75 = arith.constant 80 : index
        %swap3A_76 = tpu.vector_load %arg8[%swap3A_74, %swap3A_75] {strides = array<i32>} : memref<128x128xf32, #tpu.memory_space<vmem>>, vector<1x16xf32>,
        %swap3A_77 = vector.shape_cast %swap3A_76 : vector<1x16xf32> to vector<16xf32>
        %swap3A_78 = vector.shape_cast %broadcast_in_dim3A_73 : vector<16xf32> to vector<1x16xf32>
        tpu.vector_store %arg8[%swap3A_74, %swap3A_75], %swap3A_78 {strides = array<i32>} : memref<128x128xf32, #tpu.memory_space<vmem>>, vector<1x16xf32>,
        %broadcast_in_dim3A_79 = arith.constant 0.000000e+00 : f32
        %broadcast_in_dim3A_80 = vector.broadcast %broadcast_in_dim3A_79 : f32 to vector<16xf32>
        %swap3A_81 = arith.index_cast %scan3A_37 : i32 to index
        %swap3A_82 = arith.constant 96 : index
        %swap3A_83 = tpu.vector_load %arg8[%swap3A_81, %swap3A_82] {strides = array<i32>} : memref<128x128xf32, #tpu.memory_space<vmem>>, vector<1x16xf32>,
        %swap3A_84 = vector.shape_cast %swap3A_83 : vector<1x16xf32> to vector<16xf32>
        %swap3A_85 = vector.shape_cast %broadcast_in_dim3A_80 : vector<16xf32> to vector<1x16xf32>
        tpu.vector_store %arg8[%swap3A_81, %swap3A_82], %swap3A_85 {strides = array<i32>} : memref<128x128xf32, #tpu.memory_space<vmem>>, vector<1x16xf32>,
        %broadcast_in_dim3A_86 = arith.constant 0.000000e+00 : f32
        %broadcast_in_dim3A_87 = vector.broadcast %broadcast_in_dim3A_86 : f32 to vector<16xf32>
        %swap3A_88 = arith.index_cast %scan3A_37 : i32 to index
        %swap3A_89 = arith.constant 112 : index
        %swap3A_90 = tpu.vector_load %arg8[%swap3A_88, %swap3A_89] {strides = array<i32>} : memref<128x128xf32, #tpu.memory_space<vmem>>, vector<1x16xf32>,
        %swap3A_91 = vector.shape_cast %swap3A_90 : vector<1x16xf32> to vector<16xf32>
        %swap3A_92 = vector.shape_cast %broadcast_in_dim3A_87 : vector<16xf32> to vector<1x16xf32>
        tpu.vector_store %arg8[%swap3A_88, %swap3A_89], %swap3A_92 {strides = array<i32>} : memref<128x128xf32, #tpu.memory_space<vmem>>, vector<1x16xf32>,
        %scan3A_93 = arith.constant 0 : i32
        scf.yield %scan3A_93 : i32
      }
      %scan3A_29 = arith.constant 128 : i32
      %scan3A_30 = arith.constant 0 : i32
      %scan3A_31 = arith.constant 0 : i32
      %scan3A_32 = arith.constant 5 : i32
      %scan3A_33 = arith.addi %scan3A_31, %scan3A_32 : i32
      %scan3A_34 = arith.constant 1 : i32
      %scan3A_35 = scf.for %scan3A_37 = %scan3A_31 to %scan3A_33 step %scan3A_34 iter_args(%scan3A_38 = %scan3A_30) -> (i32)  : i32 {
        %mul3A_39 = arith.constant 640 : i32
        %mul3A_40 = arith.muli %arg1, %mul3A_39 : i32
        %mul3A_41 = arith.constant 128 : i32
        %mul3A_42 = arith.muli %scan3A_37, %mul3A_41 : i32
        %add3A_43 = arith.addi %mul3A_40, %mul3A_42 : i32
        "tpu.region"() ({
          %run_scoped3A = tpu.sem_alloc : memref<!tpu.dma_semaphore, #tpu.memory_space<semaphore_mem>>
          %dma_start3A = arith.constant 0 : i32
          %dma_start3A_45 = tpu.memref_slice %arg9[%add3A_43, %dma_start3A] : memref<10240x128xf32, #tpu.memory_space<vmem_shared>> -> memref<128x128xf32, #tpu.memory_space<vmem_shared>>
          %dma_start3A_46 = arith.constant 0 : i32
          %dma_start3A_47 = tpu.memref_slice %arg9[%add3A_43, %dma_start3A_46] : memref<10240x128xf32, #tpu.memory_space<vmem_shared>> -> memref<128x128xf32, #tpu.memory_space<vmem_shared>>
          tpu.enqueue_dma source(%arg8 : memref<128x128xf32, #tpu.memory_space<vmem>>) target(%dma_start3A_47 : memref<128x128xf32, #tpu.memory_space<vmem_shared>>) target_semaphore(%run_scoped3A : memref<!tpu.dma_semaphore, #tpu.memory_space<semaphore_mem>>)
          %dma_wait3A = arith.constant 0 : i32
          %dma_wait3A_48 = tpu.memref_slice %arg9[%add3A_43, %dma_wait3A] : memref<10240x128xf32, #tpu.memory_space<vmem_shared>> -> memref<128x128xf32, #tpu.memory_space<vmem_shared>>
          %dma_wait3A_49 = arith.constant 0 : i32
          %dma_wait3A_50 = tpu.memref_slice %arg9[%add3A_43, %dma_wait3A_49] : memref<10240x128xf32, #tpu.memory_space<vmem_shared>> -> memref<128x128xf32, #tpu.memory_space<vmem_shared>>
          tpu.wait_dma2 semaphore(%run_scoped3A : memref<!tpu.dma_semaphore, #tpu.memory_space<semaphore_mem>>) src(%arg8 : memref<128x128xf32, #tpu.memory_space<vmem>>) dst(%dma_wait3A_50 : memref<128x128xf32, #tpu.memory_space<vmem_shared>>)
          tpu.yield
        }) : () -> ()
        %scan3A_44 = arith.constant 0 : i32
        scf.yield %scan3A_44 : i32
      }
      %scan3A_36 = arith.constant 5 : i32
    } else {
    }
    %barrier3A = arith.constant 0 : index
    tpu.barrier barrier_id(%barrier3A)
    %scan3A = arith.constant 0 : i32
    %scan3A_11 = arith.constant 0 : i32
    %scan3A_12 = arith.constant 80 : i32
    %scan3A_13 = arith.addi %scan3A_11, %scan3A_12 : i32
    %scan3A_14 = arith.constant 1 : i32
    %scan3A_15 = scf.for %scan3A_23 = %scan3A_11 to %scan3A_13 step %scan3A_14 iter_args(%scan3A_24 = %scan3A) -> (i32)  : i32 {
      %mul3A_25 = arith.constant 128 : i32
      %mul3A_26 = arith.muli %scan3A_23, %mul3A_25 : i32
      %add3A_27 = arith.addi %mul3A_4, %mul3A_26 : i32
      "tpu.region"() ({
        %run_scoped3A_104 = tpu.sem_alloc : memref<!tpu.dma_semaphore, #tpu.memory_space<semaphore_mem>>
        %dma_start3A_105 = tpu.memref_slice %arg3[%add3A_27] : memref<327680xi32, #tpu.memory_space<hbm>> -> memref<128xi32, #tpu.memory_space<hbm>>
        %dma_start3A_106 = tpu.memref_slice %arg3[%add3A_27] : memref<327680xi32, #tpu.memory_space<hbm>> -> memref<128xi32, #tpu.memory_space<hbm>>
        tpu.enqueue_dma source(%dma_start3A_106 : memref<128xi32, #tpu.memory_space<hbm>>) target(%arg6 : memref<128xi32, #tpu.memory_space<vmem>>) target_semaphore(%run_scoped3A_104 : memref<!tpu.dma_semaphore, #tpu.memory_space<semaphore_mem>>)
        %dma_wait3A_107 = tpu.memref_slice %arg3[%add3A_27] : memref<327680xi32, #tpu.memory_space<hbm>> -> memref<128xi32, #tpu.memory_space<hbm>>
        %dma_wait3A_108 = tpu.memref_slice %arg3[%add3A_27] : memref<327680xi32, #tpu.memory_space<hbm>> -> memref<128xi32, #tpu.memory_space<hbm>>
        tpu.wait_dma2 semaphore(%run_scoped3A_104 : memref<!tpu.dma_semaphore, #tpu.memory_space<semaphore_mem>>) src(%dma_wait3A_108 : memref<128xi32, #tpu.memory_space<hbm>>) dst(%arg6 : memref<128xi32, #tpu.memory_space<vmem>>)
        tpu.yield
      }) : () -> ()
      %run_scoped3A = arith.constant 0 : i32
      "tpu.region"() ({
        %run_scoped3A_104 = tpu.sem_alloc : memref<!tpu.dma_semaphore, #tpu.memory_space<semaphore_mem>>
        %dma_start3A_105 = arith.constant 0 : i32
        %dma_start3A_106 = tpu.memref_slice %arg7[%run_scoped3A, %dma_start3A_105] : memref<1x128xi32, #tpu.memory_space<vmem>> -> memref<1x128xi32, #tpu.memory_space<vmem>>
        %dma_start3A_107 = tpu.memref_squeeze %dma_start3A_106 : memref<1x128xi32, #tpu.memory_space<vmem>> -> memref<128xi32, #tpu.memory_space<vmem>>
        %dma_start3A_108 = tpu.memref_slice %arg4[%add3A_27] : memref<327680xi32, #tpu.memory_space<hbm>> -> memref<128xi32, #tpu.memory_space<hbm>>
        %dma_start3A_109 = arith.constant 0 : i32
        %dma_start3A_110 = tpu.memref_slice %arg7[%run_scoped3A, %dma_start3A_109] : memref<1x128xi32, #tpu.memory_space<vmem>> -> memref<1x128xi32, #tpu.memory_space<vmem>>
        %dma_start3A_111 = tpu.memref_squeeze %dma_start3A_110 : memref<1x128xi32, #tpu.memory_space<vmem>> -> memref<128xi32, #tpu.memory_space<vmem>>
        %dma_start3A_112 = tpu.memref_slice %arg4[%add3A_27] : memref<327680xi32, #tpu.memory_space<hbm>> -> memref<128xi32, #tpu.memory_space<hbm>>
        tpu.enqueue_dma source(%dma_start3A_112 : memref<128xi32, #tpu.memory_space<hbm>>) target(%dma_start3A_111 : memref<128xi32, #tpu.memory_space<vmem>>) target_semaphore(%run_scoped3A_104 : memref<!tpu.dma_semaphore, #tpu.memory_space<semaphore_mem>>)
        %dma_wait3A_113 = arith.constant 0 : i32
        %dma_wait3A_114 = tpu.memref_slice %arg7[%run_scoped3A, %dma_wait3A_113] : memref<1x128xi32, #tpu.memory_space<vmem>> -> memref<1x128xi32, #tpu.memory_space<vmem>>
        %dma_wait3A_115 = tpu.memref_squeeze %dma_wait3A_114 : memref<1x128xi32, #tpu.memory_space<vmem>> -> memref<128xi32, #tpu.memory_space<vmem>>
        %dma_wait3A_116 = tpu.memref_slice %arg4[%add3A_27] : memref<327680xi32, #tpu.memory_space<hbm>> -> memref<128xi32, #tpu.memory_space<hbm>>
        %dma_wait3A_117 = arith.constant 0 : i32
        %dma_wait3A_118 = tpu.memref_slice %arg7[%run_scoped3A, %dma_wait3A_117] : memref<1x128xi32, #tpu.memory_space<vmem>> -> memref<1x128xi32, #tpu.memory_space<vmem>>
        %dma_wait3A_119 = tpu.memref_squeeze %dma_wait3A_118 : memref<1x128xi32, #tpu.memory_space<vmem>> -> memref<128xi32, #tpu.memory_space<vmem>>
        %dma_wait3A_120 = tpu.memref_slice %arg4[%add3A_27] : memref<327680xi32, #tpu.memory_space<hbm>> -> memref<128xi32, #tpu.memory_space<hbm>>
        tpu.wait_dma2 semaphore(%run_scoped3A_104 : memref<!tpu.dma_semaphore, #tpu.memory_space<semaphore_mem>>) src(%dma_wait3A_120 : memref<128xi32, #tpu.memory_space<hbm>>) dst(%dma_wait3A_119 : memref<128xi32, #tpu.memory_space<vmem>>)
        tpu.yield
      }) : () -> ()
      %get3A = arith.constant 0 : index
      %get3A_28 = tpu.vector_load %arg6[%get3A] {strides = array<i32>} : memref<128xi32, #tpu.memory_space<vmem>>, vector<16xi32>,
      %get3A_29 = vector.shape_cast %get3A_28 : vector<16xi32> to vector<16xi32>
      %add3A_30 = vector.broadcast %mul3A_0 : i32 to vector<16xi32>
      %add3A_31 = arith.addi %get3A_29, %add3A_30 : vector<16xi32>
      %swap3A = arith.constant 0 : index
      %swap3A_32 = tpu.vector_load %arg6[%swap3A] {strides = array<i32>} : memref<128xi32, #tpu.memory_space<vmem>>, vector<16xi32>,
      %swap3A_33 = vector.shape_cast %swap3A_32 : vector<16xi32> to vector<16xi32>
      %swap3A_34 = vector.shape_cast %add3A_31 : vector<16xi32> to vector<16xi32>
      tpu.vector_store %arg6[%swap3A], %swap3A_34 {strides = array<i32>} : memref<128xi32, #tpu.memory_space<vmem>>, vector<16xi32>,
      %get3A_35 = arith.constant 16 : index
      %get3A_36 = tpu.vector_load %arg6[%get3A_35] {strides = array<i32>} : memref<128xi32, #tpu.memory_space<vmem>>, vector<16xi32>,
      %get3A_37 = vector.shape_cast %get3A_36 : vector<16xi32> to vector<16xi32>
      %add3A_38 = vector.broadcast %mul3A_0 : i32 to vector<16xi32>
      %add3A_39 = arith.addi %get3A_37, %add3A_38 : vector<16xi32>
      %swap3A_40 = arith.constant 16 : index
      %swap3A_41 = tpu.vector_load %arg6[%swap3A_40] {strides = array<i32>} : memref<128xi32, #tpu.memory_space<vmem>>, vector<16xi32>,
      %swap3A_42 = vector.shape_cast %swap3A_41 : vector<16xi32> to vector<16xi32>
      %swap3A_43 = vector.shape_cast %add3A_39 : vector<16xi32> to vector<16xi32>
      tpu.vector_store %arg6[%swap3A_40], %swap3A_43 {strides = array<i32>} : memref<128xi32, #tpu.memory_space<vmem>>, vector<16xi32>,
      %get3A_44 = arith.constant 32 : index
      %get3A_45 = tpu.vector_load %arg6[%get3A_44] {strides = array<i32>} : memref<128xi32, #tpu.memory_space<vmem>>, vector<16xi32>,
      %get3A_46 = vector.shape_cast %get3A_45 : vector<16xi32> to vector<16xi32>
      %add3A_47 = vector.broadcast %mul3A_0 : i32 to vector<16xi32>
      %add3A_48 = arith.addi %get3A_46, %add3A_47 : vector<16xi32>
      %swap3A_49 = arith.constant 32 : index
      %swap3A_50 = tpu.vector_load %arg6[%swap3A_49] {strides = array<i32>} : memref<128xi32, #tpu.memory_space<vmem>>, vector<16xi32>,
      %swap3A_51 = vector.shape_cast %swap3A_50 : vector<16xi32> to vector<16xi32>
      %swap3A_52 = vector.shape_cast %add3A_48 : vector<16xi32> to vector<16xi32>
      tpu.vector_store %arg6[%swap3A_49], %swap3A_52 {strides = array<i32>} : memref<128xi32, #tpu.memory_space<vmem>>, vector<16xi32>,
      %get3A_53 = arith.constant 48 : index
      %get3A_54 = tpu.vector_load %arg6[%get3A_53] {strides = array<i32>} : memref<128xi32, #tpu.memory_space<vmem>>, vector<16xi32>,
      %get3A_55 = vector.shape_cast %get3A_54 : vector<16xi32> to vector<16xi32>
      %add3A_56 = vector.broadcast %mul3A_0 : i32 to vector<16xi32>
      %add3A_57 = arith.addi %get3A_55, %add3A_56 : vector<16xi32>
      %swap3A_58 = arith.constant 48 : index
      %swap3A_59 = tpu.vector_load %arg6[%swap3A_58] {strides = array<i32>} : memref<128xi32, #tpu.memory_space<vmem>>, vector<16xi32>,
      %swap3A_60 = vector.shape_cast %swap3A_59 : vector<16xi32> to vector<16xi32>
      %swap3A_61 = vector.shape_cast %add3A_57 : vector<16xi32> to vector<16xi32>
      tpu.vector_store %arg6[%swap3A_58], %swap3A_61 {strides = array<i32>} : memref<128xi32, #tpu.memory_space<vmem>>, vector<16xi32>,
      %get3A_62 = arith.constant 64 : index
      %get3A_63 = tpu.vector_load %arg6[%get3A_62] {strides = array<i32>} : memref<128xi32, #tpu.memory_space<vmem>>, vector<16xi32>,
      %get3A_64 = vector.shape_cast %get3A_63 : vector<16xi32> to vector<16xi32>
      %add3A_65 = vector.broadcast %mul3A_0 : i32 to vector<16xi32>
      %add3A_66 = arith.addi %get3A_64, %add3A_65 : vector<16xi32>
      %swap3A_67 = arith.constant 64 : index
      %swap3A_68 = tpu.vector_load %arg6[%swap3A_67] {strides = array<i32>} : memref<128xi32, #tpu.memory_space<vmem>>, vector<16xi32>,
      %swap3A_69 = vector.shape_cast %swap3A_68 : vector<16xi32> to vector<16xi32>
      %swap3A_70 = vector.shape_cast %add3A_66 : vector<16xi32> to vector<16xi32>
      tpu.vector_store %arg6[%swap3A_67], %swap3A_70 {strides = array<i32>} : memref<128xi32, #tpu.memory_space<vmem>>, vector<16xi32>,
      %get3A_71 = arith.constant 80 : index
      %get3A_72 = tpu.vector_load %arg6[%get3A_71] {strides = array<i32>} : memref<128xi32, #tpu.memory_space<vmem>>, vector<16xi32>,
      %get3A_73 = vector.shape_cast %get3A_72 : vector<16xi32> to vector<16xi32>
      %add3A_74 = vector.broadcast %mul3A_0 : i32 to vector<16xi32>
      %add3A_75 = arith.addi %get3A_73, %add3A_74 : vector<16xi32>
      %swap3A_76 = arith.constant 80 : index
      %swap3A_77 = tpu.vector_load %arg6[%swap3A_76] {strides = array<i32>} : memref<128xi32, #tpu.memory_space<vmem>>, vector<16xi32>,
      %swap3A_78 = vector.shape_cast %swap3A_77 : vector<16xi32> to vector<16xi32>
      %swap3A_79 = vector.shape_cast %add3A_75 : vector<16xi32> to vector<16xi32>
      tpu.vector_store %arg6[%swap3A_76], %swap3A_79 {strides = array<i32>} : memref<128xi32, #tpu.memory_space<vmem>>, vector<16xi32>,
      %get3A_80 = arith.constant 96 : index
      %get3A_81 = tpu.vector_load %arg6[%get3A_80] {strides = array<i32>} : memref<128xi32, #tpu.memory_space<vmem>>, vector<16xi32>,
      %get3A_82 = vector.shape_cast %get3A_81 : vector<16xi32> to vector<16xi32>
      %add3A_83 = vector.broadcast %mul3A_0 : i32 to vector<16xi32>
      %add3A_84 = arith.addi %get3A_82, %add3A_83 : vector<16xi32>
      %swap3A_85 = arith.constant 96 : index
      %swap3A_86 = tpu.vector_load %arg6[%swap3A_85] {strides = array<i32>} : memref<128xi32, #tpu.memory_space<vmem>>, vector<16xi32>,
      %swap3A_87 = vector.shape_cast %swap3A_86 : vector<16xi32> to vector<16xi32>
      %swap3A_88 = vector.shape_cast %add3A_84 : vector<16xi32> to vector<16xi32>
      tpu.vector_store %arg6[%swap3A_85], %swap3A_88 {strides = array<i32>} : memref<128xi32, #tpu.memory_space<vmem>>, vector<16xi32>,
      %get3A_89 = arith.constant 112 : index
      %get3A_90 = tpu.vector_load %arg6[%get3A_89] {strides = array<i32>} : memref<128xi32, #tpu.memory_space<vmem>>, vector<16xi32>,
      %get3A_91 = vector.shape_cast %get3A_90 : vector<16xi32> to vector<16xi32>
      %add3A_92 = vector.broadcast %mul3A_0 : i32 to vector<16xi32>
      %add3A_93 = arith.addi %get3A_91, %add3A_92 : vector<16xi32>
      %swap3A_94 = arith.constant 112 : index
      %swap3A_95 = tpu.vector_load %arg6[%swap3A_94] {strides = array<i32>} : memref<128xi32, #tpu.memory_space<vmem>>, vector<16xi32>,
      %swap3A_96 = vector.shape_cast %swap3A_95 : vector<16xi32> to vector<16xi32>
      %swap3A_97 = vector.shape_cast %add3A_93 : vector<16xi32> to vector<16xi32>
      tpu.vector_store %arg6[%swap3A_94], %swap3A_97 {strides = array<i32>} : memref<128xi32, #tpu.memory_space<vmem>>, vector<16xi32>,
      %dma_start3A = arith.constant 0 : i32
      %dma_start3A_98 = arith.constant 0 : i32
      %dma_start3A_99 = tpu.memref_slice %arg2[%dma_start3A, %dma_start3A_98] : memref<20480x128xf32, #tpu.memory_space<hbm>> -> memref<20480x128xf32, #tpu.memory_space<hbm>>
      tpu.enqueue_indirect_dma source(%dma_start3A_99 : memref<20480x128xf32, #tpu.memory_space<hbm>>) target(%arg8 : memref<128x128xf32, #tpu.memory_space<vmem>>) offsets(%arg6 : memref<128xi32, #tpu.memory_space<vmem>>) semaphore(%arg10 : memref<!tpu.dma_semaphore, #tpu.memory_space<semaphore_mem>>)
      %dma_wait3A = arith.constant 0 : i32
      %dma_wait3A_100 = arith.constant 0 : i32
      %dma_wait3A_101 = tpu.memref_slice %arg2[%dma_wait3A, %dma_wait3A_100] : memref<20480x128xf32, #tpu.memory_space<hbm>> -> memref<20480x128xf32, #tpu.memory_space<hbm>>
      tpu.wait_indirect_dma semaphore(%arg10 : memref<!tpu.dma_semaphore, #tpu.memory_space<semaphore_mem>>) src(%dma_wait3A_101 : memref<20480x128xf32, #tpu.memory_space<hbm>>) dst(%arg8 : memref<128x128xf32, #tpu.memory_space<vmem>>)
      %run_scoped3A_102 = arith.constant 0 : i32
      "tpu.region"() ({
        %run_scoped3A_104 = tpu.sem_alloc : memref<!tpu.dma_semaphore, #tpu.memory_space<semaphore_mem>>
        %dma_start3A_105 = arith.constant 0 : i32
        %dma_start3A_106 = tpu.memref_slice %arg7[%run_scoped3A_102, %dma_start3A_105] : memref<1x128xi32, #tpu.memory_space<vmem>> -> memref<1x128xi32, #tpu.memory_space<vmem>>
        %dma_start3A_107 = tpu.memref_squeeze %dma_start3A_106 : memref<1x128xi32, #tpu.memory_space<vmem>> -> memref<128xi32, #tpu.memory_space<vmem>>
        %dma_start3A_108 = arith.constant 0 : i32
        %dma_start3A_109 = arith.constant 0 : i32
        %dma_start3A_110 = tpu.memref_slice %arg9[%dma_start3A_108, %dma_start3A_109] : memref<10240x128xf32, #tpu.memory_space<vmem_shared>> -> memref<10240x128xf32, #tpu.memory_space<vmem_shared>>
        tpu.enqueue_indirect_dma source(%arg8 : memref<128x128xf32, #tpu.memory_space<vmem>>) target(%dma_start3A_110 : memref<10240x128xf32, #tpu.memory_space<vmem_shared>>) offsets(%dma_start3A_107 : memref<128xi32, #tpu.memory_space<vmem>>) semaphore(%run_scoped3A_104 : memref<!tpu.dma_semaphore, #tpu.memory_space<semaphore_mem>>) {add = true}
        %dma_wait3A_111 = arith.constant 0 : i32
        %dma_wait3A_112 = tpu.memref_slice %arg7[%run_scoped3A_102, %dma_wait3A_111] : memref<1x128xi32, #tpu.memory_space<vmem>> -> memref<1x128xi32, #tpu.memory_space<vmem>>
        %dma_wait3A_113 = tpu.memref_squeeze %dma_wait3A_112 : memref<1x128xi32, #tpu.memory_space<vmem>> -> memref<128xi32, #tpu.memory_space<vmem>>
        %dma_wait3A_114 = arith.constant 0 : i32
        %dma_wait3A_115 = arith.constant 0 : i32
        %dma_wait3A_116 = tpu.memref_slice %arg9[%dma_wait3A_114, %dma_wait3A_115] : memref<10240x128xf32, #tpu.memory_space<vmem_shared>> -> memref<10240x128xf32, #tpu.memory_space<vmem_shared>>
        tpu.wait_indirect_dma semaphore(%run_scoped3A_104 : memref<!tpu.dma_semaphore, #tpu.memory_space<semaphore_mem>>) src(%arg8 : memref<128x128xf32, #tpu.memory_space<vmem>>) dst(%dma_wait3A_116 : memref<10240x128xf32, #tpu.memory_space<vmem_shared>>)
        tpu.yield
      }) : () -> ()
      %scan3A_103 = arith.constant 0 : i32
      scf.yield %scan3A_103 : i32
    }
    %scan3A_16 = arith.constant 80 : i32
    %barrier3A_17 = arith.constant 0 : index
    tpu.barrier barrier_id(%barrier3A_17)
    %mul3A_18 = arith.constant 640 : i32
    %mul3A_19 = arith.muli %arg1, %mul3A_18 : i32
    %mul3A_20 = arith.constant 640 : i32
    %mul3A_21 = arith.muli %arg1, %mul3A_20 : i32
    %add3A_22 = arith.addi %mul3A_0, %mul3A_21 : i32
    "tpu.region"() ({
      %run_scoped3A = tpu.sem_alloc : memref<!tpu.dma_semaphore, #tpu.memory_space<semaphore_mem>>
      %dma_start3A = arith.constant 0 : i32
      %dma_start3A_23 = tpu.memref_slice %arg5[%add3A_22, %dma_start3A] : memref<20480x128xf32, #tpu.memory_space<hbm>> -> memref<640x128xf32, #tpu.memory_space<hbm>>
      %dma_start3A_24 = arith.constant 0 : i32
      %dma_start3A_25 = tpu.memref_slice %arg9[%mul3A_19, %dma_start3A_24] : memref<10240x128xf32, #tpu.memory_space<vmem_shared>> -> memref<640x128xf32, #tpu.memory_space<vmem_shared>>
      tpu.enqueue_dma source(%dma_start3A_25 : memref<640x128xf32, #tpu.memory_space<vmem_shared>>) target(%dma_start3A_23 : memref<640x128xf32, #tpu.memory_space<hbm>>) target_semaphore(%run_scoped3A : memref<!tpu.dma_semaphore, #tpu.memory_space<semaphore_mem>>)
      %dma_wait3A = arith.constant 0 : i32
      %dma_wait3A_26 = tpu.memref_slice %arg5[%add3A_22, %dma_wait3A] : memref<20480x128xf32, #tpu.memory_space<hbm>> -> memref<640x128xf32, #tpu.memory_space<hbm>>
      %dma_wait3A_27 = arith.constant 0 : i32
      %dma_wait3A_28 = tpu.memref_slice %arg9[%mul3A_19, %dma_wait3A_27] : memref<10240x128xf32, #tpu.memory_space<vmem_shared>> -> memref<640x128xf32, #tpu.memory_space<vmem_shared>>
      tpu.wait_dma2 semaphore(%run_scoped3A : memref<!tpu.dma_semaphore, #tpu.memory_space<semaphore_mem>>) src(%dma_wait3A_28 : memref<640x128xf32, #tpu.memory_space<vmem_shared>>) dst(%dma_wait3A_26 : memref<640x128xf32, #tpu.memory_space<hbm>>)
      tpu.yield
    }) : () -> ()
    return
  }
}

#map = affine_map<(d0, d1) -> (0, 0)>
#map1 = affine_map<(d0, d1) -> (0)>
module attributes {stable_mosaic.version = 14 : i64} {
  func.func @k(%arg0: i32, %arg1: i32, %arg2: memref<20480x128xf32, #tpu.memory_space<hbm>>, %arg3: memref<327680xi32, #tpu.memory_space<hbm>>, %arg4: memref<327680xi32, #tpu.memory_space<hbm>>, %arg5: memref<20480x128xf32, #tpu.memory_space<hbm>>, %arg6: memref<128xi32, #tpu.memory_space<vmem>>, %arg7: memref<1x128xi32, #tpu.memory_space<vmem>>, %arg8: memref<128x128xf32, #tpu.memory_space<vmem>>, %arg9: memref<10240x128xf32, #tpu.memory_space<vmem_shared>>, %arg10: memref<!tpu.dma_semaphore, #tpu.memory_space<semaphore_mem>>) attributes {dimension_semantics = [#tpu.dimension_semantics<core_parallel>, #tpu.dimension_semantics<subcore_parallel>], iteration_bounds = array<i64: 2, 16>, scalar_prefetch = 0 : i64, scratch_operands = 5 : i64, tpu.core_type = #tpu.core_type<sc_vector_subcore>, window_params = [{transform_indices = #map}, {transform_indices = #map1}, {transform_indices = #map1}, {transform_indices = #map}]} {
    %mul3A = arith.constant 10240 : i32
    %mul3A_0 = arith.muli %arg0, %mul3A : i32
    %mul3A_1 = arith.constant 16 : i32
    %mul3A_2 = arith.muli %arg0, %mul3A_1 : i32
    %add3A = arith.addi %mul3A_2, %arg1 : i32
    %mul3A_3 = arith.constant 10240 : i32
    %mul3A_4 = arith.muli %add3A, %mul3A_3 : i32
    %eq3A = arith.constant 0 : i32
    %eq3A_5 = arith.cmpi eq, %arg0, %eq3A : i32
    %convert_element_type3A = arith.extui %eq3A_5 : i1 to i32
    %cond3A = arith.constant 0 : i32
    %cond3A_6 = arith.cmpi ne, %convert_element_type3A, %cond3A : i32
    scf.if %cond3A_6 {
      %mul3A_23 = arith.constant 640 : i32
      %mul3A_24 = arith.muli %arg1, %mul3A_23 : i32
      %mul3A_25 = arith.constant 640 : i32
      %mul3A_26 = arith.muli %arg1, %mul3A_25 : i32
      "tpu.region"() ({
        %run_scoped3A = tpu.sem_alloc : memref<!tpu.dma_semaphore, #tpu.memory_space<semaphore_mem>>
        %dma_start3A = arith.constant 0 : i32
        %dma_start3A_27 = tpu.memref_slice %arg9[%mul3A_26, %dma_start3A] : memref<10240x128xf32, #tpu.memory_space<vmem_shared>> -> memref<640x128xf32, #tpu.memory_space<vmem_shared>>
        %dma_start3A_28 = arith.constant 0 : i32
        %dma_start3A_29 = tpu.memref_slice %arg2[%mul3A_24, %dma_start3A_28] : memref<20480x128xf32, #tpu.memory_space<hbm>> -> memref<640x128xf32, #tpu.memory_space<hbm>>
        tpu.enqueue_dma source(%dma_start3A_29 : memref<640x128xf32, #tpu.memory_space<hbm>>) target(%dma_start3A_27 : memref<640x128xf32, #tpu.memory_space<vmem_shared>>) target_semaphore(%run_scoped3A : memref<!tpu.dma_semaphore, #tpu.memory_space<semaphore_mem>>)
        %dma_wait3A = arith.constant 0 : i32
        %dma_wait3A_30 = tpu.memref_slice %arg9[%mul3A_26, %dma_wait3A] : memref<10240x128xf32, #tpu.memory_space<vmem_shared>> -> memref<640x128xf32, #tpu.memory_space<vmem_shared>>
        %dma_wait3A_31 = arith.constant 0 : i32
        %dma_wait3A_32 = tpu.memref_slice %arg2[%mul3A_24, %dma_wait3A_31] : memref<20480x128xf32, #tpu.memory_space<hbm>> -> memref<640x128xf32, #tpu.memory_space<hbm>>
        tpu.wait_dma2 semaphore(%run_scoped3A : memref<!tpu.dma_semaphore, #tpu.memory_space<semaphore_mem>>) src(%dma_wait3A_32 : memref<640x128xf32, #tpu.memory_space<hbm>>) dst(%dma_wait3A_30 : memref<640x128xf32, #tpu.memory_space<vmem_shared>>)
        tpu.yield
      }) : () -> ()
    } else {
    }
    %ne3A = arith.constant 0 : i32
    %ne3A_7 = arith.cmpi ne, %arg0, %ne3A : i32
    %convert_element_type3A_8 = arith.extui %ne3A_7 : i1 to i32
    %cond3A_9 = arith.constant 0 : i32
    %cond3A_10 = arith.cmpi ne, %convert_element_type3A_8, %cond3A_9 : i32
    scf.if %cond3A_10 {
      %scan3A_23 = arith.constant 0 : i32
      %scan3A_24 = arith.constant 0 : i32
      %scan3A_25 = arith.constant 128 : i32
      %scan3A_26 = arith.addi %scan3A_24, %scan3A_25 : i32
      %scan3A_27 = arith.constant 1 : i32
      %scan3A_28 = scf.for %scan3A_37 = %scan3A_24 to %scan3A_26 step %scan3A_27 iter_args(%scan3A_38 = %scan3A_23) -> (i32)  : i32 {
        %broadcast_in_dim3A = arith.constant 0.000000e+00 : f32
        %broadcast_in_dim3A_39 = vector.broadcast %broadcast_in_dim3A : f32 to vector<16xf32>
        %swap3A = arith.index_cast %scan3A_37 : i32 to index
        %swap3A_40 = arith.constant 0 : index
        %swap3A_41 = tpu.vector_load %arg8[%swap3A, %swap3A_40] {strides = array<i32>} : memref<128x128xf32, #tpu.memory_space<vmem>>, vector<1x16xf32>,
        %swap3A_42 = vector.shape_cast %swap3A_41 : vector<1x16xf32> to vector<16xf32>
        %swap3A_43 = vector.shape_cast %broadcast_in_dim3A_39 : vector<16xf32> to vector<1x16xf32>
        tpu.vector_store %arg8[%swap3A, %swap3A_40], %swap3A_43 {strides = array<i32>} : memref<128x128xf32, #tpu.memory_space<vmem>>, vector<1x16xf32>,
        %broadcast_in_dim3A_44 = arith.constant 0.000000e+00 : f32
        %broadcast_in_dim3A_45 = vector.broadcast %broadcast_in_dim3A_44 : f32 to vector<16xf32>
        %swap3A_46 = arith.index_cast %scan3A_37 : i32 to index
        %swap3A_47 = arith.constant 16 : index
        %swap3A_48 = tpu.vector_load %arg8[%swap3A_46, %swap3A_47] {strides = array<i32>} : memref<128x128xf32, #tpu.memory_space<vmem>>, vector<1x16xf32>,
        %swap3A_49 = vector.shape_cast %swap3A_48 : vector<1x16xf32> to vector<16xf32>
        %swap3A_50 = vector.shape_cast %broadcast_in_dim3A_45 : vector<16xf32> to vector<1x16xf32>
        tpu.vector_store %arg8[%swap3A_46, %swap3A_47], %swap3A_50 {strides = array<i32>} : memref<128x128xf32, #tpu.memory_space<vmem>>, vector<1x16xf32>,
        %broadcast_in_dim3A_51 = arith.constant 0.000000e+00 : f32
        %broadcast_in_dim3A_52 = vector.broadcast %broadcast_in_dim3A_51 : f32 to vector<16xf32>
        %swap3A_53 = arith.index_cast %scan3A_37 : i32 to index
        %swap3A_54 = arith.constant 32 : index
        %swap3A_55 = tpu.vector_load %arg8[%swap3A_53, %swap3A_54] {strides = array<i32>} : memref<128x128xf32, #tpu.memory_space<vmem>>, vector<1x16xf32>,
        %swap3A_56 = vector.shape_cast %swap3A_55 : vector<1x16xf32> to vector<16xf32>
        %swap3A_57 = vector.shape_cast %broadcast_in_dim3A_52 : vector<16xf32> to vector<1x16xf32>
        tpu.vector_store %arg8[%swap3A_53, %swap3A_54], %swap3A_57 {strides = array<i32>} : memref<128x128xf32, #tpu.memory_space<vmem>>, vector<1x16xf32>,
        %broadcast_in_dim3A_58 = arith.constant 0.000000e+00 : f32
        %broadcast_in_dim3A_59 = vector.broadcast %broadcast_in_dim3A_58 : f32 to vector<16xf32>
        %swap3A_60 = arith.index_cast %scan3A_37 : i32 to index
        %swap3A_61 = arith.constant 48 : index
        %swap3A_62 = tpu.vector_load %arg8[%swap3A_60, %swap3A_61] {strides = array<i32>} : memref<128x128xf32, #tpu.memory_space<vmem>>, vector<1x16xf32>,
        %swap3A_63 = vector.shape_cast %swap3A_62 : vector<1x16xf32> to vector<16xf32>
        %swap3A_64 = vector.shape_cast %broadcast_in_dim3A_59 : vector<16xf32> to vector<1x16xf32>
        tpu.vector_store %arg8[%swap3A_60, %swap3A_61], %swap3A_64 {strides = array<i32>} : memref<128x128xf32, #tpu.memory_space<vmem>>, vector<1x16xf32>,
        %broadcast_in_dim3A_65 = arith.constant 0.000000e+00 : f32
        %broadcast_in_dim3A_66 = vector.broadcast %broadcast_in_dim3A_65 : f32 to vector<16xf32>
        %swap3A_67 = arith.index_cast %scan3A_37 : i32 to index
        %swap3A_68 = arith.constant 64 : index
        %swap3A_69 = tpu.vector_load %arg8[%swap3A_67, %swap3A_68] {strides = array<i32>} : memref<128x128xf32, #tpu.memory_space<vmem>>, vector<1x16xf32>,
        %swap3A_70 = vector.shape_cast %swap3A_69 : vector<1x16xf32> to vector<16xf32>
        %swap3A_71 = vector.shape_cast %broadcast_in_dim3A_66 : vector<16xf32> to vector<1x16xf32>
        tpu.vector_store %arg8[%swap3A_67, %swap3A_68], %swap3A_71 {strides = array<i32>} : memref<128x128xf32, #tpu.memory_space<vmem>>, vector<1x16xf32>,
        %broadcast_in_dim3A_72 = arith.constant 0.000000e+00 : f32
        %broadcast_in_dim3A_73 = vector.broadcast %broadcast_in_dim3A_72 : f32 to vector<16xf32>
        %swap3A_74 = arith.index_cast %scan3A_37 : i32 to index
        %swap3A_75 = arith.constant 80 : index
        %swap3A_76 = tpu.vector_load %arg8[%swap3A_74, %swap3A_75] {strides = array<i32>} : memref<128x128xf32, #tpu.memory_space<vmem>>, vector<1x16xf32>,
        %swap3A_77 = vector.shape_cast %swap3A_76 : vector<1x16xf32> to vector<16xf32>
        %swap3A_78 = vector.shape_cast %broadcast_in_dim3A_73 : vector<16xf32> to vector<1x16xf32>
        tpu.vector_store %arg8[%swap3A_74, %swap3A_75], %swap3A_78 {strides = array<i32>} : memref<128x128xf32, #tpu.memory_space<vmem>>, vector<1x16xf32>,
        %broadcast_in_dim3A_79 = arith.constant 0.000000e+00 : f32
        %broadcast_in_dim3A_80 = vector.broadcast %broadcast_in_dim3A_79 : f32 to vector<16xf32>
        %swap3A_81 = arith.index_cast %scan3A_37 : i32 to index
        %swap3A_82 = arith.constant 96 : index
        %swap3A_83 = tpu.vector_load %arg8[%swap3A_81, %swap3A_82] {strides = array<i32>} : memref<128x128xf32, #tpu.memory_space<vmem>>, vector<1x16xf32>,
        %swap3A_84 = vector.shape_cast %swap3A_83 : vector<1x16xf32> to vector<16xf32>
        %swap3A_85 = vector.shape_cast %broadcast_in_dim3A_80 : vector<16xf32> to vector<1x16xf32>
        tpu.vector_store %arg8[%swap3A_81, %swap3A_82], %swap3A_85 {strides = array<i32>} : memref<128x128xf32, #tpu.memory_space<vmem>>, vector<1x16xf32>,
        %broadcast_in_dim3A_86 = arith.constant 0.000000e+00 : f32
        %broadcast_in_dim3A_87 = vector.broadcast %broadcast_in_dim3A_86 : f32 to vector<16xf32>
        %swap3A_88 = arith.index_cast %scan3A_37 : i32 to index
        %swap3A_89 = arith.constant 112 : index
        %swap3A_90 = tpu.vector_load %arg8[%swap3A_88, %swap3A_89] {strides = array<i32>} : memref<128x128xf32, #tpu.memory_space<vmem>>, vector<1x16xf32>,
        %swap3A_91 = vector.shape_cast %swap3A_90 : vector<1x16xf32> to vector<16xf32>
        %swap3A_92 = vector.shape_cast %broadcast_in_dim3A_87 : vector<16xf32> to vector<1x16xf32>
        tpu.vector_store %arg8[%swap3A_88, %swap3A_89], %swap3A_92 {strides = array<i32>} : memref<128x128xf32, #tpu.memory_space<vmem>>, vector<1x16xf32>,
        %scan3A_93 = arith.constant 0 : i32
        scf.yield %scan3A_93 : i32
      }
      %scan3A_29 = arith.constant 128 : i32
      %scan3A_30 = arith.constant 0 : i32
      %scan3A_31 = arith.constant 0 : i32
      %scan3A_32 = arith.constant 5 : i32
      %scan3A_33 = arith.addi %scan3A_31, %scan3A_32 : i32
      %scan3A_34 = arith.constant 1 : i32
      %scan3A_35 = scf.for %scan3A_37 = %scan3A_31 to %scan3A_33 step %scan3A_34 iter_args(%scan3A_38 = %scan3A_30) -> (i32)  : i32 {
        %mul3A_39 = arith.constant 640 : i32
        %mul3A_40 = arith.muli %arg1, %mul3A_39 : i32
        %mul3A_41 = arith.constant 128 : i32
        %mul3A_42 = arith.muli %scan3A_37, %mul3A_41 : i32
        %add3A_43 = arith.addi %mul3A_40, %mul3A_42 : i32
        "tpu.region"() ({
          %run_scoped3A = tpu.sem_alloc : memref<!tpu.dma_semaphore, #tpu.memory_space<semaphore_mem>>
          %dma_start3A = arith.constant 0 : i32
          %dma_start3A_45 = tpu.memref_slice %arg9[%add3A_43, %dma_start3A] : memref<10240x128xf32, #tpu.memory_space<vmem_shared>> -> memref<128x128xf32, #tpu.memory_space<vmem_shared>>
          %dma_start3A_46 = arith.constant 0 : i32
          %dma_start3A_47 = tpu.memref_slice %arg9[%add3A_43, %dma_start3A_46] : memref<10240x128xf32, #tpu.memory_space<vmem_shared>> -> memref<128x128xf32, #tpu.memory_space<vmem_shared>>
          tpu.enqueue_dma source(%arg8 : memref<128x128xf32, #tpu.memory_space<vmem>>) target(%dma_start3A_47 : memref<128x128xf32, #tpu.memory_space<vmem_shared>>) target_semaphore(%run_scoped3A : memref<!tpu.dma_semaphore, #tpu.memory_space<semaphore_mem>>)
          %dma_wait3A = arith.constant 0 : i32
          %dma_wait3A_48 = tpu.memref_slice %arg9[%add3A_43, %dma_wait3A] : memref<10240x128xf32, #tpu.memory_space<vmem_shared>> -> memref<128x128xf32, #tpu.memory_space<vmem_shared>>
          %dma_wait3A_49 = arith.constant 0 : i32
          %dma_wait3A_50 = tpu.memref_slice %arg9[%add3A_43, %dma_wait3A_49] : memref<10240x128xf32, #tpu.memory_space<vmem_shared>> -> memref<128x128xf32, #tpu.memory_space<vmem_shared>>
          tpu.wait_dma2 semaphore(%run_scoped3A : memref<!tpu.dma_semaphore, #tpu.memory_space<semaphore_mem>>) src(%arg8 : memref<128x128xf32, #tpu.memory_space<vmem>>) dst(%dma_wait3A_50 : memref<128x128xf32, #tpu.memory_space<vmem_shared>>)
          tpu.yield
        }) : () -> ()
        %scan3A_44 = arith.constant 0 : i32
        scf.yield %scan3A_44 : i32
      }
      %scan3A_36 = arith.constant 5 : i32
    } else {
    }
    %barrier3A = arith.constant 0 : index
    tpu.barrier barrier_id(%barrier3A)
    %scan3A = arith.constant 0 : i32
    %scan3A_11 = arith.constant 0 : i32
    %scan3A_12 = arith.constant 80 : i32
    %scan3A_13 = arith.addi %scan3A_11, %scan3A_12 : i32
    %scan3A_14 = arith.constant 1 : i32
    %scan3A_15 = scf.for %scan3A_23 = %scan3A_11 to %scan3A_13 step %scan3A_14 iter_args(%scan3A_24 = %scan3A) -> (i32)  : i32 {
      %mul3A_25 = arith.constant 128 : i32
      %mul3A_26 = arith.muli %scan3A_23, %mul3A_25 : i32
      %add3A_27 = arith.addi %mul3A_4, %mul3A_26 : i32
      "tpu.region"() ({
        %run_scoped3A_104 = tpu.sem_alloc : memref<!tpu.dma_semaphore, #tpu.memory_space<semaphore_mem>>
        %dma_start3A_105 = tpu.memref_slice %arg3[%add3A_27] : memref<327680xi32, #tpu.memory_space<hbm>> -> memref<128xi32, #tpu.memory_space<hbm>>
        %dma_start3A_106 = tpu.memref_slice %arg3[%add3A_27] : memref<327680xi32, #tpu.memory_space<hbm>> -> memref<128xi32, #tpu.memory_space<hbm>>
        tpu.enqueue_dma source(%dma_start3A_106 : memref<128xi32, #tpu.memory_space<hbm>>) target(%arg6 : memref<128xi32, #tpu.memory_space<vmem>>) target_semaphore(%run_scoped3A_104 : memref<!tpu.dma_semaphore, #tpu.memory_space<semaphore_mem>>)
        %dma_wait3A_107 = tpu.memref_slice %arg3[%add3A_27] : memref<327680xi32, #tpu.memory_space<hbm>> -> memref<128xi32, #tpu.memory_space<hbm>>
        %dma_wait3A_108 = tpu.memref_slice %arg3[%add3A_27] : memref<327680xi32, #tpu.memory_space<hbm>> -> memref<128xi32, #tpu.memory_space<hbm>>
        tpu.wait_dma2 semaphore(%run_scoped3A_104 : memref<!tpu.dma_semaphore, #tpu.memory_space<semaphore_mem>>) src(%dma_wait3A_108 : memref<128xi32, #tpu.memory_space<hbm>>) dst(%arg6 : memref<128xi32, #tpu.memory_space<vmem>>)
        tpu.yield
      }) : () -> ()
      %run_scoped3A = arith.constant 0 : i32
      "tpu.region"() ({
        %run_scoped3A_104 = tpu.sem_alloc : memref<!tpu.dma_semaphore, #tpu.memory_space<semaphore_mem>>
        %dma_start3A_105 = arith.constant 0 : i32
        %dma_start3A_106 = tpu.memref_slice %arg7[%run_scoped3A, %dma_start3A_105] : memref<1x128xi32, #tpu.memory_space<vmem>> -> memref<1x128xi32, #tpu.memory_space<vmem>>
        %dma_start3A_107 = tpu.memref_squeeze %dma_start3A_106 : memref<1x128xi32, #tpu.memory_space<vmem>> -> memref<128xi32, #tpu.memory_space<vmem>>
        %dma_start3A_108 = tpu.memref_slice %arg4[%add3A_27] : memref<327680xi32, #tpu.memory_space<hbm>> -> memref<128xi32, #tpu.memory_space<hbm>>
        %dma_start3A_109 = arith.constant 0 : i32
        %dma_start3A_110 = tpu.memref_slice %arg7[%run_scoped3A, %dma_start3A_109] : memref<1x128xi32, #tpu.memory_space<vmem>> -> memref<1x128xi32, #tpu.memory_space<vmem>>
        %dma_start3A_111 = tpu.memref_squeeze %dma_start3A_110 : memref<1x128xi32, #tpu.memory_space<vmem>> -> memref<128xi32, #tpu.memory_space<vmem>>
        %dma_start3A_112 = tpu.memref_slice %arg4[%add3A_27] : memref<327680xi32, #tpu.memory_space<hbm>> -> memref<128xi32, #tpu.memory_space<hbm>>
        tpu.enqueue_dma source(%dma_start3A_112 : memref<128xi32, #tpu.memory_space<hbm>>) target(%dma_start3A_111 : memref<128xi32, #tpu.memory_space<vmem>>) target_semaphore(%run_scoped3A_104 : memref<!tpu.dma_semaphore, #tpu.memory_space<semaphore_mem>>)
        %dma_wait3A_113 = arith.constant 0 : i32
        %dma_wait3A_114 = tpu.memref_slice %arg7[%run_scoped3A, %dma_wait3A_113] : memref<1x128xi32, #tpu.memory_space<vmem>> -> memref<1x128xi32, #tpu.memory_space<vmem>>
        %dma_wait3A_115 = tpu.memref_squeeze %dma_wait3A_114 : memref<1x128xi32, #tpu.memory_space<vmem>> -> memref<128xi32, #tpu.memory_space<vmem>>
        %dma_wait3A_116 = tpu.memref_slice %arg4[%add3A_27] : memref<327680xi32, #tpu.memory_space<hbm>> -> memref<128xi32, #tpu.memory_space<hbm>>
        %dma_wait3A_117 = arith.constant 0 : i32
        %dma_wait3A_118 = tpu.memref_slice %arg7[%run_scoped3A, %dma_wait3A_117] : memref<1x128xi32, #tpu.memory_space<vmem>> -> memref<1x128xi32, #tpu.memory_space<vmem>>
        %dma_wait3A_119 = tpu.memref_squeeze %dma_wait3A_118 : memref<1x128xi32, #tpu.memory_space<vmem>> -> memref<128xi32, #tpu.memory_space<vmem>>
        %dma_wait3A_120 = tpu.memref_slice %arg4[%add3A_27] : memref<327680xi32, #tpu.memory_space<hbm>> -> memref<128xi32, #tpu.memory_space<hbm>>
        tpu.wait_dma2 semaphore(%run_scoped3A_104 : memref<!tpu.dma_semaphore, #tpu.memory_space<semaphore_mem>>) src(%dma_wait3A_120 : memref<128xi32, #tpu.memory_space<hbm>>) dst(%dma_wait3A_119 : memref<128xi32, #tpu.memory_space<vmem>>)
        tpu.yield
      }) : () -> ()
      %get3A = arith.constant 0 : index
      %get3A_28 = tpu.vector_load %arg6[%get3A] {strides = array<i32>} : memref<128xi32, #tpu.memory_space<vmem>>, vector<16xi32>,
      %get3A_29 = vector.shape_cast %get3A_28 : vector<16xi32> to vector<16xi32>
      %add3A_30 = vector.broadcast %mul3A_0 : i32 to vector<16xi32>
      %add3A_31 = arith.addi %get3A_29, %add3A_30 : vector<16xi32>
      %swap3A = arith.constant 0 : index
      %swap3A_32 = tpu.vector_load %arg6[%swap3A] {strides = array<i32>} : memref<128xi32, #tpu.memory_space<vmem>>, vector<16xi32>,
      %swap3A_33 = vector.shape_cast %swap3A_32 : vector<16xi32> to vector<16xi32>
      %swap3A_34 = vector.shape_cast %add3A_31 : vector<16xi32> to vector<16xi32>
      tpu.vector_store %arg6[%swap3A], %swap3A_34 {strides = array<i32>} : memref<128xi32, #tpu.memory_space<vmem>>, vector<16xi32>,
      %get3A_35 = arith.constant 16 : index
      %get3A_36 = tpu.vector_load %arg6[%get3A_35] {strides = array<i32>} : memref<128xi32, #tpu.memory_space<vmem>>, vector<16xi32>,
      %get3A_37 = vector.shape_cast %get3A_36 : vector<16xi32> to vector<16xi32>
      %add3A_38 = vector.broadcast %mul3A_0 : i32 to vector<16xi32>
      %add3A_39 = arith.addi %get3A_37, %add3A_38 : vector<16xi32>
      %swap3A_40 = arith.constant 16 : index
      %swap3A_41 = tpu.vector_load %arg6[%swap3A_40] {strides = array<i32>} : memref<128xi32, #tpu.memory_space<vmem>>, vector<16xi32>,
      %swap3A_42 = vector.shape_cast %swap3A_41 : vector<16xi32> to vector<16xi32>
      %swap3A_43 = vector.shape_cast %add3A_39 : vector<16xi32> to vector<16xi32>
      tpu.vector_store %arg6[%swap3A_40], %swap3A_43 {strides = array<i32>} : memref<128xi32, #tpu.memory_space<vmem>>, vector<16xi32>,
      %get3A_44 = arith.constant 32 : index
      %get3A_45 = tpu.vector_load %arg6[%get3A_44] {strides = array<i32>} : memref<128xi32, #tpu.memory_space<vmem>>, vector<16xi32>,
      %get3A_46 = vector.shape_cast %get3A_45 : vector<16xi32> to vector<16xi32>
      %add3A_47 = vector.broadcast %mul3A_0 : i32 to vector<16xi32>
      %add3A_48 = arith.addi %get3A_46, %add3A_47 : vector<16xi32>
      %swap3A_49 = arith.constant 32 : index
      %swap3A_50 = tpu.vector_load %arg6[%swap3A_49] {strides = array<i32>} : memref<128xi32, #tpu.memory_space<vmem>>, vector<16xi32>,
      %swap3A_51 = vector.shape_cast %swap3A_50 : vector<16xi32> to vector<16xi32>
      %swap3A_52 = vector.shape_cast %add3A_48 : vector<16xi32> to vector<16xi32>
      tpu.vector_store %arg6[%swap3A_49], %swap3A_52 {strides = array<i32>} : memref<128xi32, #tpu.memory_space<vmem>>, vector<16xi32>,
      %get3A_53 = arith.constant 48 : index
      %get3A_54 = tpu.vector_load %arg6[%get3A_53] {strides = array<i32>} : memref<128xi32, #tpu.memory_space<vmem>>, vector<16xi32>,
      %get3A_55 = vector.shape_cast %get3A_54 : vector<16xi32> to vector<16xi32>
      %add3A_56 = vector.broadcast %mul3A_0 : i32 to vector<16xi32>
      %add3A_57 = arith.addi %get3A_55, %add3A_56 : vector<16xi32>
      %swap3A_58 = arith.constant 48 : index
      %swap3A_59 = tpu.vector_load %arg6[%swap3A_58] {strides = array<i32>} : memref<128xi32, #tpu.memory_space<vmem>>, vector<16xi32>,
      %swap3A_60 = vector.shape_cast %swap3A_59 : vector<16xi32> to vector<16xi32>
      %swap3A_61 = vector.shape_cast %add3A_57 : vector<16xi32> to vector<16xi32>
      tpu.vector_store %arg6[%swap3A_58], %swap3A_61 {strides = array<i32>} : memref<128xi32, #tpu.memory_space<vmem>>, vector<16xi32>,
      %get3A_62 = arith.constant 64 : index
      %get3A_63 = tpu.vector_load %arg6[%get3A_62] {strides = array<i32>} : memref<128xi32, #tpu.memory_space<vmem>>, vector<16xi32>,
      %get3A_64 = vector.shape_cast %get3A_63 : vector<16xi32> to vector<16xi32>
      %add3A_65 = vector.broadcast %mul3A_0 : i32 to vector<16xi32>
      %add3A_66 = arith.addi %get3A_64, %add3A_65 : vector<16xi32>
      %swap3A_67 = arith.constant 64 : index
      %swap3A_68 = tpu.vector_load %arg6[%swap3A_67] {strides = array<i32>} : memref<128xi32, #tpu.memory_space<vmem>>, vector<16xi32>,
      %swap3A_69 = vector.shape_cast %swap3A_68 : vector<16xi32> to vector<16xi32>
      %swap3A_70 = vector.shape_cast %add3A_66 : vector<16xi32> to vector<16xi32>
      tpu.vector_store %arg6[%swap3A_67], %swap3A_70 {strides = array<i32>} : memref<128xi32, #tpu.memory_space<vmem>>, vector<16xi32>,
      %get3A_71 = arith.constant 80 : index
      %get3A_72 = tpu.vector_load %arg6[%get3A_71] {strides = array<i32>} : memref<128xi32, #tpu.memory_space<vmem>>, vector<16xi32>,
      %get3A_73 = vector.shape_cast %get3A_72 : vector<16xi32> to vector<16xi32>
      %add3A_74 = vector.broadcast %mul3A_0 : i32 to vector<16xi32>
      %add3A_75 = arith.addi %get3A_73, %add3A_74 : vector<16xi32>
      %swap3A_76 = arith.constant 80 : index
      %swap3A_77 = tpu.vector_load %arg6[%swap3A_76] {strides = array<i32>} : memref<128xi32, #tpu.memory_space<vmem>>, vector<16xi32>,
      %swap3A_78 = vector.shape_cast %swap3A_77 : vector<16xi32> to vector<16xi32>
      %swap3A_79 = vector.shape_cast %add3A_75 : vector<16xi32> to vector<16xi32>
      tpu.vector_store %arg6[%swap3A_76], %swap3A_79 {strides = array<i32>} : memref<128xi32, #tpu.memory_space<vmem>>, vector<16xi32>,
      %get3A_80 = arith.constant 96 : index
      %get3A_81 = tpu.vector_load %arg6[%get3A_80] {strides = array<i32>} : memref<128xi32, #tpu.memory_space<vmem>>, vector<16xi32>,
      %get3A_82 = vector.shape_cast %get3A_81 : vector<16xi32> to vector<16xi32>
      %add3A_83 = vector.broadcast %mul3A_0 : i32 to vector<16xi32>
      %add3A_84 = arith.addi %get3A_82, %add3A_83 : vector<16xi32>
      %swap3A_85 = arith.constant 96 : index
      %swap3A_86 = tpu.vector_load %arg6[%swap3A_85] {strides = array<i32>} : memref<128xi32, #tpu.memory_space<vmem>>, vector<16xi32>,
      %swap3A_87 = vector.shape_cast %swap3A_86 : vector<16xi32> to vector<16xi32>
      %swap3A_88 = vector.shape_cast %add3A_84 : vector<16xi32> to vector<16xi32>
      tpu.vector_store %arg6[%swap3A_85], %swap3A_88 {strides = array<i32>} : memref<128xi32, #tpu.memory_space<vmem>>, vector<16xi32>,
      %get3A_89 = arith.constant 112 : index
      %get3A_90 = tpu.vector_load %arg6[%get3A_89] {strides = array<i32>} : memref<128xi32, #tpu.memory_space<vmem>>, vector<16xi32>,
      %get3A_91 = vector.shape_cast %get3A_90 : vector<16xi32> to vector<16xi32>
      %add3A_92 = vector.broadcast %mul3A_0 : i32 to vector<16xi32>
      %add3A_93 = arith.addi %get3A_91, %add3A_92 : vector<16xi32>
      %swap3A_94 = arith.constant 112 : index
      %swap3A_95 = tpu.vector_load %arg6[%swap3A_94] {strides = array<i32>} : memref<128xi32, #tpu.memory_space<vmem>>, vector<16xi32>,
      %swap3A_96 = vector.shape_cast %swap3A_95 : vector<16xi32> to vector<16xi32>
      %swap3A_97 = vector.shape_cast %add3A_93 : vector<16xi32> to vector<16xi32>
      tpu.vector_store %arg6[%swap3A_94], %swap3A_97 {strides = array<i32>} : memref<128xi32, #tpu.memory_space<vmem>>, vector<16xi32>,
      %dma_start3A = arith.constant 0 : i32
      %dma_start3A_98 = arith.constant 0 : i32
      %dma_start3A_99 = tpu.memref_slice %arg2[%dma_start3A, %dma_start3A_98] : memref<20480x128xf32, #tpu.memory_space<hbm>> -> memref<20480x128xf32, #tpu.memory_space<hbm>>
      tpu.enqueue_indirect_dma source(%dma_start3A_99 : memref<20480x128xf32, #tpu.memory_space<hbm>>) target(%arg8 : memref<128x128xf32, #tpu.memory_space<vmem>>) offsets(%arg6 : memref<128xi32, #tpu.memory_space<vmem>>) semaphore(%arg10 : memref<!tpu.dma_semaphore, #tpu.memory_space<semaphore_mem>>)
      %dma_wait3A = arith.constant 0 : i32
      %dma_wait3A_100 = arith.constant 0 : i32
      %dma_wait3A_101 = tpu.memref_slice %arg2[%dma_wait3A, %dma_wait3A_100] : memref<20480x128xf32, #tpu.memory_space<hbm>> -> memref<20480x128xf32, #tpu.memory_space<hbm>>
      tpu.wait_indirect_dma semaphore(%arg10 : memref<!tpu.dma_semaphore, #tpu.memory_space<semaphore_mem>>) src(%dma_wait3A_101 : memref<20480x128xf32, #tpu.memory_space<hbm>>) dst(%arg8 : memref<128x128xf32, #tpu.memory_space<vmem>>)
      %run_scoped3A_102 = arith.constant 0 : i32
      "tpu.region"() ({
        %run_scoped3A_104 = tpu.sem_alloc : memref<!tpu.dma_semaphore, #tpu.memory_space<semaphore_mem>>
        %dma_start3A_105 = arith.constant 0 : i32
        %dma_start3A_106 = tpu.memref_slice %arg7[%run_scoped3A_102, %dma_start3A_105] : memref<1x128xi32, #tpu.memory_space<vmem>> -> memref<1x128xi32, #tpu.memory_space<vmem>>
        %dma_start3A_107 = tpu.memref_squeeze %dma_start3A_106 : memref<1x128xi32, #tpu.memory_space<vmem>> -> memref<128xi32, #tpu.memory_space<vmem>>
        %dma_start3A_108 = arith.constant 0 : i32
        %dma_start3A_109 = arith.constant 0 : i32
        %dma_start3A_110 = tpu.memref_slice %arg9[%dma_start3A_108, %dma_start3A_109] : memref<10240x128xf32, #tpu.memory_space<vmem_shared>> -> memref<10240x128xf32, #tpu.memory_space<vmem_shared>>
        tpu.enqueue_indirect_dma source(%arg8 : memref<128x128xf32, #tpu.memory_space<vmem>>) target(%dma_start3A_110 : memref<10240x128xf32, #tpu.memory_space<vmem_shared>>) offsets(%dma_start3A_107 : memref<128xi32, #tpu.memory_space<vmem>>) semaphore(%run_scoped3A_104 : memref<!tpu.dma_semaphore, #tpu.memory_space<semaphore_mem>>) {add = true}
        %dma_wait3A_111 = arith.constant 0 : i32
        %dma_wait3A_112 = tpu.memref_slice %arg7[%run_scoped3A_102, %dma_wait3A_111] : memref<1x128xi32, #tpu.memory_space<vmem>> -> memref<1x128xi32, #tpu.memory_space<vmem>>
        %dma_wait3A_113 = tpu.memref_squeeze %dma_wait3A_112 : memref<1x128xi32, #tpu.memory_space<vmem>> -> memref<128xi32, #tpu.memory_space<vmem>>
        %dma_wait3A_114 = arith.constant 0 : i32
        %dma_wait3A_115 = arith.constant 0 : i32
        %dma_wait3A_116 = tpu.memref_slice %arg9[%dma_wait3A_114, %dma_wait3A_115] : memref<10240x128xf32, #tpu.memory_space<vmem_shared>> -> memref<10240x128xf32, #tpu.memory_space<vmem_shared>>
        tpu.wait_indirect_dma semaphore(%run_scoped3A_104 : memref<!tpu.dma_semaphore, #tpu.memory_space<semaphore_mem>>) src(%arg8 : memref<128x128xf32, #tpu.memory_space<vmem>>) dst(%dma_wait3A_116 : memref<10240x128xf32, #tpu.memory_space<vmem_shared>>)
        tpu.yield
      }) : () -> ()
      %scan3A_103 = arith.constant 0 : i32
      scf.yield %scan3A_103 : i32
    }
    %scan3A_16 = arith.constant 80 : i32
    %barrier3A_17 = arith.constant 0 : index
    tpu.barrier barrier_id(%barrier3A_17)
    %mul3A_18 = arith.constant 640 : i32
    %mul3A_19 = arith.muli %arg1, %mul3A_18 : i32
    %mul3A_20 = arith.constant 640 : i32
    %mul3A_21 = arith.muli %arg1, %mul3A_20 : i32
    %add3A_22 = arith.addi %mul3A_0, %mul3A_21 : i32
    "tpu.region"() ({
      %run_scoped3A = tpu.sem_alloc : memref<!tpu.dma_semaphore, #tpu.memory_space<semaphore_mem>>
      %dma_start3A = arith.constant 0 : i32
      %dma_start3A_23 = tpu.memref_slice %arg5[%add3A_22, %dma_start3A] : memref<20480x128xf32, #tpu.memory_space<hbm>> -> memref<640x128xf32, #tpu.memory_space<hbm>>
      %dma_start3A_24 = arith.constant 0 : i32
      %dma_start3A_25 = tpu.memref_slice %arg9[%mul3A_19, %dma_start3A_24] : memref<10240x128xf32, #tpu.memory_space<vmem_shared>> -> memref<640x128xf32, #tpu.memory_space<vmem_shared>>
      tpu.enqueue_dma source(%dma_start3A_25 : memref<640x128xf32, #tpu.memory_space<vmem_shared>>) target(%dma_start3A_23 : memref<640x128xf32, #tpu.memory_space<hbm>>) target_semaphore(%run_scoped3A : memref<!tpu.dma_semaphore, #tpu.memory_space<semaphore_mem>>)
      %dma_wait3A = arith.constant 0 : i32
      %dma_wait3A_26 = tpu.memref_slice %arg5[%add3A_22, %dma_wait3A] : memref<20480x128xf32, #tpu.memory_space<hbm>> -> memref<640x128xf32, #tpu.memory_space<hbm>>
      %dma_wait3A_27 = arith.constant 0 : i32
      %dma_wait3A_28 = tpu.memref_slice %arg9[%mul3A_19, %dma_wait3A_27] : memref<10240x128xf32, #tpu.memory_space<vmem_shared>> -> memref<640x128xf32, #tpu.memory_space<vmem_shared>>
      tpu.wait_dma2 semaphore(%run_scoped3A : memref<!tpu.dma_semaphore, #tpu.memory_space<semaphore_mem>>) src(%dma_wait3A_28 : memref<640x128xf32, #tpu.memory_space<vmem_shared>>) dst(%dma_wait3A_26 : memref<640x128xf32, #tpu.memory_space<hbm>>)
      tpu.yield
    }) : () -> ()
    return
  }
}

module attributes {stable_mosaic.version = 14 : i64} {
  func.func @_dinv_body(%arg0: i32, %arg1: memref<1024x128xf32, #tpu.memory_space<vmem>>, %arg2: memref<1024x128xf32, #tpu.memory_space<vmem>>, %arg3: memref<1024x1xf32, #tpu.memory_space<vmem>>) attributes {dimension_semantics = [#tpu.dimension_semantics<arbitrary>], iteration_bounds = array<i64: 10>, scalar_prefetch = 0 : i64, scratch_operands = 0 : i64, tpu.core_type = #tpu.core_type<tc>, window_params = [{transform_indices = @transform_0, window_bounds = array<i64: 1024, 128>}, {transform_indices = @transform_1, window_bounds = array<i64: 1024, 128>}, {transform_indices = @transform_2, window_bounds = array<i64: 1024, 1>}]} {
    %get3A = arith.constant 0 : index
    %get3A_0 = arith.constant 0 : index
    %get3A_1 = vector.load %arg1[%get3A, %get3A_0] : memref<1024x128xf32, #tpu.memory_space<vmem>>, vector<1024x1xf32>
    %get3A_2 = arith.constant 0 : index
    %get3A_3 = arith.constant 0 : index
    %get3A_4 = vector.load %arg2[%get3A_2, %get3A_3] : memref<1024x128xf32, #tpu.memory_space<vmem>>, vector<1024x1xf32>
    %add3A = arith.addf %get3A_1, %get3A_4 : vector<1024x1xf32>
    %add3A_5 = arith.constant 1.000000e+00 : f32
    %add3A_6 = vector.broadcast %add3A_5 : f32 to vector<1024x1xf32>
    %add3A_7 = arith.addf %add3A, %add3A_6 : vector<1024x1xf32>
    %rsqrt3A = math.rsqrt %add3A_7 : vector<1024x1xf32>
    %swap3A = arith.constant 0 : index
    %swap3A_8 = arith.constant 0 : index
    %swap3A_9 = vector.load %arg3[%swap3A, %swap3A_8] : memref<1024x1xf32, #tpu.memory_space<vmem>>, vector<1024x1xf32>
    tpu.vector_store %arg3[%swap3A, %swap3A_8], %rsqrt3A {strides = array<i32>} : memref<1024x1xf32, #tpu.memory_space<vmem>>, vector<1024x1xf32>,
    return
  }
  func.func @transform_0(%arg0: i32) -> (i32, i32) {
    %c0_i32 = arith.constant 0 : i32
    %c0_i32_0 = arith.constant 0 : i32
    return %arg0, %c0_i32 : i32, i32
  }
  func.func @transform_1(%arg0: i32) -> (i32, i32) {
    %add3A = arith.constant 10 : i32
    %add3A_0 = arith.addi %add3A, %arg0 : i32
    %c0_i32 = arith.constant 0 : i32
    %c0_i32_1 = arith.constant 0 : i32
    return %add3A_0, %c0_i32 : i32, i32
  }
  func.func @transform_2(%arg0: i32) -> (i32, i32) {
    %c0_i32 = arith.constant 0 : i32
    %c0_i32_0 = arith.constant 0 : i32
    return %arg0, %c0_i32 : i32, i32
  }
}

module attributes {stable_mosaic.version = 14 : i64} {
  func.func @_lin1_body(%arg0: i32, %arg1: i32, %arg2: memref<1024x128xf32, #tpu.memory_space<vmem>>, %arg3: memref<128x128xf32, #tpu.memory_space<vmem>>, %arg4: memref<1024x1xf32, #tpu.memory_space<vmem>>, %arg5: memref<1024x128xf32, #tpu.memory_space<vmem>>) attributes {dimension_semantics = [#tpu.dimension_semantics<arbitrary>, #tpu.dimension_semantics<arbitrary>], iteration_bounds = array<i64: 2, 10>, scalar_prefetch = 0 : i64, scratch_operands = 0 : i64, tpu.core_type = #tpu.core_type<tc>, window_params = [{transform_indices = @transform_0, window_bounds = array<i64: 1024, 128>}, {pipeline_mode = #tpu.pipeline_mode<synchronous>, transform_indices = @transform_1, window_bounds = array<i64: 128, 128>}, {transform_indices = @transform_2, window_bounds = array<i64: 1024, 1>}, {transform_indices = @transform_3, window_bounds = array<i64: 1024, 128>}]} {
    %get3A = arith.constant 0 : index
    %get3A_0 = arith.constant 0 : index
    %get3A_1 = vector.load %arg4[%get3A, %get3A_0] : memref<1024x1xf32, #tpu.memory_space<vmem>>, vector<1024x1xf32>
    %get3A_2 = arith.constant 0 : index
    %get3A_3 = arith.constant 0 : index
    %get3A_4 = vector.load %arg2[%get3A_2, %get3A_3] : memref<1024x128xf32, #tpu.memory_space<vmem>>, vector<1024x128xf32>
    %get3A_5 = arith.constant 0 : index
    %get3A_6 = arith.constant 0 : index
    %get3A_7 = vector.load %arg3[%get3A_5, %get3A_6] : memref<128x128xf32, #tpu.memory_space<vmem>>, vector<128x128xf32>
    %dot_general3A = arith.constant dense<0.000000e+00> : vector<1024x128xf32>
    %dot_general3A_8 = tpu.matmul %get3A_4, %get3A_7, %dot_general3A {dimension_numbers = #tpu.dot_dimension_numbers<[1], [0], [0], [1], [0, 0, 1, 1], [], []>, transpose_lhs_hint = false} : vector<1024x128xf32>, vector<128x128xf32>, vector<1024x128xf32> -> vector<1024x128xf32>
    %mul3A = vector.broadcast %get3A_1 : vector<1024x1xf32> to vector<1024x128xf32>
    %mul3A_9 = arith.mulf %mul3A, %dot_general3A_8 : vector<1024x128xf32>
    %swap3A = arith.constant 0 : index
    %swap3A_10 = arith.constant 0 : index
    %swap3A_11 = vector.load %arg5[%swap3A, %swap3A_10] : memref<1024x128xf32, #tpu.memory_space<vmem>>, vector<1024x128xf32>
    tpu.vector_store %arg5[%swap3A, %swap3A_10], %mul3A_9 {strides = array<i32>} : memref<1024x128xf32, #tpu.memory_space<vmem>>, vector<1024x128xf32>,
    return
  }
  func.func @transform_0(%arg0: i32, %arg1: i32) -> (i32, i32) {
    %c0_i32 = arith.constant 0 : i32
    %c0_i32_0 = arith.constant 0 : i32
    return %arg1, %c0_i32 : i32, i32
  }
  func.func @transform_1(%arg0: i32, %arg1: i32) -> (i32, i32) {
    %c0_i32 = arith.constant 0 : i32
    %c0_i32_0 = arith.constant 0 : i32
    %c0_i32_1 = arith.constant 0 : i32
    return %c0_i32, %c0_i32_0 : i32, i32
  }
  func.func @transform_2(%arg0: i32, %arg1: i32) -> (i32, i32) {
    %c0_i32 = arith.constant 0 : i32
    %c0_i32_0 = arith.constant 0 : i32
    return %arg1, %c0_i32 : i32, i32
  }
  func.func @transform_3(%arg0: i32, %arg1: i32) -> (i32, i32) {
    %mul3A = arith.constant 10 : i32
    %mul3A_0 = arith.muli %arg0, %mul3A : i32
    %add3A = arith.addi %mul3A_0, %arg1 : i32
    %c0_i32 = arith.constant 0 : i32
    %c0_i32_1 = arith.constant 0 : i32
    return %add3A, %c0_i32 : i32, i32
  }
}

module attributes {stable_mosaic.version = 14 : i64} {
  func.func @_feat_to_feat_body(%arg0: i32, %arg1: i32, %arg2: memref<1024x128xf32, #tpu.memory_space<vmem>>, %arg3: memref<1024x128xf32, #tpu.memory_space<vmem>>, %arg4: memref<1x256xf32, #tpu.memory_space<vmem>>, %arg5: memref<1x256x128xf32, #tpu.memory_space<vmem>>, %arg6: memref<1024x1xf32, #tpu.memory_space<vmem>>, %arg7: memref<1024x128xf32, #tpu.memory_space<vmem>>) attributes {dimension_semantics = [#tpu.dimension_semantics<arbitrary>, #tpu.dimension_semantics<arbitrary>], iteration_bounds = array<i64: 2, 10>, scalar_prefetch = 0 : i64, scratch_operands = 0 : i64, tpu.core_type = #tpu.core_type<tc>, window_params = [{transform_indices = @transform_0, window_bounds = array<i64: 1024, 128>}, {transform_indices = @transform_1, window_bounds = array<i64: 1024, 128>}, {pipeline_mode = #tpu.pipeline_mode<synchronous>, transform_indices = @transform_2, window_bounds = array<i64: 1, 256>}, {transform_indices = @transform_3, window_bounds = array<i64: 1, 256, 128>}, {transform_indices = @transform_4, window_bounds = array<i64: 1024, 1>}, {transform_indices = @transform_5, window_bounds = array<i64: 1024, 128>}]} {
    %get3A = arith.constant 0 : index
    %get3A_0 = arith.constant 0 : index
    %get3A_1 = vector.load %arg2[%get3A, %get3A_0] : memref<1024x128xf32, #tpu.memory_space<vmem>>, vector<1024x128xf32>
    %get3A_2 = arith.constant 0 : index
    %get3A_3 = arith.constant 0 : index
    %get3A_4 = vector.load %arg3[%get3A_2, %get3A_3] : memref<1024x128xf32, #tpu.memory_space<vmem>>, vector<1024x128xf32>
    %concatenate3A = tpu.concatenate %get3A_1, %get3A_4 in 1 : vector<1024x128xf32>, vector<1024x128xf32> -> vector<1024x256xf32>
    %get3A_5 = arith.constant 0 : index
    %get3A_6 = arith.constant 0 : index
    %get3A_7 = vector.load %arg6[%get3A_5, %get3A_6] : memref<1024x1xf32, #tpu.memory_space<vmem>>, vector<1024x1xf32>
    %mul3A = vector.broadcast %get3A_7 : vector<1024x1xf32> to vector<1024x256xf32>
    %mul3A_8 = arith.mulf %mul3A, %concatenate3A : vector<1024x256xf32>
    %get3A_9 = arith.constant 0 : index
    %get3A_10 = arith.constant 0 : index
    %get3A_11 = vector.load %arg4[%get3A_9, %get3A_10] : memref<1x256xf32, #tpu.memory_space<vmem>>, vector<1x256xf32>
    %add3A = vector.broadcast %get3A_11 : vector<1x256xf32> to vector<1024x256xf32>
    %add3A_12 = arith.addf %mul3A_8, %add3A : vector<1024x256xf32>
    %max3A = arith.constant 0.000000e+00 : f32
    %max3A_13 = vector.broadcast %max3A : f32 to vector<1024x256xf32>
    %max3A_14 = arith.maximumf %add3A_12, %max3A_13 : vector<1024x256xf32>
    %get3A_15 = arith.constant 0 : index
    %get3A_16 = arith.constant 0 : index
    %get3A_17 = vector.load %arg6[%get3A_15, %get3A_16] : memref<1024x1xf32, #tpu.memory_space<vmem>>, vector<1024x1xf32>
    %get3A_18 = arith.constant 0 : index
    %get3A_19 = arith.constant 0 : index
    %get3A_20 = arith.constant 0 : index
    %get3A_21 = vector.load %arg5[%get3A_18, %get3A_19, %get3A_20] : memref<1x256x128xf32, #tpu.memory_space<vmem>>, vector<1x256x128xf32>
    %get3A_22 = vector.shape_cast %get3A_21 : vector<1x256x128xf32> to vector<256x128xf32>
    %dot_general3A = arith.constant dense<0.000000e+00> : vector<1024x128xf32>
    %dot_general3A_23 = tpu.matmul %max3A_14, %get3A_22, %dot_general3A {dimension_numbers = #tpu.dot_dimension_numbers<[1], [0], [0], [1], [0, 0, 1, 1], [], []>, transpose_lhs_hint = false} : vector<1024x256xf32>, vector<256x128xf32>, vector<1024x128xf32> -> vector<1024x128xf32>
    %mul3A_24 = vector.broadcast %get3A_17 : vector<1024x1xf32> to vector<1024x128xf32>
    %mul3A_25 = arith.mulf %mul3A_24, %dot_general3A_23 : vector<1024x128xf32>
    %swap3A = arith.constant 0 : index
    %swap3A_26 = arith.constant 0 : index
    %swap3A_27 = vector.load %arg7[%swap3A, %swap3A_26] : memref<1024x128xf32, #tpu.memory_space<vmem>>, vector<1024x128xf32>
    tpu.vector_store %arg7[%swap3A, %swap3A_26], %mul3A_25 {strides = array<i32>} : memref<1024x128xf32, #tpu.memory_space<vmem>>, vector<1024x128xf32>,
    return
  }
  func.func @transform_0(%arg0: i32, %arg1: i32) -> (i32, i32) {
    %c0_i32 = arith.constant 0 : i32
    %c0_i32_0 = arith.constant 0 : i32
    return %arg1, %c0_i32 : i32, i32
  }
  func.func @transform_1(%arg0: i32, %arg1: i32) -> (i32, i32) {
    %add3A = arith.constant 10 : i32
    %add3A_0 = arith.addi %add3A, %arg1 : i32
    %c0_i32 = arith.constant 0 : i32
    %c0_i32_1 = arith.constant 0 : i32
    return %add3A_0, %c0_i32 : i32, i32
  }
  func.func @transform_2(%arg0: i32, %arg1: i32) -> (i32, i32) {
    %c0_i32 = arith.constant 0 : i32
    %c0_i32_0 = arith.constant 0 : i32
    %c0_i32_1 = arith.constant 0 : i32
    return %c0_i32, %c0_i32_0 : i32, i32
  }
  func.func @transform_3(%arg0: i32, %arg1: i32) -> (i32, i32, i32) {
    %c0_i32 = arith.constant 0 : i32
    %c0_i32_0 = arith.constant 0 : i32
    %c0_i32_1 = arith.constant 0 : i32
    return %arg0, %c0_i32, %c0_i32_0 : i32, i32, i32
  }
  func.func @transform_4(%arg0: i32, %arg1: i32) -> (i32, i32) {
    %c0_i32 = arith.constant 0 : i32
    %c0_i32_0 = arith.constant 0 : i32
    return %arg1, %c0_i32 : i32, i32
  }
  func.func @transform_5(%arg0: i32, %arg1: i32) -> (i32, i32) {
    %mul3A = arith.constant 10 : i32
    %mul3A_0 = arith.muli %arg0, %mul3A : i32
    %add3A = arith.addi %mul3A_0, %arg1 : i32
    %c0_i32 = arith.constant 0 : i32
    %c0_i32_1 = arith.constant 0 : i32
    return %add3A, %c0_i32 : i32, i32
  }
}

module attributes {stable_mosaic.version = 14 : i64} {
  func.func @_sum_to_feat_body(%arg0: i32, %arg1: i32, %arg2: memref<1024x128xf32, #tpu.memory_space<vmem>>, %arg3: memref<1024x128xf32, #tpu.memory_space<vmem>>, %arg4: memref<1x128xf32, #tpu.memory_space<vmem>>, %arg5: memref<1x128x128xf32, #tpu.memory_space<vmem>>, %arg6: memref<1024x1xf32, #tpu.memory_space<vmem>>, %arg7: memref<1024x128xf32, #tpu.memory_space<vmem>>) attributes {dimension_semantics = [#tpu.dimension_semantics<arbitrary>, #tpu.dimension_semantics<arbitrary>], iteration_bounds = array<i64: 2, 10>, scalar_prefetch = 0 : i64, scratch_operands = 0 : i64, tpu.core_type = #tpu.core_type<tc>, window_params = [{transform_indices = @transform_0, window_bounds = array<i64: 1024, 128>}, {transform_indices = @transform_1, window_bounds = array<i64: 1024, 128>}, {pipeline_mode = #tpu.pipeline_mode<synchronous>, transform_indices = @transform_2, window_bounds = array<i64: 1, 128>}, {transform_indices = @transform_3, window_bounds = array<i64: 1, 128, 128>}, {transform_indices = @transform_4, window_bounds = array<i64: 1024, 1>}, {transform_indices = @transform_5, window_bounds = array<i64: 1024, 128>}]} {
    %get3A = arith.constant 0 : index
    %get3A_0 = arith.constant 0 : index
    %get3A_1 = vector.load %arg2[%get3A, %get3A_0] : memref<1024x128xf32, #tpu.memory_space<vmem>>, vector<1024x128xf32>
    %get3A_2 = arith.constant 0 : index
    %get3A_3 = arith.constant 0 : index
    %get3A_4 = vector.load %arg3[%get3A_2, %get3A_3] : memref<1024x128xf32, #tpu.memory_space<vmem>>, vector<1024x128xf32>
    %add3A = arith.addf %get3A_1, %get3A_4 : vector<1024x128xf32>
    %get3A_5 = arith.constant 0 : index
    %get3A_6 = arith.constant 0 : index
    %get3A_7 = vector.load %arg6[%get3A_5, %get3A_6] : memref<1024x1xf32, #tpu.memory_space<vmem>>, vector<1024x1xf32>
    %mul3A = vector.broadcast %get3A_7 : vector<1024x1xf32> to vector<1024x128xf32>
    %mul3A_8 = arith.mulf %mul3A, %add3A : vector<1024x128xf32>
    %get3A_9 = arith.constant 0 : index
    %get3A_10 = arith.constant 0 : index
    %get3A_11 = vector.load %arg4[%get3A_9, %get3A_10] : memref<1x128xf32, #tpu.memory_space<vmem>>, vector<1x128xf32>
    %add3A_12 = vector.broadcast %get3A_11 : vector<1x128xf32> to vector<1024x128xf32>
    %add3A_13 = arith.addf %mul3A_8, %add3A_12 : vector<1024x128xf32>
    %max3A = arith.constant 0.000000e+00 : f32
    %max3A_14 = vector.broadcast %max3A : f32 to vector<1024x128xf32>
    %max3A_15 = arith.maximumf %add3A_13, %max3A_14 : vector<1024x128xf32>
    %get3A_16 = arith.constant 0 : index
    %get3A_17 = arith.constant 0 : index
    %get3A_18 = vector.load %arg6[%get3A_16, %get3A_17] : memref<1024x1xf32, #tpu.memory_space<vmem>>, vector<1024x1xf32>
    %get3A_19 = arith.constant 0 : index
    %get3A_20 = arith.constant 0 : index
    %get3A_21 = arith.constant 0 : index
    %get3A_22 = vector.load %arg5[%get3A_19, %get3A_20, %get3A_21] : memref<1x128x128xf32, #tpu.memory_space<vmem>>, vector<1x128x128xf32>
    %get3A_23 = vector.shape_cast %get3A_22 : vector<1x128x128xf32> to vector<128x128xf32>
    %dot_general3A = arith.constant dense<0.000000e+00> : vector<1024x128xf32>
    %dot_general3A_24 = tpu.matmul %max3A_15, %get3A_23, %dot_general3A {dimension_numbers = #tpu.dot_dimension_numbers<[1], [0], [0], [1], [0, 0, 1, 1], [], []>, transpose_lhs_hint = false} : vector<1024x128xf32>, vector<128x128xf32>, vector<1024x128xf32> -> vector<1024x128xf32>
    %mul3A_25 = vector.broadcast %get3A_18 : vector<1024x1xf32> to vector<1024x128xf32>
    %mul3A_26 = arith.mulf %mul3A_25, %dot_general3A_24 : vector<1024x128xf32>
    %swap3A = arith.constant 0 : index
    %swap3A_27 = arith.constant 0 : index
    %swap3A_28 = vector.load %arg7[%swap3A, %swap3A_27] : memref<1024x128xf32, #tpu.memory_space<vmem>>, vector<1024x128xf32>
    tpu.vector_store %arg7[%swap3A, %swap3A_27], %mul3A_26 {strides = array<i32>} : memref<1024x128xf32, #tpu.memory_space<vmem>>, vector<1024x128xf32>,
    return
  }
  func.func @transform_0(%arg0: i32, %arg1: i32) -> (i32, i32) {
    %c0_i32 = arith.constant 0 : i32
    %c0_i32_0 = arith.constant 0 : i32
    return %arg1, %c0_i32 : i32, i32
  }
  func.func @transform_1(%arg0: i32, %arg1: i32) -> (i32, i32) {
    %add3A = arith.constant 10 : i32
    %add3A_0 = arith.addi %add3A, %arg1 : i32
    %c0_i32 = arith.constant 0 : i32
    %c0_i32_1 = arith.constant 0 : i32
    return %add3A_0, %c0_i32 : i32, i32
  }
  func.func @transform_2(%arg0: i32, %arg1: i32) -> (i32, i32) {
    %c0_i32 = arith.constant 0 : i32
    %c0_i32_0 = arith.constant 0 : i32
    %c0_i32_1 = arith.constant 0 : i32
    return %c0_i32, %c0_i32_0 : i32, i32
  }
  func.func @transform_3(%arg0: i32, %arg1: i32) -> (i32, i32, i32) {
    %c0_i32 = arith.constant 0 : i32
    %c0_i32_0 = arith.constant 0 : i32
    %c0_i32_1 = arith.constant 0 : i32
    return %arg0, %c0_i32, %c0_i32_0 : i32, i32, i32
  }
  func.func @transform_4(%arg0: i32, %arg1: i32) -> (i32, i32) {
    %c0_i32 = arith.constant 0 : i32
    %c0_i32_0 = arith.constant 0 : i32
    return %arg1, %c0_i32 : i32, i32
  }
  func.func @transform_5(%arg0: i32, %arg1: i32) -> (i32, i32) {
    %mul3A = arith.constant 10 : i32
    %mul3A_0 = arith.muli %arg0, %mul3A : i32
    %add3A = arith.addi %mul3A_0, %arg1 : i32
    %c0_i32 = arith.constant 0 : i32
    %c0_i32_1 = arith.constant 0 : i32
    return %add3A, %c0_i32 : i32, i32
  }
}

module attributes {stable_mosaic.version = 14 : i64} {
  func.func @_feat_to_edge_body(%arg0: i32, %arg1: i32, %arg2: memref<1024x128xf32, #tpu.memory_space<vmem>>, %arg3: memref<1024x128xf32, #tpu.memory_space<vmem>>, %arg4: memref<1x256xf32, #tpu.memory_space<vmem>>, %arg5: memref<256x128xf32, #tpu.memory_space<vmem>>, %arg6: memref<1024x1xf32, #tpu.memory_space<vmem>>, %arg7: memref<1024x128xf32, #tpu.memory_space<vmem>>) attributes {dimension_semantics = [#tpu.dimension_semantics<arbitrary>, #tpu.dimension_semantics<arbitrary>], iteration_bounds = array<i64: 2, 10>, scalar_prefetch = 0 : i64, scratch_operands = 0 : i64, tpu.core_type = #tpu.core_type<tc>, window_params = [{transform_indices = @transform_0, window_bounds = array<i64: 1024, 128>}, {transform_indices = @transform_1, window_bounds = array<i64: 1024, 128>}, {pipeline_mode = #tpu.pipeline_mode<synchronous>, transform_indices = @transform_2, window_bounds = array<i64: 1, 256>}, {pipeline_mode = #tpu.pipeline_mode<synchronous>, transform_indices = @transform_3, window_bounds = array<i64: 256, 128>}, {transform_indices = @transform_4, window_bounds = array<i64: 1024, 1>}, {transform_indices = @transform_5, window_bounds = array<i64: 1024, 128>}]} {
    %get3A = arith.constant 0 : index
    %get3A_0 = arith.constant 0 : index
    %get3A_1 = vector.load %arg2[%get3A, %get3A_0] : memref<1024x128xf32, #tpu.memory_space<vmem>>, vector<1024x128xf32>
    %get3A_2 = arith.constant 0 : index
    %get3A_3 = arith.constant 0 : index
    %get3A_4 = vector.load %arg3[%get3A_2, %get3A_3] : memref<1024x128xf32, #tpu.memory_space<vmem>>, vector<1024x128xf32>
    %concatenate3A = tpu.concatenate %get3A_1, %get3A_4 in 1 : vector<1024x128xf32>, vector<1024x128xf32> -> vector<1024x256xf32>
    %get3A_5 = arith.constant 0 : index
    %get3A_6 = arith.constant 0 : index
    %get3A_7 = vector.load %arg6[%get3A_5, %get3A_6] : memref<1024x1xf32, #tpu.memory_space<vmem>>, vector<1024x1xf32>
    %mul3A = vector.broadcast %get3A_7 : vector<1024x1xf32> to vector<1024x256xf32>
    %mul3A_8 = arith.mulf %mul3A, %concatenate3A : vector<1024x256xf32>
    %get3A_9 = arith.constant 0 : index
    %get3A_10 = arith.constant 0 : index
    %get3A_11 = vector.load %arg4[%get3A_9, %get3A_10] : memref<1x256xf32, #tpu.memory_space<vmem>>, vector<1x256xf32>
    %add3A = vector.broadcast %get3A_11 : vector<1x256xf32> to vector<1024x256xf32>
    %add3A_12 = arith.addf %mul3A_8, %add3A : vector<1024x256xf32>
    %max3A = arith.constant 0.000000e+00 : f32
    %max3A_13 = vector.broadcast %max3A : f32 to vector<1024x256xf32>
    %max3A_14 = arith.maximumf %add3A_12, %max3A_13 : vector<1024x256xf32>
    %get3A_15 = arith.constant 0 : index
    %get3A_16 = arith.constant 0 : index
    %get3A_17 = vector.load %arg6[%get3A_15, %get3A_16] : memref<1024x1xf32, #tpu.memory_space<vmem>>, vector<1024x1xf32>
    %get3A_18 = arith.constant 0 : index
    %get3A_19 = arith.constant 0 : index
    %get3A_20 = vector.load %arg5[%get3A_18, %get3A_19] : memref<256x128xf32, #tpu.memory_space<vmem>>, vector<256x128xf32>
    %dot_general3A = arith.constant dense<0.000000e+00> : vector<1024x128xf32>
    %dot_general3A_21 = tpu.matmul %max3A_14, %get3A_20, %dot_general3A {dimension_numbers = #tpu.dot_dimension_numbers<[1], [0], [0], [1], [0, 0, 1, 1], [], []>, transpose_lhs_hint = false} : vector<1024x256xf32>, vector<256x128xf32>, vector<1024x128xf32> -> vector<1024x128xf32>
    %mul3A_22 = vector.broadcast %get3A_17 : vector<1024x1xf32> to vector<1024x128xf32>
    %mul3A_23 = arith.mulf %mul3A_22, %dot_general3A_21 : vector<1024x128xf32>
    %swap3A = arith.constant 0 : index
    %swap3A_24 = arith.constant 0 : index
    %swap3A_25 = vector.load %arg7[%swap3A, %swap3A_24] : memref<1024x128xf32, #tpu.memory_space<vmem>>, vector<1024x128xf32>
    tpu.vector_store %arg7[%swap3A, %swap3A_24], %mul3A_23 {strides = array<i32>} : memref<1024x128xf32, #tpu.memory_space<vmem>>, vector<1024x128xf32>,
    return
  }
  func.func @transform_0(%arg0: i32, %arg1: i32) -> (i32, i32) {
    %c0_i32 = arith.constant 0 : i32
    %c0_i32_0 = arith.constant 0 : i32
    return %arg1, %c0_i32 : i32, i32
  }
  func.func @transform_1(%arg0: i32, %arg1: i32) -> (i32, i32) {
    %add3A = arith.constant 10 : i32
    %add3A_0 = arith.addi %add3A, %arg1 : i32
    %c0_i32 = arith.constant 0 : i32
    %c0_i32_1 = arith.constant 0 : i32
    return %add3A_0, %c0_i32 : i32, i32
  }
  func.func @transform_2(%arg0: i32, %arg1: i32) -> (i32, i32) {
    %c0_i32 = arith.constant 0 : i32
    %c0_i32_0 = arith.constant 0 : i32
    %c0_i32_1 = arith.constant 0 : i32
    return %c0_i32, %c0_i32_0 : i32, i32
  }
  func.func @transform_3(%arg0: i32, %arg1: i32) -> (i32, i32) {
    %c0_i32 = arith.constant 0 : i32
    %c0_i32_0 = arith.constant 0 : i32
    %c0_i32_1 = arith.constant 0 : i32
    return %c0_i32, %c0_i32_0 : i32, i32
  }
  func.func @transform_4(%arg0: i32, %arg1: i32) -> (i32, i32) {
    %c0_i32 = arith.constant 0 : i32
    %c0_i32_0 = arith.constant 0 : i32
    return %arg1, %c0_i32 : i32, i32
  }
  func.func @transform_5(%arg0: i32, %arg1: i32) -> (i32, i32) {
    %mul3A = arith.constant 10 : i32
    %mul3A_0 = arith.muli %arg0, %mul3A : i32
    %add3A = arith.addi %mul3A_0, %arg1 : i32
    %c0_i32 = arith.constant 0 : i32
    %c0_i32_1 = arith.constant 0 : i32
    return %add3A, %c0_i32 : i32, i32
  }
}

module attributes {stable_mosaic.version = 14 : i64} {
  func.func @_head_body(%arg0: i32, %arg1: memref<1024x128xf32, #tpu.memory_space<vmem>>, %arg2: memref<1024x128xf32, #tpu.memory_space<vmem>>, %arg3: memref<1x128xf32, #tpu.memory_space<vmem>>, %arg4: memref<128x32xf32, #tpu.memory_space<vmem>>, %arg5: memref<1x32xf32, #tpu.memory_space<vmem>>, %arg6: memref<1024x1xf32, #tpu.memory_space<vmem>>, %arg7: memref<1024x32xf32, #tpu.memory_space<vmem>>) attributes {dimension_semantics = [#tpu.dimension_semantics<arbitrary>], iteration_bounds = array<i64: 10>, scalar_prefetch = 0 : i64, scratch_operands = 0 : i64, tpu.core_type = #tpu.core_type<tc>, window_params = [{transform_indices = @transform_0, window_bounds = array<i64: 1024, 128>}, {transform_indices = @transform_1, window_bounds = array<i64: 1024, 128>}, {pipeline_mode = #tpu.pipeline_mode<synchronous>, transform_indices = @transform_2, window_bounds = array<i64: 1, 128>}, {pipeline_mode = #tpu.pipeline_mode<synchronous>, transform_indices = @transform_3, window_bounds = array<i64: 128, 32>}, {pipeline_mode = #tpu.pipeline_mode<synchronous>, transform_indices = @transform_4, window_bounds = array<i64: 1, 32>}, {transform_indices = @transform_5, window_bounds = array<i64: 1024, 1>}, {transform_indices = @transform_6, window_bounds = array<i64: 1024, 32>}]} {
    %get3A = arith.constant 0 : index
    %get3A_0 = arith.constant 0 : index
    %get3A_1 = vector.load %arg1[%get3A, %get3A_0] : memref<1024x128xf32, #tpu.memory_space<vmem>>, vector<1024x128xf32>
    %get3A_2 = arith.constant 0 : index
    %get3A_3 = arith.constant 0 : index
    %get3A_4 = vector.load %arg2[%get3A_2, %get3A_3] : memref<1024x128xf32, #tpu.memory_space<vmem>>, vector<1024x128xf32>
    %add3A = arith.addf %get3A_1, %get3A_4 : vector<1024x128xf32>
    %get3A_5 = arith.constant 0 : index
    %get3A_6 = arith.constant 0 : index
    %get3A_7 = vector.load %arg6[%get3A_5, %get3A_6] : memref<1024x1xf32, #tpu.memory_space<vmem>>, vector<1024x1xf32>
    %mul3A = vector.broadcast %get3A_7 : vector<1024x1xf32> to vector<1024x128xf32>
    %mul3A_8 = arith.mulf %mul3A, %add3A : vector<1024x128xf32>
    %get3A_9 = arith.constant 0 : index
    %get3A_10 = arith.constant 0 : index
    %get3A_11 = vector.load %arg3[%get3A_9, %get3A_10] : memref<1x128xf32, #tpu.memory_space<vmem>>, vector<1x128xf32>
    %add3A_12 = vector.broadcast %get3A_11 : vector<1x128xf32> to vector<1024x128xf32>
    %add3A_13 = arith.addf %mul3A_8, %add3A_12 : vector<1024x128xf32>
    %max3A = arith.constant 0.000000e+00 : f32
    %max3A_14 = vector.broadcast %max3A : f32 to vector<1024x128xf32>
    %max3A_15 = arith.maximumf %add3A_13, %max3A_14 : vector<1024x128xf32>
    %get3A_16 = arith.constant 0 : index
    %get3A_17 = arith.constant 0 : index
    %get3A_18 = vector.load %arg4[%get3A_16, %get3A_17] : memref<128x32xf32, #tpu.memory_space<vmem>>, vector<128x32xf32>
    %dot_general3A = arith.constant dense<0.000000e+00> : vector<1024x32xf32>
    %dot_general3A_19 = tpu.matmul %max3A_15, %get3A_18, %dot_general3A {dimension_numbers = #tpu.dot_dimension_numbers<[1], [0], [0], [1], [0, 0, 1, 1], [], []>, transpose_lhs_hint = false} : vector<1024x128xf32>, vector<128x32xf32>, vector<1024x32xf32> -> vector<1024x32xf32>
    %get3A_20 = arith.constant 0 : index
    %get3A_21 = arith.constant 0 : index
    %get3A_22 = vector.load %arg5[%get3A_20, %get3A_21] : memref<1x32xf32, #tpu.memory_space<vmem>>, vector<1x32xf32>
    %add3A_23 = vector.broadcast %get3A_22 : vector<1x32xf32> to vector<1024x32xf32>
    %add3A_24 = arith.addf %dot_general3A_19, %add3A_23 : vector<1024x32xf32>
    %swap3A = arith.constant 0 : index
    %swap3A_25 = arith.constant 0 : index
    %swap3A_26 = vector.load %arg7[%swap3A, %swap3A_25] : memref<1024x32xf32, #tpu.memory_space<vmem>>, vector<1024x32xf32>
    tpu.vector_store %arg7[%swap3A, %swap3A_25], %add3A_24 {strides = array<i32>} : memref<1024x32xf32, #tpu.memory_space<vmem>>, vector<1024x32xf32>,
    return
  }
  func.func @transform_0(%arg0: i32) -> (i32, i32) {
    %c0_i32 = arith.constant 0 : i32
    %c0_i32_0 = arith.constant 0 : i32
    return %arg0, %c0_i32 : i32, i32
  }
  func.func @transform_1(%arg0: i32) -> (i32, i32) {
    %add3A = arith.constant 10 : i32
    %add3A_0 = arith.addi %add3A, %arg0 : i32
    %c0_i32 = arith.constant 0 : i32
    %c0_i32_1 = arith.constant 0 : i32
    return %add3A_0, %c0_i32 : i32, i32
  }
  func.func @transform_2(%arg0: i32) -> (i32, i32) {
    %c0_i32 = arith.constant 0 : i32
    %c0_i32_0 = arith.constant 0 : i32
    %c0_i32_1 = arith.constant 0 : i32
    return %c0_i32, %c0_i32_0 : i32, i32
  }
  func.func @transform_3(%arg0: i32) -> (i32, i32) {
    %c0_i32 = arith.constant 0 : i32
    %c0_i32_0 = arith.constant 0 : i32
    %c0_i32_1 = arith.constant 0 : i32
    return %c0_i32, %c0_i32_0 : i32, i32
  }
  func.func @transform_4(%arg0: i32) -> (i32, i32) {
    %c0_i32 = arith.constant 0 : i32
    %c0_i32_0 = arith.constant 0 : i32
    %c0_i32_1 = arith.constant 0 : i32
    return %c0_i32, %c0_i32_0 : i32, i32
  }
  func.func @transform_5(%arg0: i32) -> (i32, i32) {
    %c0_i32 = arith.constant 0 : i32
    %c0_i32_0 = arith.constant 0 : i32
    return %arg0, %c0_i32 : i32, i32
  }
  func.func @transform_6(%arg0: i32) -> (i32, i32) {
    %c0_i32 = arith.constant 0 : i32
    %c0_i32_0 = arith.constant 0 : i32
    return %arg0, %c0_i32 : i32, i32
  }
}

</mosaic_0001>

<sc_bundles>
// kernel: kernel.13.cloned.1.call-start
scs
__scs_entry_jumppad:
0x0: {  	(pc) =	sbr.rel $0x88, $3  }
0x1: {  	(tag) =	ssettag $0x0;
	lr =	simm.s32 $0x1  }
0x2: {  	[smem:$0x3F95] =	sst lr;
	_ =	strace $0xD0000000  }
0x3: {  	_ = 	snop  }
0x4: {  	_ = 	snop  }
0x5: {  	_ = 	snop  }
0x6: {  	_ = 	snop  }
0x7: {  	_ = 	snop  }
__scs_overlays_trampoline_lowered:
0x8: {  	[smem:$0x3FA4] =	sst s0  }
0x9: {  	[smem:$0x3FA5] =	sst s1  }
0xa: {  	[smem:$0x3FA6] =	sst s2  }
0xb: {  	[smem:$0x3FA7] =	sst s3  }
0xc: {  	[smem:$0x3FA8] =	sst s4  }
0xd: {  	[smem:$0x3FA9] =	sst s5  }
0xe: {  	[smem:$0x3FAA] =	sst s6  }
0xf: {  	[smem:$0x3FAB] =	sst s7  }
0x10: {  	[smem:$0x3FAC] =	sst s8  }
0x11: {  	[smem:$0x3FAD] =	sst s9;
	s0 =	simm.s32 @!p0 $0x0  }
0x12: {  	s1 =	sld [smem:$0x3F93];
	s0 =	simm.s32 @p0 $0x1  }
0x13: {  	[smem:$0x3FAE] =	sst s0;
	s0 =	simm.s32 @!p1 $0x0  }
0x14: {  	s2 =	sld [smem:$0x3F92];
	s0 =	simm.s32 @p1 $0x1  }
0x15: {  	[smem:$0x3FAF] =	sst s0;
	s0 =	simm.s32 @!p2 $0x0  }
0x16: {  	s3 =	sld [smem:$0x3FDB];
	s0 =	simm.s32 @p2 $0x1  }
0x17: {  	s4 =	simm.s32 $0x1BF5;
	[smem:$0x3FB1] =	sst s0  }
0x18: {  	s0 =	sld [smem:$0x3F94];
	_ =	swait.ge [sflag:s4], $0x0  }
0x19: {  	s7 =	sld [smem:$0x3F95]  }
0x1a: {  	s8 =	sadd.s32 $0xFFFFE003, lr  }
0x1b: {  	s9 =	sadd.s32 $0xFFFFFEF7, lr;
	s5 =	simm.s32 $0xFFFFFFFF;
	p2 =	slt.u32 s8, $0xFFFFF086  }
0x1c: {  	p1 =	slt.u32 s9, $0xF7A;
	s5 =	simm.s32 @!p2 $0x0  }
0x1d: {  	s5 =	simm.s32 @p1 $0x1;
	p0 =	seq.s32 s7, s2  }
0x1e: {  	s7 =	smul.u32 @!p0 $0xF7A, s2;
	p2 =	seq.s32 @!p0 s5, $0x0  }
0x1f: {  	s9 =	smul.u32 $0xF7A, s1;
	s8 =	simm.s32 @!p0 $0x1BF5;
	p2 =	por !p2, p0  }
0x20: {  	[sflag:s8] =	ssyncset.s32 @!p0 $0xFFFFF086;
	s6 =	sadd.s32 @!p0 s3, s7;
	s7 =	simm.s32 @!p0 $0x108  }
0x21: {  	s3 =	sadd.s32 s3, s9;
	s6 =	sadd.s32 @!p0 $0x88, s6;
	s7 =	simm.s32 @p2 $0x1082  }
0x22: {  	[simem:s7], [sflag:s8] =	dma.local @!p0 [hbm:s6], $0xF7A  }
0x23: {  	s9 =	sor.u32 $0xD0000000, s2;
	s6 =	simm.s32 $0x108;
	_ =	swait.ge @!p0 [sflag:s8], $0x0  }
0x24: {  	s3 =	sadd.s32 $0x88, s3;
	s6 =	simm.s32 @!p1 $0x1082;
	[sflag:s4] =	ssyncset.s32 $0xFFFFF086  }
0x25: {  	[simem:s6], [sflag:s4] =	dma.local [hbm:s3], $0xF7A  }
0x26: {  	[smem:$0x3F95] =	sst s1;
	(tag) =	ssettag s2;
	_ =	strace s9  }
0x27: {  	s1 =	sld [smem:$0x3FA5]  }
0x28: {  	s2 =	sld [smem:$0x3FA6]  }
0x29: {  	s4 =	sld [smem:$0x3FA8]  }
0x2a: {  	p0 =	seq.s32 s5, $0x0;
	s5 =	sld [smem:$0x3FA9]  }
0x2b: {  	s6 =	sld [smem:$0x3FAA]  }
0x2c: {  	s7 =	sld [smem:$0x3FAB]  }
0x2d: {  	s3 =	simm.s32 $0x108;
	s8 =	sld [smem:$0x3FAC]  }
0x2e: {  	s3 =	simm.s32 @!p0 $0x1082;
	s9 =	sld [smem:$0x3FAD]  }
0x2f: {  	lr =	sadd.s32 s0, s3;
	s0 =	sld [smem:$0x3FA4]  }
0x30: {  	s3 =	sld [smem:$0x3FA7]  }
0x31: {  	[smem:$0x3FB0] =	sst s10  }
0x32: {  	s10 =	sld [smem:$0x3FAE];
	_ =	sdelay $0x3  }
0x33: {  	p0 =	seq.s32 s10, $0x1;
	s10 =	sld [smem:$0x3FB0];
	_ =	sdelay $0x3  }
0x34: {  	[smem:$0x3FB0] =	sst s10  }
0x35: {  	s10 =	sld [smem:$0x3FAF];
	_ =	sdelay $0x3  }
0x36: {  	p1 =	seq.s32 s10, $0x1;
	s10 =	sld [smem:$0x3FB0];
	_ =	sdelay $0x3  }
0x37: {  	[smem:$0x3FB0] =	sst s10  }
0x38: {  	s10 =	sld [smem:$0x3FB1]  }
0x39: {  	_ = 	snop;
	(pc) =	sbr.ind lr, $3  }
0x3a: {  	_ = 	snop  }
0x3b: {  	_ = 	snop  }
0x3c: {  	p2 =	seq.s32 s10, $0x1;
	s10 =	sld [smem:$0x3FB0]  }
0x3d: {  	_ =	shalt  }
0x3e: {  	_ =	shalt  }
0x3f: {  	_ =	shalt  }
0x40: {  	_ =	shalt  }
0x41: {  	_ =	shalt  }
0x42: {  	_ =	shalt  }
0x43: {  	_ =	shalt  }
0x44: {  	_ =	shalt  }
0x45: {  	_ =	shalt  }
0x46: {  	_ =	shalt  }
0x47: {  	_ =	shalt  }
0x48: {  	_ =	shalt  }
0x49: {  	_ =	shalt  }
0x4a: {  	_ =	shalt  }
0x4b: {  	_ =	shalt  }
0x4c: {  	_ =	shalt  }
0x4d: {  	_ =	shalt  }
0x4e: {  	_ =	shalt  }
0x4f: {  	_ =	shalt  }
0x50: {  	_ =	shalt  }
0x51: {  	_ =	shalt  }
0x52: {  	_ =	shalt  }
0x53: {  	_ =	shalt  }
0x54: {  	_ =	shalt  }
0x55: {  	_ =	shalt  }
0x56: {  	_ =	shalt  }
0x57: {  	_ =	shalt  }
0x58: {  	_ =	shalt  }
0x59: {  	_ =	shalt  }
0x5a: {  	_ =	shalt  }
0x5b: {  	_ =	shalt  }
0x5c: {  	_ =	shalt  }
0x5d: {  	_ =	shalt  }
0x5e: {  	_ =	shalt  }
0x5f: {  	_ =	shalt  }
0x60: {  	_ =	shalt  }
0x61: {  	_ =	shalt  }
0x62: {  	_ =	shalt  }
0x63: {  	_ =	shalt  }
0x64: {  	_ =	shalt  }
0x65: {  	_ =	shalt  }
0x66: {  	_ =	shalt  }
0x67: {  	_ =	shalt  }
0x68: {  	_ =	shalt  }
0x69: {  	_ =	shalt  }
0x6a: {  	_ =	shalt  }
0x6b: {  	_ =	shalt  }
0x6c: {  	_ =	shalt  }
0x6d: {  	_ =	shalt  }
0x6e: {  	_ =	shalt  }
0x6f: {  	_ =	shalt  }
0x70: {  	_ =	shalt  }
0x71: {  	_ =	shalt  }
0x72: {  	_ =	shalt  }
0x73: {  	_ =	shalt  }
0x74: {  	_ =	shalt  }
0x75: {  	_ =	shalt  }
0x76: {  	_ =	shalt  }
0x77: {  	_ =	shalt  }
0x78: {  	_ =	shalt  }
0x79: {  	_ =	shalt  }
0x7a: {  	_ =	shalt  }
0x7b: {  	_ =	shalt  }
0x7c: {  	_ =	shalt  }
0x7d: {  	_ =	shalt  }
0x7e: {  	_ =	shalt  }
0x7f: {  	_ =	shalt  }
0x80: {  	_ =	shalt  }
0x81: {  	_ =	shalt  }
0x82: {  	_ =	shalt  }
0x83: {  	_ =	shalt  }
0x84: {  	_ =	shalt  }
0x85: {  	_ =	shalt  }
0x86: {  	_ =	shalt  }
0x87: {  	_ =	shalt  }
.Lfunc_end0:
.L_simem_size_0:
called_computation_lowered:
.L_overlay_start_0:
0x88: {  	s2 =	sld [smem:$0x3FD9]  }
0x89: {  	s3 =	sld [smem:$0x3FFE];
	_ =	sdelay $0x1  }
0x8a: {  	s1 =	srdreg.scid  }
0x8b: {  	s0 =	sand.u32 $0x1, s1  }
0x8c: {  	s16 =	sshll.u32 s0, $0xA;
	s2 =	sadd.s32 s3, s2  }
0x8d: {  	s2 =	sadd.s32 s2, s16  }
0x8e: {  	[smem:$0x3FBC] =	sst s2  }
0x8f: {  	_ = 	snop  }
0x90: {  	(tm) =	ssettm $0x1  }
0x91: {  	s17 =	sld [smem:$0x3FFB];
	_ =	sdelay $0x3  }
0x92: {  	_ =	strace s17  }
0x93: {  	s2 =	sld [smem:$0x3FFC];
	_ =	sdelay $0x3  }
0x94: {  	_ =	strace s2  }
0x95: {  	s2 =	sld [smem:$0x3FFD];
	_ =	sdelay $0x3  }
0x96: {  	_ =	strace s2  }
0x97: {  	_ =	strace $0x8FFFFFFF  }
0x98: {  	s18 =	sld [smem:$0x3FDB];
	_ =	sdelay $0x1  }
0x99: {  	s19 =	simm.s32 $_scs_section_size  }
0x9a: {  	s4 =	simm.s32 $_size__tile_overlayer_lowered;
	s5 =	simm.s32 $_tile_overlayer_lowered  }
0x9b: {  	s22 =	simm.s32 $0x1BFF;
	s21 =	sshll.u32 s5, $0x1;
	s2 =	sadd.s32 s19, s18  }
0x9c: {  	s6 =	simm.s32 $0x0;
	s20 =	sshll.u32 s4, $0x1;
	s4 =	sadd.s32 s21, s2  }
0x9d: {  	[timem:s6], [sflag:s22] =	dma.local [hbm:s4], s20  }
0x9e: {  	_ =	swait.ge [sflag:s22], s20  }
0x9f: {  	s3 =	ssub.s32 $0x0, s20;
	[sflag:s22] =	ssyncset.done $0x0  }
0xa0: {  	[sflag:s22] =	ssyncadd.s32 s3;
	_ =	sdelay $0x1  }
0xa1: {  	s23 =	simm.s32 $0x1B8B  }
0xa2: {  	_ =	swait.ge [sflag:s23], $0x1  }
0xa3: {  	[sflag:s23] =	ssyncset.done $0x0  }
0xa4: {  	s25 =	simm.s32 $0x1B8E;
	s24 =	sld [smem:$0x3FFE];
	[sflag:s23] =	ssyncadd.s32 $0xFFFFFFFF  }
0xa5: {  	s26 =	simm.s32 $execute0_lowered;
	[smem:$0x3FD2] =	sst s25  }
0xa6: {  	s4 =	sshll.u32 s26, $0x1;
	_ =	strace $0x80000046;
	[dreg:$0x1] =	wrdreg $0xFFFFFFFF  }
0xa7: {  	s28 =	simm.s32 $_size_execute0_lowered;
	s2 =	sadd.s32 s2, s4;
	[dreg:$0x0] =	wrdreg $0x0  }
0xa8: {  	s4 =	sshll.u32 s28, $0x1;
	[dreg:$0x2] =	wrdreg s2  }
0xa9: {  	[dreg:$0x3] =	wrdreg s4  }
0xaa: {  	[dreg:$0x4] =	wrdreg $0xC0  }
0xab: {  	_ =	task [dreg:s6], $0x5FFFF  }
0xac: {  	[dreg:$0x1] =	wrdreg $0xFFFFFFFF  }
0xad: {  	[dreg:$0x0] =	wrdreg $0x60  }
0xae: {  	[dreg:$0x2] =	wrdreg s24  }
0xaf: {  	[dreg:$0x3] =	wrdreg $0x40800  }
0xb0: {  	[dreg:$0x4] =	wrdreg $0x9  }
0xb1: {  	_ =	task.clear_ibuf [dreg:s6], $0x5FFFF;
	_ =	strace $0x90000046  }
0xb2: {  	s29 =	simm.s32 $0x9;
	_ =	strace $0x80000048  }
0xb3: {  	_ =	swait.ge [sflag:s29], $0x1  }
0xb4: {  	[sflag:s29] =	ssyncadd.s32 $0xFFFFFFFF  }
0xb5: {  	_ =	strace $0x90000048  }
0xb6: {  	_ =	sfence  }
0xb7: {  	s30 =	sld [smem:$0x0];
	_ =	sdelay $0x2  }
0xb8: {  	s31 =	sshll.u32 s1, $0xD;
	s1 =	sshrl.u32 s1, $0x2  }
0xb9: {  	s3 =	sand.u32 $0x4000, s31;
	s1 =	sadd.s32 s1, s30  }
0xba: {  	s0 =	sor.u32 s3, s0;
	s1 =	sshll.u32 s1, $0x11  }
0xbb: {  	s0 =	sor.u32 s1, s0  }
0xbc: {  	s0 =	sadd.s32 $0x8F2B, s0  }
0xbd: {  	[sflag:s0] =	ssyncadd.remote.s32 $0x1  }
0xbe: {  	_ =	sfence.sel $0xFFFF  }
0xbf: {  	[dreg:$0x0] =	wrdreg $0xFFFFFFFF;
	(pc) =	sbr.abs _section_cstart, $3  }
0xc0: {  	[dreg:$0x1] =	wrdreg $0xFFFFFFFF  }
0xc1: {  	_ =	task.clear_ibuf [dreg:s6], $0x2FFFF;
	_ =	strace $0x9FFFFFFF  }
0xc2: {  	(tm) =	ssettm $0x7FFFFFFF  }
0xc3: {  	_ =	shalt  }
tec
execute0_lowered:
.L_overlay_start_1:
0x0: {  	(tag) =	ssettag $0x1  }
0x1: {  	s4 =	rddreg [dreg:$0x0]  }
0x2: {  	s1 =	rddreg [dreg:$0x1];
	s2 =	srdreg.scid  }
0x3: {  	s0 =	rddreg [dreg:$0x2];
	s3 =	simm.s32 $0x0;
	s5 =	sand.u32 $0x1, s2  }
0x4: {  	s12 =	simm.s32 $0x80;
	s2 =	stileid.u32;
	s6 =	smul.u32 $0x28000, s5  }
0x5: {  	s13 =	simm.s32 $0x1;
	[smem:$0x7FF] =	sst s3;
	s7 =	smul.u32 $0x2800, s2  }
0x6: {  	s16 =	simm.s32 $0x0;
	_ =	strace $0x80000047;
	s8 =	smul.u32 $0x5000, s5  }
0x7: {  	s5 =	ssub.s32 $0x2, s5;
	s28 =	smul.u32 $0x50000, s2;
	s14 =	sshll.u32 s2, $0x6  }
0x8: {  	s10 =	smul.u32 $0x500, s2;
	s29 =	sshrl.u32 s5, $0x1;
	s14 =	sor.u32 $0x1C01, s14  }
0x9: {  	s6 =	sadd.s32 s7, s6;
	s9 =	sadd.s32 s8, s4;
	s31 =	sshrl.u32 s28, $0x2  }
0xa: {  	s30 =	ssub.s32 s5, s29;
	s6 =	sadd.s32 s6, s4;
	s4 =	sadd.s32 s31, s1  }
0xb: {  	s11 =	sadd.s32 s10, s9;
	s5 =	sadd.s32 $0xD400, s6;
	s6 =	smax.u32 s30, $0x1  }
0xc: {  	s7 =	sadd.s32 $0x4000, s4;
	s8 =	sadd.s32 $0x8000, s4;
	s9 =	sadd.s32 $0xC000, s4  }
0xd: {  	v0 =	vimm.f32 $0.0e+00;
	v1 =	vimm.f32 $1.000000000e+00;
	s10 =	sadd.s32 $0x10000, s4;
	s11 =	sadd.s32 $0x3400, s11;
	s15 =	sshrl.u32 s4, $0x3  }
.LBB2_1:
0xe: {  	s17 =	simm.s32 $0x0;
	s18 =	simm.s32 $0x200  }
.LBB2_2:
0xf: {  	p0 =	sne.s32 s18, $0xFE00;
	[tilespmem:s17+$0xF0] =	vst v0  }
0x10: {  	[tilespmem:s17+$0x80] =	vst v0  }
0x11: {  	[tilespmem:s17+$0x90] =	vst v0  }
.Ltmp0:
0x12: {  	[tilespmem:s17+$0xA0] =	vst v0;
	(pc) =	sbr.rel @p0 .LBB2_2-.Ltmp0, $4  }
0x13: {  	[tilespmem:s17+$0xB0] =	vst v0  }
0x14: {  	[tilespmem:s17+$0xC0] =	vst v0  }
0x15: {  	[tilespmem:s17+$0xD0] =	vst v0  }
0x16: {  	[tilespmem:s17+$0xE0] =	vst v0;
	s17 =	sshra.s32 s18, $0x2;
	s18 =	sadd.s32 $0x200, s18  }
0x17: {  	[tilespmem:s17+$0xF0] =	vst v0  }
0x18: {  	[tilespmem:s17+$0x80] =	vst v0  }
0x19: {  	[tilespmem:s17+$0x90] =	vst v0  }
0x1a: {  	[tilespmem:s17+$0xA0] =	vst v0  }
0x1b: {  	[tilespmem:s17+$0xB0] =	vst v0  }
0x1c: {  	[tilespmem:s17+$0xC0] =	vst v0  }
0x1d: {  	[tilespmem:s17+$0xD0] =	vst v0  }
0x1e: {  	[tilespmem:s17+$0xE0] =	vst v0  }
0x1f: {  	[spmem:s4] =	stream.linear.scatter [tilespmem:s12], [sflag:$0x1], $0x4000, $0x38;
	[tilespmem:$0x18080] =	vst v63  }
0x20: {  	_ =	swait.ge [sflag:s13], $0x4000  }
0x21: {  	[sflag:s13] =	ssyncset.done $0x0  }
0x22: {  	[sflag:s13] =	ssyncadd.s32 $0xFFFFC000  }
0x23: {  	[spmem:s7] =	stream.linear.scatter [tilespmem:s12], [sflag:$0x1], $0x4000, $0x38;
	[tilespmem:$0x18080] =	vst v63  }
0x24: {  	_ =	swait.ge [sflag:s13], $0x4000  }
0x25: {  	[sflag:s13] =	ssyncset.done $0x0  }
0x26: {  	[sflag:s13] =	ssyncadd.s32 $0xFFFFC000  }
0x27: {  	[spmem:s8] =	stream.linear.scatter [tilespmem:s12], [sflag:$0x1], $0x4000, $0x38;
	[tilespmem:$0x18080] =	vst v63  }
0x28: {  	_ =	swait.ge [sflag:s13], $0x4000  }
0x29: {  	[sflag:s13] =	ssyncset.done $0x0  }
0x2a: {  	[sflag:s13] =	ssyncadd.s32 $0xFFFFC000  }
0x2b: {  	[spmem:s9] =	stream.linear.scatter [tilespmem:s12], [sflag:$0x1], $0x4000, $0x38;
	[tilespmem:$0x18080] =	vst v63  }
0x2c: {  	_ =	swait.ge [sflag:s13], $0x4000  }
0x2d: {  	[sflag:s13] =	ssyncset.done $0x0  }
0x2e: {  	[sflag:s13] =	ssyncadd.s32 $0xFFFFC000  }
0x2f: {  	[spmem:s10] =	stream.linear.scatter [tilespmem:s12], [sflag:$0x1], $0x4000, $0x38;
	[tilespmem:$0x18080] =	vst v63  }
0x30: {  	_ =	swait.ge [sflag:s13], $0x4000  }
0x31: {  	[sflag:s13] =	ssyncset.done $0x0  }
0x32: {  	s17 =	simm.s32 $0x0;
	s18 =	simm.s32 $0x200;
	[sflag:s13] =	ssyncadd.s32 $0xFFFFC000  }
.LBB2_4:
0x33: {  	p0 =	sne.s32 s18, $0xFE00;
	[tilespmem:s17+$0xF0] =	vst v1  }
0x34: {  	[tilespmem:s17+$0x80] =	vst v1  }
0x35: {  	[tilespmem:s17+$0x90] =	vst v1  }
.Ltmp1:
0x36: {  	[tilespmem:s17+$0xA0] =	vst v1;
	(pc) =	sbr.rel @p0 .LBB2_4-.Ltmp1, $4  }
0x37: {  	[tilespmem:s17+$0xB0] =	vst v1  }
0x38: {  	[tilespmem:s17+$0xC0] =	vst v1  }
0x39: {  	[tilespmem:s17+$0xD0] =	vst v1  }
0x3a: {  	[tilespmem:s17+$0xE0] =	vst v1;
	s17 =	sshra.s32 s18, $0x2;
	s18 =	sadd.s32 $0x200, s18  }
0x3b: {  	[tilespmem:s17+$0xF0] =	vst v1  }
0x3c: {  	[tilespmem:s17+$0x80] =	vst v1  }
0x3d: {  	[tilespmem:s17+$0x90] =	vst v1  }
0x3e: {  	[tilespmem:s17+$0xA0] =	vst v1  }
0x3f: {  	[tilespmem:s17+$0xB0] =	vst v1  }
0x40: {  	[tilespmem:s17+$0xC0] =	vst v1  }
0x41: {  	[tilespmem:s17+$0xD0] =	vst v1  }
0x42: {  	[tilespmem:s17+$0xE0] =	vst v1  }
0x43: {  	s31 =	sadd.s32 $0x0, s11;
	[bflag:$0x0] =	sbarrier.arrive $0xFFFF  }
0x44: {  	[tilespmem:s3], [sflag:$0x1] =	stream.linear.gather [hbm4b:s31+s3], $0x80, $0x38;
	[tilespmem:$0x18080] =	vst v63  }
0x45: {  	_ =	swait.ge [sflag:s13], $0x80  }
0x46: {  	[sflag:s13] =	ssyncset.done $0x0  }
0x47: {  	[sflag:s13] =	ssyncadd.s32 $0xFFFFFF80  }
0x48: {  	[spmem:s1] =	stream.indirect.scatter.add.f32 [tilespmem:s12], [sflag:$0x1], $0x80, s3, s12, $0xb8;
	[tilespmem:$0x18080] =	vst v63  }
0x49: {  	_ =	swait.ge [sflag:s13], $0x4000  }
0x4a: {  	s17 =	simm.s32 $0x10;
	s18 =	simm.s32 $0x20;
	[sflag:s13] =	ssyncset.done $0x0  }
.LBB2_6:
0x4b: {  	s19 =	sadd.s32 s17, s11  }
0x4c: {  	[sflag:s13] =	ssyncadd.s32 $0xFFFFC000;
	s17 =	smov.u32 s18;
	s20 =	sadd.s32 $0x10, s18  }
0x4d: {  	[tilespmem:s3], [sflag:$0x1] =	stream.linear.gather [hbm4b:s19+s3], $0x80, $0x38;
	[tilespmem:$0x18080] =	vst v63  }
0x4e: {  	p0 =	sne.s32 s18, $0x4F0;
	_ =	swait.ge [sflag:s13], $0x80  }
.Ltmp2:
0x4f: {  	[sflag:s13] =	ssyncset.done $0x0;
	(pc) =	sbr.rel @p0 .LBB2_6-.Ltmp2, $4  }
0x50: {  	[sflag:s13] =	ssyncadd.s32 $0xFFFFFF80  }
0x51: {  	[spmem:s1] =	stream.indirect.scatter.add.f32 [tilespmem:s12], [sflag:$0x1], $0x80, s3, s12, $0xb8;
	[tilespmem:$0x18080] =	vst v63  }
0x52: {  	_ =	swait.ge [sflag:s13], $0x4000  }
0x53: {  	s18 =	smov.u32 s20;
	[sflag:s13] =	ssyncset.done $0x0  }
0x54: {  	s17 =	sadd.s32 s17, s11;
	[sflag:s13] =	ssyncadd.s32 $0xFFFFC000  }
0x55: {  	[tilespmem:s3], [sflag:$0x1] =	stream.linear.gather [hbm4b:s17+s3], $0x80, $0x38;
	[tilespmem:$0x18080] =	vst v63  }
0x56: {  	_ =	swait.ge [sflag:s13], $0x80  }
0x57: {  	[sflag:s13] =	ssyncset.done $0x0  }
0x58: {  	[sflag:s13] =	ssyncadd.s32 $0xFFFFFF80  }
0x59: {  	[spmem:s1] =	stream.indirect.scatter.add.f32 [tilespmem:s12], [sflag:$0x1], $0x80, s3, s12, $0xb8;
	[tilespmem:$0x18080] =	vst v63  }
0x5a: {  	_ =	swait.ge [sflag:s13], $0x4000  }
0x5b: {  	s16 =	sadd.s32 $0x1, s16;
	[sflag:s13] =	ssyncset.done $0x0  }
0x5c: {  	p0 =	sne.s32 s16, s6;
	[sflag:s13] =	ssyncadd.s32 $0xFFFFC000  }
.Ltmp3:
0x5d: {  	[bflag:$0x0] =	sbarrier.arrive $0xFFFF;
	(pc) =	sbr.rel @p0 .LBB2_1-.Ltmp3, $4  }
0x5e: {  	[hbm:s5], [sflag:s14] =	dma.local [spmem:s15], $0x2800  }
0x5f: {  	_ =	swait.ge [sflag:s13], $0x2800  }
0x60: {  	[sflag:s13] =	ssyncset.done $0x0  }
0x61: {  	[sflag:s13] =	ssyncadd.s32 $0xFFFFD800  }
0x62: {  	_ =	sfence.sel $0x180000  }
0x63: {  	[bflag:$0x0] =	sbarrier.arrive $0xFFFF  }
0x64: {  	p0 =	sne.s32 s2, $0x0;
	_ =	strace $0x90000047  }
0x65: {  	s0 =	sadd.s32 @!p0 $0x100000, s0;
	[bflag:$0x2] =	sbarrier.arrive $0xFFFF  }
0x66: {  	[sflag:s0] =	ssyncadd.tile.s32 @!p0 $0x1;
	_ =	shalt  }
.Lfunc_end2:
_tile_overlayer_lowered:
.L_overlay_start_2:
0x67: {  	(tag) =	ssettag $0x2  }
0x68: {  	s0 =	rddreg [dreg:$0x0];
	s2 =	stileid.u32  }
0x69: {  	s1 =	rddreg [dreg:$0x1];
	p0 =	sne.s32 s2, $0x0  }
0x6a: {  	s3 =	rddreg [dreg:$0x2];
	[bflag:$0x3] =	sbarrier.arrive $0xFFFF;
	s2 =	simm.s32 @!p0 $0x1C01  }
0x6b: {  	[timem:s3], [sflag:s2] =	dma.local @!p0 [hbm:s0], s1  }
0x6c: {  	s0 =	simm.s32 @!p0 $0x1  }
0x6d: {  	_ =	swait.ge @!p0 [sflag:s0], s1  }
0x6e: {  	s1 =	ssub.s32 @!p0 $0x0, s1;
	[sflag:s0] =	ssyncset.done @!p0 $0x0  }
0x6f: {  	[sflag:s0] =	ssyncadd.s32 @!p0 s1  }
0x70: {  	[bflag:$0x3] =	sbarrier.arrive $0xFFFF  }
0x71: {  	_ =	shalt  }

// kernel: kernel.16.cloned.1.call-start
scs
__scs_entry_jumppad:
0x0: {  	(pc) =	sbr.rel $0x88, $3  }
0x1: {  	(tag) =	ssettag $0x0;
	lr =	simm.s32 $0x1  }
0x2: {  	[smem:$0x3F95] =	sst lr;
	_ =	strace $0xD0000000  }
0x3: {  	_ = 	snop  }
0x4: {  	_ = 	snop  }
0x5: {  	_ = 	snop  }
0x6: {  	_ = 	snop  }
0x7: {  	_ = 	snop  }
__scs_overlays_trampoline_lowered:
0x8: {  	[smem:$0x3FA4] =	sst s0  }
0x9: {  	[smem:$0x3FA5] =	sst s1  }
0xa: {  	[smem:$0x3FA6] =	sst s2  }
0xb: {  	[smem:$0x3FA7] =	sst s3  }
0xc: {  	[smem:$0x3FA8] =	sst s4  }
0xd: {  	[smem:$0x3FA9] =	sst s5  }
0xe: {  	[smem:$0x3FAA] =	sst s6  }
0xf: {  	[smem:$0x3FAB] =	sst s7  }
0x10: {  	[smem:$0x3FAC] =	sst s8  }
0x11: {  	[smem:$0x3FAD] =	sst s9;
	s0 =	simm.s32 @!p0 $0x0  }
0x12: {  	s1 =	sld [smem:$0x3F93];
	s0 =	simm.s32 @p0 $0x1  }
0x13: {  	[smem:$0x3FAE] =	sst s0;
	s0 =	simm.s32 @!p1 $0x0  }
0x14: {  	s2 =	sld [smem:$0x3F92];
	s0 =	simm.s32 @p1 $0x1  }
0x15: {  	[smem:$0x3FAF] =	sst s0;
	s0 =	simm.s32 @!p2 $0x0  }
0x16: {  	s3 =	sld [smem:$0x3FDB];
	s0 =	simm.s32 @p2 $0x1  }
0x17: {  	s4 =	simm.s32 $0x1BF5;
	[smem:$0x3FB1] =	sst s0  }
0x18: {  	s0 =	sld [smem:$0x3F94];
	_ =	swait.ge [sflag:s4], $0x0  }
0x19: {  	s7 =	sld [smem:$0x3F95]  }
0x1a: {  	s8 =	sadd.s32 $0xFFFFE003, lr  }
0x1b: {  	s9 =	sadd.s32 $0xFFFFFEF7, lr;
	s5 =	simm.s32 $0xFFFFFFFF;
	p2 =	slt.u32 s8, $0xFFFFF086  }
0x1c: {  	p1 =	slt.u32 s9, $0xF7A;
	s5 =	simm.s32 @!p2 $0x0  }
0x1d: {  	s5 =	simm.s32 @p1 $0x1;
	p0 =	seq.s32 s7, s2  }
0x1e: {  	s7 =	smul.u32 @!p0 $0xF7A, s2;
	p2 =	seq.s32 @!p0 s5, $0x0  }
0x1f: {  	s9 =	smul.u32 $0xF7A, s1;
	s8 =	simm.s32 @!p0 $0x1BF5;
	p2 =	por !p2, p0  }
0x20: {  	[sflag:s8] =	ssyncset.s32 @!p0 $0xFFFFF086;
	s6 =	sadd.s32 @!p0 s3, s7;
	s7 =	simm.s32 @!p0 $0x108  }
0x21: {  	s3 =	sadd.s32 s3, s9;
	s6 =	sadd.s32 @!p0 $0x88, s6;
	s7 =	simm.s32 @p2 $0x1082  }
0x22: {  	[simem:s7], [sflag:s8] =	dma.local @!p0 [hbm:s6], $0xF7A  }
0x23: {  	s9 =	sor.u32 $0xD0000000, s2;
	s6 =	simm.s32 $0x108;
	_ =	swait.ge @!p0 [sflag:s8], $0x0  }
0x24: {  	s3 =	sadd.s32 $0x88, s3;
	s6 =	simm.s32 @!p1 $0x1082;
	[sflag:s4] =	ssyncset.s32 $0xFFFFF086  }
0x25: {  	[simem:s6], [sflag:s4] =	dma.local [hbm:s3], $0xF7A  }
0x26: {  	[smem:$0x3F95] =	sst s1;
	(tag) =	ssettag s2;
	_ =	strace s9  }
0x27: {  	s1 =	sld [smem:$0x3FA5]  }
0x28: {  	s2 =	sld [smem:$0x3FA6]  }
0x29: {  	s4 =	sld [smem:$0x3FA8]  }
0x2a: {  	p0 =	seq.s32 s5, $0x0;
	s5 =	sld [smem:$0x3FA9]  }
0x2b: {  	s6 =	sld [smem:$0x3FAA]  }
0x2c: {  	s7 =	sld [smem:$0x3FAB]  }
0x2d: {  	s3 =	simm.s32 $0x108;
	s8 =	sld [smem:$0x3FAC]  }
0x2e: {  	s3 =	simm.s32 @!p0 $0x1082;
	s9 =	sld [smem:$0x3FAD]  }
0x2f: {  	lr =	sadd.s32 s0, s3;
	s0 =	sld [smem:$0x3FA4]  }
0x30: {  	s3 =	sld [smem:$0x3FA7]  }
0x31: {  	[smem:$0x3FB0] =	sst s10  }
0x32: {  	s10 =	sld [smem:$0x3FAE];
	_ =	sdelay $0x3  }
0x33: {  	p0 =	seq.s32 s10, $0x1;
	s10 =	sld [smem:$0x3FB0];
	_ =	sdelay $0x3  }
0x34: {  	[smem:$0x3FB0] =	sst s10  }
0x35: {  	s10 =	sld [smem:$0x3FAF];
	_ =	sdelay $0x3  }
0x36: {  	p1 =	seq.s32 s10, $0x1;
	s10 =	sld [smem:$0x3FB0];
	_ =	sdelay $0x3  }
0x37: {  	[smem:$0x3FB0] =	sst s10  }
0x38: {  	s10 =	sld [smem:$0x3FB1]  }
0x39: {  	_ = 	snop;
	(pc) =	sbr.ind lr, $3  }
0x3a: {  	_ = 	snop  }
0x3b: {  	_ = 	snop  }
0x3c: {  	p2 =	seq.s32 s10, $0x1;
	s10 =	sld [smem:$0x3FB0]  }
0x3d: {  	_ =	shalt  }
0x3e: {  	_ =	shalt  }
0x3f: {  	_ =	shalt  }
0x40: {  	_ =	shalt  }
0x41: {  	_ =	shalt  }
0x42: {  	_ =	shalt  }
0x43: {  	_ =	shalt  }
0x44: {  	_ =	shalt  }
0x45: {  	_ =	shalt  }
0x46: {  	_ =	shalt  }
0x47: {  	_ =	shalt  }
0x48: {  	_ =	shalt  }
0x49: {  	_ =	shalt  }
0x4a: {  	_ =	shalt  }
0x4b: {  	_ =	shalt  }
0x4c: {  	_ =	shalt  }
0x4d: {  	_ =	shalt  }
0x4e: {  	_ =	shalt  }
0x4f: {  	_ =	shalt  }
0x50: {  	_ =	shalt  }
0x51: {  	_ =	shalt  }
0x52: {  	_ =	shalt  }
0x53: {  	_ =	shalt  }
0x54: {  	_ =	shalt  }
0x55: {  	_ =	shalt  }
0x56: {  	_ =	shalt  }
0x57: {  	_ =	shalt  }
0x58: {  	_ =	shalt  }
0x59: {  	_ =	shalt  }
0x5a: {  	_ =	shalt  }
0x5b: {  	_ =	shalt  }
0x5c: {  	_ =	shalt  }
0x5d: {  	_ =	shalt  }
0x5e: {  	_ =	shalt  }
0x5f: {  	_ =	shalt  }
0x60: {  	_ =	shalt  }
0x61: {  	_ =	shalt  }
0x62: {  	_ =	shalt  }
0x63: {  	_ =	shalt  }
0x64: {  	_ =	shalt  }
0x65: {  	_ =	shalt  }
0x66: {  	_ =	shalt  }
0x67: {  	_ =	shalt  }
0x68: {  	_ =	shalt  }
0x69: {  	_ =	shalt  }
0x6a: {  	_ =	shalt  }
0x6b: {  	_ =	shalt  }
0x6c: {  	_ =	shalt  }
0x6d: {  	_ =	shalt  }
0x6e: {  	_ =	shalt  }
0x6f: {  	_ =	shalt  }
0x70: {  	_ =	shalt  }
0x71: {  	_ =	shalt  }
0x72: {  	_ =	shalt  }
0x73: {  	_ =	shalt  }
0x74: {  	_ =	shalt  }
0x75: {  	_ =	shalt  }
0x76: {  	_ =	shalt  }
0x77: {  	_ =	shalt  }
0x78: {  	_ =	shalt  }
0x79: {  	_ =	shalt  }
0x7a: {  	_ =	shalt  }
0x7b: {  	_ =	shalt  }
0x7c: {  	_ =	shalt  }
0x7d: {  	_ =	shalt  }
0x7e: {  	_ =	shalt  }
0x7f: {  	_ =	shalt  }
0x80: {  	_ =	shalt  }
0x81: {  	_ =	shalt  }
0x82: {  	_ =	shalt  }
0x83: {  	_ =	shalt  }
0x84: {  	_ =	shalt  }
0x85: {  	_ =	shalt  }
0x86: {  	_ =	shalt  }
0x87: {  	_ =	shalt  }
.Lfunc_end0:
.L_simem_size_0:
called_computation.1_lowered:
.L_overlay_start_0:
0x88: {  	s2 =	sld [smem:$0x3FD9]  }
0x89: {  	s3 =	sld [smem:$0x3FFE];
	_ =	sdelay $0x1  }
0x8a: {  	s1 =	srdreg.scid  }
0x8b: {  	s0 =	sand.u32 $0x1, s1  }
0x8c: {  	s16 =	sshll.u32 s0, $0xA;
	s2 =	sadd.s32 s3, s2  }
0x8d: {  	s2 =	sadd.s32 s2, s16  }
0x8e: {  	[smem:$0x3FBC] =	sst s2  }
0x8f: {  	_ = 	snop  }
0x90: {  	(tm) =	ssettm $0x1  }
0x91: {  	s17 =	sld [smem:$0x3FFB];
	_ =	sdelay $0x3  }
0x92: {  	_ =	strace s17  }
0x93: {  	s2 =	sld [smem:$0x3FFC];
	_ =	sdelay $0x3  }
0x94: {  	_ =	strace s2  }
0x95: {  	s2 =	sld [smem:$0x3FFD];
	_ =	sdelay $0x3  }
0x96: {  	_ =	strace s2  }
0x97: {  	_ =	strace $0x8FFFFFFF  }
0x98: {  	s18 =	sld [smem:$0x3FDB];
	_ =	sdelay $0x1  }
0x99: {  	s19 =	simm.s32 $_scs_section_size  }
0x9a: {  	s4 =	simm.s32 $_size__tile_overlayer_lowered;
	s5 =	simm.s32 $_tile_overlayer_lowered  }
0x9b: {  	s22 =	simm.s32 $0x1BFF;
	s21 =	sshll.u32 s5, $0x1;
	s2 =	sadd.s32 s19, s18  }
0x9c: {  	s6 =	simm.s32 $0x0;
	s20 =	sshll.u32 s4, $0x1;
	s4 =	sadd.s32 s21, s2  }
0x9d: {  	[timem:s6], [sflag:s22] =	dma.local [hbm:s4], s20  }
0x9e: {  	_ =	swait.ge [sflag:s22], s20  }
0x9f: {  	s3 =	ssub.s32 $0x0, s20;
	[sflag:s22] =	ssyncset.done $0x0  }
0xa0: {  	[sflag:s22] =	ssyncadd.s32 s3;
	_ =	sdelay $0x1  }
0xa1: {  	s23 =	simm.s32 $0x1B8B  }
0xa2: {  	_ =	swait.ge [sflag:s23], $0x1  }
0xa3: {  	[sflag:s23] =	ssyncset.done $0x0  }
0xa4: {  	s25 =	simm.s32 $0x1B8E;
	s24 =	sld [smem:$0x3FFE];
	[sflag:s23] =	ssyncadd.s32 $0xFFFFFFFF  }
0xa5: {  	s26 =	simm.s32 $execute0_lowered;
	[smem:$0x3FD2] =	sst s25  }
0xa6: {  	s4 =	sshll.u32 s26, $0x1;
	_ =	strace $0x80000049;
	[dreg:$0x1] =	wrdreg $0xFFFFFFFF  }
0xa7: {  	s28 =	simm.s32 $_size_execute0_lowered;
	s2 =	sadd.s32 s2, s4;
	[dreg:$0x0] =	wrdreg $0x0  }
0xa8: {  	s4 =	sshll.u32 s28, $0x1;
	[dreg:$0x2] =	wrdreg s2  }
0xa9: {  	[dreg:$0x3] =	wrdreg s4  }
0xaa: {  	[dreg:$0x4] =	wrdreg $0xC0  }
0xab: {  	_ =	task [dreg:s6], $0x5FFFF  }
0xac: {  	[dreg:$0x1] =	wrdreg $0xFFFFFFFF  }
0xad: {  	[dreg:$0x0] =	wrdreg $0x60  }
0xae: {  	[dreg:$0x2] =	wrdreg s24  }
0xaf: {  	[dreg:$0x3] =	wrdreg $0x41000  }
0xb0: {  	[dreg:$0x4] =	wrdreg $0x9  }
0xb1: {  	_ =	task.clear_ibuf [dreg:s6], $0x5FFFF;
	_ =	strace $0x90000049  }
0xb2: {  	s29 =	simm.s32 $0x9;
	_ =	strace $0x8000004B  }
0xb3: {  	_ =	swait.ge [sflag:s29], $0x1  }
0xb4: {  	[sflag:s29] =	ssyncadd.s32 $0xFFFFFFFF  }
0xb5: {  	_ =	strace $0x9000004B  }
0xb6: {  	_ =	sfence  }
0xb7: {  	s30 =	sld [smem:$0x0];
	_ =	sdelay $0x2  }
0xb8: {  	s31 =	sshll.u32 s1, $0xD;
	s1 =	sshrl.u32 s1, $0x2  }
0xb9: {  	s3 =	sand.u32 $0x4000, s31;
	s1 =	sadd.s32 s1, s30  }
0xba: {  	s0 =	sor.u32 s3, s0;
	s1 =	sshll.u32 s1, $0x11  }
0xbb: {  	s0 =	sor.u32 s1, s0  }
0xbc: {  	s0 =	sadd.s32 $0x8F2B, s0  }
0xbd: {  	[sflag:s0] =	ssyncadd.remote.s32 $0x1  }
0xbe: {  	_ =	sfence.sel $0xFFFF  }
0xbf: {  	[dreg:$0x0] =	wrdreg $0xFFFFFFFF;
	(pc) =	sbr.abs _section_cstart, $3  }
0xc0: {  	[dreg:$0x1] =	wrdreg $0xFFFFFFFF  }
0xc1: {  	_ =	task.clear_ibuf [dreg:s6], $0x2FFFF;
	_ =	strace $0x9FFFFFFF  }
0xc2: {  	(tm) =	ssettm $0x7FFFFFFF  }
0xc3: {  	_ =	shalt  }
tec
execute0_lowered:
.L_overlay_start_1:
0x0: {  	(tag) =	ssettag $0x1  }
0x1: {  	s5 =	rddreg [dreg:$0x0]  }
0x2: {  	s0 =	srdreg.scid;
	s2 =	stileid.u32  }
0x3: {  	s1 =	rddreg [dreg:$0x1];
	s7 =	smul.u32 $0x280, s2  }
0x4: {  	s3 =	simm.s32 $0x0;
	s17 =	simm.s32 $0x2;
	s8 =	smul.u32 $0x50000, s2  }
0x5: {  	s18 =	simm.s32 $0x80;
	s20 =	simm.s32 $0x1;
	s10 =	smul.u32 $0x2800, s2  }
0x6: {  	s15 =	sand.u32 $0x1, s0;
	s0 =	rddreg [dreg:$0x2];
	s13 =	smul.u32 $0x500, s2  }
0x7: {  	s21 =	simm.s32 $0x0;
	[smem:$0x7FF] =	sst s3;
	s6 =	smul.u32 $0x5000, s15  }
0x8: {  	s4 =	sadd.s32 $0xD400, s5;
	s16 =	sshll.u32 s2, $0x6;
	s19 =	smul.u32 $0x2800, s15  }
0x9: {  	_ =	strace $0x8000004A;
	s30 =	ssub.s32 $0x2, s15;
	p0 =	sne.s32 s15, $0x0  }
0xa: {  	s15 =	sor.u32 $0x1C02, s16;
	s9 =	sshrl.u32 s30, $0x1;
	s31 =	sshrl.u32 s8, $0x2  }
0xb: {  	s12 =	sadd.s32 s6, s5;
	s29 =	sadd.s32 s7, s19;
	s9 =	ssub.s32 s30, s9  }
0xc: {  	v0 =	vmov s19;
	s19 =	simm.s32 $0x100;
	s6 =	sshll.u32 s29, $0x4;
	s8 =	smax.u32 s9, $0x1  }
0xd: {  	s14 =	sadd.s32 s13, s12;
	s11 =	sadd.s32 s6, s5;
	s5 =	sadd.s32 s31, s1  }
0xe: {  	s6 =	sadd.s32 s4, s10;
	s13 =	sadd.s32 $0x3400, s14;
	s14 =	sadd.s32 $0x5D400, s14  }
0xf: {  	s7 =	sadd.s32 $0x67400, s11;
	s9 =	sadd.s32 $0x4000, s5;
	s10 =	sadd.s32 $0x8000, s5  }
0x10: {  	v1 =	vimm.f32 $0.0e+00;
	s11 =	sadd.s32 $0xC000, s5;
	s12 =	sadd.s32 $0x10000, s5;
	s16 =	sshrl.u32 s5, $0x3  }
.LBB2_1:
.Ltmp0:
0x11: {  	(pc) =	sbr.rel @p0 .LBB2_3-.Ltmp0, $1  }
0x12: {  	_ =	sdelay $0x3  }
.Ltmp1:
0x13: {  	(pc) =	sbr.rel .LBB2_6-.Ltmp1, $4  }
0x14: {  	[spmem:s16], [sflag:s15] =	dma.local [hbm:s6], $0x2800  }
0x15: {  	_ =	swait.ge [sflag:s17], $0x2800  }
0x16: {  	[sflag:s17] =	ssyncset.done $0x0  }
0x17: {  	[sflag:s17] =	ssyncadd.s32 $0xFFFFD800  }
.LBB2_3:
0x18: {  	s22 =	sshra.s32 s3, $0x2;
	s23 =	sadd.s32 $0x200, s3  }
.LBB2_4:
0x19: {  	p1 =	seq.s32 s23, $0xFE00;
	[tilespmem:s22+$0x170] =	vst v1  }
0x1a: {  	[tilespmem:s22+$0x100] =	vst v1  }
0x1b: {  	[tilespmem:s22+$0x110] =	vst v1  }
.Ltmp2:
0x1c: {  	[tilespmem:s22+$0x120] =	vst v1;
	(pc) =	sbr.rel @!p1 .LBB2_4-.Ltmp2, $4  }
0x1d: {  	[tilespmem:s22+$0x130] =	vst v1  }
0x1e: {  	[tilespmem:s22+$0x140] =	vst v1  }
0x1f: {  	[tilespmem:s22+$0x150] =	vst v1  }
0x20: {  	[tilespmem:s22+$0x160] =	vst v1;
	s22 =	sshra.s32 s23, $0x2;
	s23 =	sadd.s32 $0x200, s23  }
0x21: {  	[tilespmem:s22+$0x170] =	vst v1  }
0x22: {  	[tilespmem:s22+$0x100] =	vst v1  }
0x23: {  	[tilespmem:s22+$0x110] =	vst v1  }
0x24: {  	[tilespmem:s22+$0x120] =	vst v1  }
0x25: {  	[tilespmem:s22+$0x130] =	vst v1  }
0x26: {  	[tilespmem:s22+$0x140] =	vst v1  }
0x27: {  	[tilespmem:s22+$0x150] =	vst v1  }
0x28: {  	[tilespmem:s22+$0x160] =	vst v1  }
0x29: {  	[spmem:s5] =	stream.linear.scatter [tilespmem:s19], [sflag:$0x2], $0x4000, $0x38;
	[tilespmem:$0x18100] =	vst v63  }
0x2a: {  	_ =	swait.ge [sflag:s17], $0x4000  }
0x2b: {  	[sflag:s17] =	ssyncset.done $0x0  }
0x2c: {  	[sflag:s17] =	ssyncadd.s32 $0xFFFFC000  }
0x2d: {  	[spmem:s9] =	stream.linear.scatter [tilespmem:s19], [sflag:$0x2], $0x4000, $0x38;
	[tilespmem:$0x18100] =	vst v63  }
0x2e: {  	_ =	swait.ge [sflag:s17], $0x4000  }
0x2f: {  	[sflag:s17] =	ssyncset.done $0x0  }
0x30: {  	[sflag:s17] =	ssyncadd.s32 $0xFFFFC000  }
0x31: {  	[spmem:s10] =	stream.linear.scatter [tilespmem:s19], [sflag:$0x2], $0x4000, $0x38;
	[tilespmem:$0x18100] =	vst v63  }
0x32: {  	_ =	swait.ge [sflag:s17], $0x4000  }
0x33: {  	[sflag:s17] =	ssyncset.done $0x0  }
0x34: {  	[sflag:s17] =	ssyncadd.s32 $0xFFFFC000  }
0x35: {  	[spmem:s11] =	stream.linear.scatter [tilespmem:s19], [sflag:$0x2], $0x4000, $0x38;
	[tilespmem:$0x18100] =	vst v63  }
0x36: {  	_ =	swait.ge [sflag:s17], $0x4000  }
0x37: {  	[sflag:s17] =	ssyncset.done $0x0  }
0x38: {  	[sflag:s17] =	ssyncadd.s32 $0xFFFFC000  }
0x39: {  	[spmem:s12] =	stream.linear.scatter [tilespmem:s19], [sflag:$0x2], $0x4000, $0x38;
	[tilespmem:$0x18100] =	vst v63  }
0x3a: {  	_ =	swait.ge [sflag:s17], $0x4000  }
0x3b: {  	[sflag:s17] =	ssyncset.done $0x0  }
0x3c: {  	[sflag:s17] =	ssyncadd.s32 $0xFFFFC000  }
.LBB2_6:
0x3d: {  	[bflag:$0x0] =	sbarrier.arrive $0xFFFF;
	s22 =	sadd.s32 $0x0, s14  }
0x3e: {  	[tilespmem:s3], [sflag:$0x2] =	stream.linear.gather [hbm4b:s22+s3], $0x80, $0x38;
	[tilespmem:$0x18100] =	vst v63  }
0x3f: {  	_ =	swait.ge [sflag:s17], $0x80  }
0x40: {  	[sflag:s17] =	ssyncset.done $0x0  }
0x41: {  	s31 =	sadd.s32 $0x0, s13;
	[sflag:s17] =	ssyncadd.s32 $0xFFFFFF80  }
0x42: {  	[tilespmem:s18], [sflag:$0x2] =	stream.linear.gather [hbm4b:s31+s3], $0x80, $0x38;
	[tilespmem:$0x18100] =	vst v63  }
0x43: {  	_ =	swait.ge [sflag:s17], $0x80  }
0x44: {  	[sflag:s17] =	ssyncset.done $0x0  }
0x45: {  	[sflag:s17] =	ssyncadd.s32 $0xFFFFFF80  }
0x46: {  	v2 =	vld [tilespmem:$0x70]  }
0x47: {  	v3 =	vld [tilespmem:$0x30]  }
0x48: {  	v6 =	vld [tilespmem:$0x20]  }
0x49: {  	v4 =	vld [tilespmem:$0x50]  }
0x4a: {  	v5 =	vld [tilespmem:$0x60]  }
0x4b: {  	v7 =	vld [tilespmem:$0x10];
	v2 =	vadd.s32 v0, v2  }
0x4c: {  	v8 =	vld [tilespmem:$0x40];
	v3 =	vadd.s32 v0, v3;
	[tilespmem:$0x70] =	vst v2  }
0x4d: {  	v63 =	vadd.s32 v0, v6;
	v2 =	vld [tilespmem:$0x0];
	[tilespmem:$0x30] =	vst v3  }
0x4e: {  	v3 =	vadd.s32 v0, v4;
	[tilespmem:$0x20] =	vst v63  }
0x4f: {  	[tilespmem:$0x50] =	vst v3;
	v3 =	vadd.s32 v0, v5  }
0x50: {  	[tilespmem:$0x60] =	vst v3;
	v3 =	vadd.s32 v0, v7  }
0x51: {  	[tilespmem:$0x10] =	vst v3;
	v3 =	vadd.s32 v0, v8  }
0x52: {  	[tilespmem:$0x40] =	vst v3;
	v2 =	vadd.s32 v0, v2  }
0x53: {  	s22 =	simm.s32 $0x10;
	[tilespmem:$0x0] =	vst v2  }
.LBB2_7:
0x54: {  	[tilespmem:s19], [sflag:$0x1] =	stream.indirect.gather [hbm4b:s4+s18], $0x80, s3, s18, $0xb8;
	[tilespmem:$0x18100] =	vst v63  }
0x55: {  	s23 =	smov.u32 s22  }
0x56: {  	p1 =	sne.s32 s22, $0x4F0;
	s22 =	sadd.s32 $0x10, s22;
	_ =	swait.ge [sflag:s20], $0x4000  }
0x57: {  	[sflag:s20] =	ssyncset.done $0x0  }
0x58: {  	[sflag:s20] =	ssyncadd.s32 $0xFFFFC000  }
0x59: {  	[spmem:s1] =	stream.indirect.scatter.add.f32 [tilespmem:s19], [sflag:$0x2], $0x80, s18, s18, $0xb8;
	[tilespmem:$0x18100] =	vst v63  }
0x5a: {  	_ =	swait.ge [sflag:s17], $0x4000  }
0x5b: {  	[sflag:s17] =	ssyncset.done $0x0  }
0x5c: {  	s24 =	sadd.s32 s23, s14;
	[sflag:s17] =	ssyncadd.s32 $0xFFFFC000  }
0x5d: {  	[tilespmem:s3], [sflag:$0x2] =	stream.linear.gather [hbm4b:s24+s3], $0x80, $0x38;
	[tilespmem:$0x18100] =	vst v63  }
0x5e: {  	_ =	swait.ge [sflag:s17], $0x80  }
0x5f: {  	[sflag:s17] =	ssyncset.done $0x0  }
0x60: {  	s23 =	sadd.s32 s23, s13;
	[sflag:s17] =	ssyncadd.s32 $0xFFFFFF80  }
0x61: {  	[tilespmem:s18], [sflag:$0x2] =	stream.linear.gather [hbm4b:s23+s3], $0x80, $0x38;
	[tilespmem:$0x18100] =	vst v63  }
0x62: {  	_ =	swait.ge [sflag:s17], $0x80  }
0x63: {  	[sflag:s17] =	ssyncset.done $0x0  }
0x64: {  	[sflag:s17] =	ssyncadd.s32 $0xFFFFFF80  }
0x65: {  	v2 =	vld [tilespmem:$0x70]  }
0x66: {  	v3 =	vld [tilespmem:$0x30]  }
0x67: {  	v4 =	vld [tilespmem:$0x50]  }
0x68: {  	v5 =	vld [tilespmem:$0x60]  }
0x69: {  	v6 =	vld [tilespmem:$0x20]  }
0x6a: {  	v7 =	vld [tilespmem:$0x10];
	v2 =	vadd.s32 v0, v2  }
0x6b: {  	v3 =	vadd.s32 v0, v3;
	v8 =	vld [tilespmem:$0x40];
	[tilespmem:$0x70] =	vst v2  }
0x6c: {  	v2 =	vld [tilespmem:$0x0];
	[tilespmem:$0x30] =	vst v3;
	v3 =	vadd.s32 v0, v4  }
0x6d: {  	[tilespmem:$0x50] =	vst v3;
	v3 =	vadd.s32 v0, v5  }
.Ltmp3:
0x6e: {  	v4 =	vadd.s32 v0, v6;
	[tilespmem:$0x60] =	vst v3;
	(pc) =	sbr.rel @p1 .LBB2_7-.Ltmp3, $4  }
0x6f: {  	v3 =	vadd.s32 v0, v7;
	[tilespmem:$0x20] =	vst v4  }
0x70: {  	[tilespmem:$0x10] =	vst v3;
	v3 =	vadd.s32 v0, v8  }
0x71: {  	v2 =	vadd.s32 v0, v2;
	[tilespmem:$0x40] =	vst v3  }
0x72: {  	[tilespmem:$0x0] =	vst v2  }
0x73: {  	[tilespmem:s19], [sflag:$0x1] =	stream.indirect.gather [hbm4b:s4+s18], $0x80, s3, s18, $0xb8;
	[tilespmem:$0x18100] =	vst v63  }
0x74: {  	_ =	swait.ge [sflag:s20], $0x4000  }
0x75: {  	[sflag:s20] =	ssyncset.done $0x0  }
0x76: {  	[sflag:s20] =	ssyncadd.s32 $0xFFFFC000  }
0x77: {  	[spmem:s1] =	stream.indirect.scatter.add.f32 [tilespmem:s19], [sflag:$0x2], $0x80, s18, s18, $0xb8;
	[tilespmem:$0x18100] =	vst v63  }
0x78: {  	_ =	swait.ge [sflag:s17], $0x4000  }
0x79: {  	s21 =	sadd.s32 $0x1, s21;
	[sflag:s17] =	ssyncset.done $0x0  }
0x7a: {  	p1 =	sne.s32 s21, s8;
	[sflag:s17] =	ssyncadd.s32 $0xFFFFC000  }
.Ltmp4:
0x7b: {  	[bflag:$0x0] =	sbarrier.arrive $0xFFFF;
	(pc) =	sbr.rel @p1 .LBB2_1-.Ltmp4, $4  }
0x7c: {  	[hbm:s7], [sflag:s15] =	dma.local [spmem:s16], $0x2800  }
0x7d: {  	_ =	swait.ge [sflag:s17], $0x2800  }
0x7e: {  	[sflag:s17] =	ssyncset.done $0x0  }
0x7f: {  	[sflag:s17] =	ssyncadd.s32 $0xFFFFD800  }
0x80: {  	_ =	sfence.sel $0x180000  }
0x81: {  	[bflag:$0x0] =	sbarrier.arrive $0xFFFF  }
0x82: {  	p0 =	sne.s32 s2, $0x0;
	_ =	strace $0x9000004A  }
0x83: {  	s0 =	sadd.s32 @!p0 $0x100000, s0;
	[bflag:$0x2] =	sbarrier.arrive $0xFFFF  }
0x84: {  	[sflag:s0] =	ssyncadd.tile.s32 @!p0 $0x1;
	_ =	shalt  }
.Lfunc_end2:
_tile_overlayer_lowered:
.L_overlay_start_2:
0x85: {  	(tag) =	ssettag $0x2  }
0x86: {  	s0 =	rddreg [dreg:$0x0];
	s2 =	stileid.u32  }
0x87: {  	s1 =	rddreg [dreg:$0x1];
	p0 =	sne.s32 s2, $0x0  }
0x88: {  	s3 =	rddreg [dreg:$0x2];
	[bflag:$0x3] =	sbarrier.arrive $0xFFFF;
	s2 =	simm.s32 @!p0 $0x1C02  }
0x89: {  	[timem:s3], [sflag:s2] =	dma.local @!p0 [hbm:s0], s1  }
0x8a: {  	s0 =	simm.s32 @!p0 $0x2  }
0x8b: {  	_ =	swait.ge @!p0 [sflag:s0], s1  }
0x8c: {  	s1 =	ssub.s32 @!p0 $0x0, s1;
	[sflag:s0] =	ssyncset.done @!p0 $0x0  }
0x8d: {  	[sflag:s0] =	ssyncadd.s32 @!p0 s1  }
0x8e: {  	[bflag:$0x3] =	sbarrier.arrive $0xFFFF  }
0x8f: {  	_ =	shalt  }

// kernel: kernel.19.cloned.1.call-start
scs
__scs_entry_jumppad:
0x0: {  	(pc) =	sbr.rel $0x88, $3  }
0x1: {  	(tag) =	ssettag $0x0;
	lr =	simm.s32 $0x1  }
0x2: {  	[smem:$0x3F95] =	sst lr;
	_ =	strace $0xD0000000  }
0x3: {  	_ = 	snop  }
0x4: {  	_ = 	snop  }
0x5: {  	_ = 	snop  }
0x6: {  	_ = 	snop  }
0x7: {  	_ = 	snop  }
__scs_overlays_trampoline_lowered:
0x8: {  	[smem:$0x3FA4] =	sst s0  }
0x9: {  	[smem:$0x3FA5] =	sst s1  }
0xa: {  	[smem:$0x3FA6] =	sst s2  }
0xb: {  	[smem:$0x3FA7] =	sst s3  }
0xc: {  	[smem:$0x3FA8] =	sst s4  }
0xd: {  	[smem:$0x3FA9] =	sst s5  }
0xe: {  	[smem:$0x3FAA] =	sst s6  }
0xf: {  	[smem:$0x3FAB] =	sst s7  }
0x10: {  	[smem:$0x3FAC] =	sst s8  }
0x11: {  	[smem:$0x3FAD] =	sst s9;
	s0 =	simm.s32 @!p0 $0x0  }
0x12: {  	s1 =	sld [smem:$0x3F93];
	s0 =	simm.s32 @p0 $0x1  }
0x13: {  	[smem:$0x3FAE] =	sst s0;
	s0 =	simm.s32 @!p1 $0x0  }
0x14: {  	s2 =	sld [smem:$0x3F92];
	s0 =	simm.s32 @p1 $0x1  }
0x15: {  	[smem:$0x3FAF] =	sst s0;
	s0 =	simm.s32 @!p2 $0x0  }
0x16: {  	s3 =	sld [smem:$0x3FDB];
	s0 =	simm.s32 @p2 $0x1  }
0x17: {  	s4 =	simm.s32 $0x1BF5;
	[smem:$0x3FB1] =	sst s0  }
0x18: {  	s0 =	sld [smem:$0x3F94];
	_ =	swait.ge [sflag:s4], $0x0  }
0x19: {  	s7 =	sld [smem:$0x3F95]  }
0x1a: {  	s8 =	sadd.s32 $0xFFFFE003, lr  }
0x1b: {  	s9 =	sadd.s32 $0xFFFFFEF7, lr;
	s5 =	simm.s32 $0xFFFFFFFF;
	p2 =	slt.u32 s8, $0xFFFFF086  }
0x1c: {  	p1 =	slt.u32 s9, $0xF7A;
	s5 =	simm.s32 @!p2 $0x0  }
0x1d: {  	s5 =	simm.s32 @p1 $0x1;
	p0 =	seq.s32 s7, s2  }
0x1e: {  	s7 =	smul.u32 @!p0 $0xF7A, s2;
	p2 =	seq.s32 @!p0 s5, $0x0  }
0x1f: {  	s9 =	smul.u32 $0xF7A, s1;
	s8 =	simm.s32 @!p0 $0x1BF5;
	p2 =	por !p2, p0  }
0x20: {  	[sflag:s8] =	ssyncset.s32 @!p0 $0xFFFFF086;
	s6 =	sadd.s32 @!p0 s3, s7;
	s7 =	simm.s32 @!p0 $0x108  }
0x21: {  	s3 =	sadd.s32 s3, s9;
	s6 =	sadd.s32 @!p0 $0x88, s6;
	s7 =	simm.s32 @p2 $0x1082  }
0x22: {  	[simem:s7], [sflag:s8] =	dma.local @!p0 [hbm:s6], $0xF7A  }
0x23: {  	s9 =	sor.u32 $0xD0000000, s2;
	s6 =	simm.s32 $0x108;
	_ =	swait.ge @!p0 [sflag:s8], $0x0  }
0x24: {  	s3 =	sadd.s32 $0x88, s3;
	s6 =	simm.s32 @!p1 $0x1082;
	[sflag:s4] =	ssyncset.s32 $0xFFFFF086  }
0x25: {  	[simem:s6], [sflag:s4] =	dma.local [hbm:s3], $0xF7A  }
0x26: {  	[smem:$0x3F95] =	sst s1;
	(tag) =	ssettag s2;
	_ =	strace s9  }
0x27: {  	s1 =	sld [smem:$0x3FA5]  }
0x28: {  	s2 =	sld [smem:$0x3FA6]  }
0x29: {  	s4 =	sld [smem:$0x3FA8]  }
0x2a: {  	p0 =	seq.s32 s5, $0x0;
	s5 =	sld [smem:$0x3FA9]  }
0x2b: {  	s6 =	sld [smem:$0x3FAA]  }
0x2c: {  	s7 =	sld [smem:$0x3FAB]  }
0x2d: {  	s3 =	simm.s32 $0x108;
	s8 =	sld [smem:$0x3FAC]  }
0x2e: {  	s3 =	simm.s32 @!p0 $0x1082;
	s9 =	sld [smem:$0x3FAD]  }
0x2f: {  	lr =	sadd.s32 s0, s3;
	s0 =	sld [smem:$0x3FA4]  }
0x30: {  	s3 =	sld [smem:$0x3FA7]  }
0x31: {  	[smem:$0x3FB0] =	sst s10  }
0x32: {  	s10 =	sld [smem:$0x3FAE];
	_ =	sdelay $0x3  }
0x33: {  	p0 =	seq.s32 s10, $0x1;
	s10 =	sld [smem:$0x3FB0];
	_ =	sdelay $0x3  }
0x34: {  	[smem:$0x3FB0] =	sst s10  }
0x35: {  	s10 =	sld [smem:$0x3FAF];
	_ =	sdelay $0x3  }
0x36: {  	p1 =	seq.s32 s10, $0x1;
	s10 =	sld [smem:$0x3FB0];
	_ =	sdelay $0x3  }
0x37: {  	[smem:$0x3FB0] =	sst s10  }
0x38: {  	s10 =	sld [smem:$0x3FB1]  }
0x39: {  	_ = 	snop;
	(pc) =	sbr.ind lr, $3  }
0x3a: {  	_ = 	snop  }
0x3b: {  	_ = 	snop  }
0x3c: {  	p2 =	seq.s32 s10, $0x1;
	s10 =	sld [smem:$0x3FB0]  }
0x3d: {  	_ =	shalt  }
0x3e: {  	_ =	shalt  }
0x3f: {  	_ =	shalt  }
0x40: {  	_ =	shalt  }
0x41: {  	_ =	shalt  }
0x42: {  	_ =	shalt  }
0x43: {  	_ =	shalt  }
0x44: {  	_ =	shalt  }
0x45: {  	_ =	shalt  }
0x46: {  	_ =	shalt  }
0x47: {  	_ =	shalt  }
0x48: {  	_ =	shalt  }
0x49: {  	_ =	shalt  }
0x4a: {  	_ =	shalt  }
0x4b: {  	_ =	shalt  }
0x4c: {  	_ =	shalt  }
0x4d: {  	_ =	shalt  }
0x4e: {  	_ =	shalt  }
0x4f: {  	_ =	shalt  }
0x50: {  	_ =	shalt  }
0x51: {  	_ =	shalt  }
0x52: {  	_ =	shalt  }
0x53: {  	_ =	shalt  }
0x54: {  	_ =	shalt  }
0x55: {  	_ =	shalt  }
0x56: {  	_ =	shalt  }
0x57: {  	_ =	shalt  }
0x58: {  	_ =	shalt  }
0x59: {  	_ =	shalt  }
0x5a: {  	_ =	shalt  }
0x5b: {  	_ =	shalt  }
0x5c: {  	_ =	shalt  }
0x5d: {  	_ =	shalt  }
0x5e: {  	_ =	shalt  }
0x5f: {  	_ =	shalt  }
0x60: {  	_ =	shalt  }
0x61: {  	_ =	shalt  }
0x62: {  	_ =	shalt  }
0x63: {  	_ =	shalt  }
0x64: {  	_ =	shalt  }
0x65: {  	_ =	shalt  }
0x66: {  	_ =	shalt  }
0x67: {  	_ =	shalt  }
0x68: {  	_ =	shalt  }
0x69: {  	_ =	shalt  }
0x6a: {  	_ =	shalt  }
0x6b: {  	_ =	shalt  }
0x6c: {  	_ =	shalt  }
0x6d: {  	_ =	shalt  }
0x6e: {  	_ =	shalt  }
0x6f: {  	_ =	shalt  }
0x70: {  	_ =	shalt  }
0x71: {  	_ =	shalt  }
0x72: {  	_ =	shalt  }
0x73: {  	_ =	shalt  }
0x74: {  	_ =	shalt  }
0x75: {  	_ =	shalt  }
0x76: {  	_ =	shalt  }
0x77: {  	_ =	shalt  }
0x78: {  	_ =	shalt  }
0x79: {  	_ =	shalt  }
0x7a: {  	_ =	shalt  }
0x7b: {  	_ =	shalt  }
0x7c: {  	_ =	shalt  }
0x7d: {  	_ =	shalt  }
0x7e: {  	_ =	shalt  }
0x7f: {  	_ =	shalt  }
0x80: {  	_ =	shalt  }
0x81: {  	_ =	shalt  }
0x82: {  	_ =	shalt  }
0x83: {  	_ =	shalt  }
0x84: {  	_ =	shalt  }
0x85: {  	_ =	shalt  }
0x86: {  	_ =	shalt  }
0x87: {  	_ =	shalt  }
.Lfunc_end0:
.L_simem_size_0:
called_computation.2_lowered:
.L_overlay_start_0:
0x88: {  	s2 =	sld [smem:$0x3FD9]  }
0x89: {  	s3 =	sld [smem:$0x3FFE];
	_ =	sdelay $0x1  }
0x8a: {  	s1 =	srdreg.scid  }
0x8b: {  	s0 =	sand.u32 $0x1, s1  }
0x8c: {  	s16 =	sshll.u32 s0, $0xA;
	s2 =	sadd.s32 s3, s2  }
0x8d: {  	s2 =	sadd.s32 s2, s16  }
0x8e: {  	[smem:$0x3FBC] =	sst s2  }
0x8f: {  	_ = 	snop  }
0x90: {  	(tm) =	ssettm $0x1  }
0x91: {  	s17 =	sld [smem:$0x3FFB];
	_ =	sdelay $0x3  }
0x92: {  	_ =	strace s17  }
0x93: {  	s2 =	sld [smem:$0x3FFC];
	_ =	sdelay $0x3  }
0x94: {  	_ =	strace s2  }
0x95: {  	s2 =	sld [smem:$0x3FFD];
	_ =	sdelay $0x3  }
0x96: {  	_ =	strace s2  }
0x97: {  	_ =	strace $0x8FFFFFFF  }
0x98: {  	s18 =	sld [smem:$0x3FDB];
	_ =	sdelay $0x1  }
0x99: {  	s19 =	simm.s32 $_scs_section_size  }
0x9a: {  	s4 =	simm.s32 $_size__tile_overlayer_lowered;
	s5 =	simm.s32 $_tile_overlayer_lowered  }
0x9b: {  	s22 =	simm.s32 $0x1BFF;
	s21 =	sshll.u32 s5, $0x1;
	s2 =	sadd.s32 s19, s18  }
0x9c: {  	s6 =	simm.s32 $0x0;
	s20 =	sshll.u32 s4, $0x1;
	s4 =	sadd.s32 s21, s2  }
0x9d: {  	[timem:s6], [sflag:s22] =	dma.local [hbm:s4], s20  }
0x9e: {  	_ =	swait.ge [sflag:s22], s20  }
0x9f: {  	s3 =	ssub.s32 $0x0, s20;
	[sflag:s22] =	ssyncset.done $0x0  }
0xa0: {  	[sflag:s22] =	ssyncadd.s32 s3;
	_ =	sdelay $0x1  }
0xa1: {  	s23 =	simm.s32 $0x1B8B  }
0xa2: {  	_ =	swait.ge [sflag:s23], $0x1  }
0xa3: {  	[sflag:s23] =	ssyncset.done $0x0  }
0xa4: {  	s25 =	simm.s32 $0x1B8E;
	s24 =	sld [smem:$0x3FFE];
	[sflag:s23] =	ssyncadd.s32 $0xFFFFFFFF  }
0xa5: {  	s26 =	simm.s32 $execute0_lowered;
	[smem:$0x3FD2] =	sst s25  }
0xa6: {  	s4 =	sshll.u32 s26, $0x1;
	_ =	strace $0x8000004C;
	[dreg:$0x1] =	wrdreg $0xFFFFFFFF  }
0xa7: {  	s28 =	simm.s32 $_size_execute0_lowered;
	s2 =	sadd.s32 s2, s4;
	[dreg:$0x0] =	wrdreg $0x0  }
0xa8: {  	s4 =	sshll.u32 s28, $0x1;
	[dreg:$0x2] =	wrdreg s2  }
0xa9: {  	[dreg:$0x3] =	wrdreg s4  }
0xaa: {  	[dreg:$0x4] =	wrdreg $0xC0  }
0xab: {  	_ =	task [dreg:s6], $0x5FFFF  }
0xac: {  	[dreg:$0x1] =	wrdreg $0xFFFFFFFF  }
0xad: {  	[dreg:$0x0] =	wrdreg $0x60  }
0xae: {  	[dreg:$0x2] =	wrdreg s24  }
0xaf: {  	[dreg:$0x3] =	wrdreg $0x41000  }
0xb0: {  	[dreg:$0x4] =	wrdreg $0x9  }
0xb1: {  	_ =	task.clear_ibuf [dreg:s6], $0x5FFFF;
	_ =	strace $0x9000004C  }
0xb2: {  	s29 =	simm.s32 $0x9;
	_ =	strace $0x8000004E  }
0xb3: {  	_ =	swait.ge [sflag:s29], $0x1  }
0xb4: {  	[sflag:s29] =	ssyncadd.s32 $0xFFFFFFFF  }
0xb5: {  	_ =	strace $0x9000004E  }
0xb6: {  	_ =	sfence  }
0xb7: {  	s30 =	sld [smem:$0x0];
	_ =	sdelay $0x2  }
0xb8: {  	s31 =	sshll.u32 s1, $0xD;
	s1 =	sshrl.u32 s1, $0x2  }
0xb9: {  	s3 =	sand.u32 $0x4000, s31;
	s1 =	sadd.s32 s1, s30  }
0xba: {  	s0 =	sor.u32 s3, s0;
	s1 =	sshll.u32 s1, $0x11  }
0xbb: {  	s0 =	sor.u32 s1, s0  }
0xbc: {  	s0 =	sadd.s32 $0x8F2B, s0  }
0xbd: {  	[sflag:s0] =	ssyncadd.remote.s32 $0x1  }
0xbe: {  	_ =	sfence.sel $0xFFFF  }
0xbf: {  	[dreg:$0x0] =	wrdreg $0xFFFFFFFF;
	(pc) =	sbr.abs _section_cstart, $3  }
0xc0: {  	[dreg:$0x1] =	wrdreg $0xFFFFFFFF  }
0xc1: {  	_ =	task.clear_ibuf [dreg:s6], $0x2FFFF;
	_ =	strace $0x9FFFFFFF  }
0xc2: {  	(tm) =	ssettm $0x7FFFFFFF  }
0xc3: {  	_ =	shalt  }
tec
execute0_lowered:
.L_overlay_start_1:
0x0: {  	(tag) =	ssettag $0x1  }
0x1: {  	s5 =	rddreg [dreg:$0x0]  }
0x2: {  	s1 =	rddreg [dreg:$0x1];
	s2 =	srdreg.scid  }
0x3: {  	s0 =	rddreg [dreg:$0x2];
	s3 =	simm.s32 $0x0;
	s6 =	sand.u32 $0x1, s2  }
0x4: {  	s13 =	simm.s32 $0x80;
	s2 =	stileid.u32;
	s14 =	smul.u32 $0x2800, s6  }
0x5: {  	s15 =	simm.s32 $0x1;
	s16 =	simm.s32 $0x0;
	s7 =	smul.u32 $0x280, s2  }
0x6: {  	[smem:$0x7FF] =	sst s3;
	s4 =	sadd.s32 $0xD400, s5;
	s8 =	smul.u32 $0xA00, s2  }
0x7: {  	_ =	strace $0x8000004D;
	s9 =	smul.u32 $0x50000, s2;
	s6 =	ssub.s32 $0x2, s6  }
0x8: {  	s31 =	sshll.u32 s2, $0x6;
	s30 =	sshrl.u32 s6, $0x1;
	s7 =	sadd.s32 s7, s14  }
0x9: {  	s10 =	sadd.s32 s8, s5;
	s9 =	sshrl.u32 s9, $0x2;
	s11 =	ssub.s32 s6, s30  }
0xa: {  	s6 =	sor.u32 $0x1C02, s31;
	v0 =	vmov s14;
	s14 =	simm.s32 $0x100;
	s7 =	sshll.u32 s7, $0x4  }
0xb: {  	s12 =	sadd.s32 s9, s1;
	s8 =	smax.u32 s11, $0x1;
	s9 =	sadd.s32 $0x3400, s10  }
0xc: {  	s10 =	sadd.s32 $0x5D400, s10;
	s29 =	sadd.s32 s7, s5;
	s5 =	sadd.s32 s4, s7  }
0xd: {  	s11 =	sshrl.u32 s12, $0x3;
	s12 =	simm.s32 $0x2;
	s7 =	sadd.s32 $0x67400, s29  }
.LBB2_1:
0xe: {  	[spmem:s11], [sflag:s6] =	dma.local [hbm:s5], $0x2800  }
0xf: {  	_ =	swait.ge [sflag:s12], $0x2800  }
0x10: {  	[sflag:s12] =	ssyncset.done $0x0  }
0x11: {  	[sflag:s12] =	ssyncadd.s32 $0xFFFFD800  }
0x12: {  	s17 =	sadd.s32 $0x0, s10;
	[bflag:$0x0] =	sbarrier.arrive $0xFFFF  }
0x13: {  	[tilespmem:s3], [sflag:$0x2] =	stream.linear.gather [hbm4b:s17+s3], $0x80, $0x38;
	[tilespmem:$0x18100] =	vst v63  }
0x14: {  	_ =	swait.ge [sflag:s12], $0x80  }
0x15: {  	[sflag:s12] =	ssyncset.done $0x0  }
0x16: {  	s31 =	sadd.s32 $0x0, s9;
	[sflag:s12] =	ssyncadd.s32 $0xFFFFFF80  }
0x17: {  	[tilespmem:s13], [sflag:$0x2] =	stream.linear.gather [hbm4b:s31+s3], $0x80, $0x38;
	[tilespmem:$0x18100] =	vst v63  }
0x18: {  	_ =	swait.ge [sflag:s12], $0x80  }
0x19: {  	[sflag:s12] =	ssyncset.done $0x0  }
0x1a: {  	[sflag:s12] =	ssyncadd.s32 $0xFFFFFF80  }
0x1b: {  	v1 =	vld [tilespmem:$0x70]  }
0x1c: {  	v2 =	vld [tilespmem:$0x30]  }
0x1d: {  	v3 =	vld [tilespmem:$0x50]  }
0x1e: {  	v5 =	vld [tilespmem:$0x20]  }
0x1f: {  	v4 =	vld [tilespmem:$0x60]  }
0x20: {  	v6 =	vld [tilespmem:$0x10];
	v1 =	vadd.s32 v0, v1  }
0x21: {  	v7 =	vld [tilespmem:$0x40];
	v2 =	vadd.s32 v0, v2;
	[tilespmem:$0x70] =	vst v1  }
0x22: {  	v1 =	vld [tilespmem:$0x0];
	[tilespmem:$0x30] =	vst v2;
	v2 =	vadd.s32 v0, v3  }
0x23: {  	v3 =	vadd.s32 v0, v5;
	[tilespmem:$0x50] =	vst v2  }
0x24: {  	v2 =	vadd.s32 v0, v4;
	[tilespmem:$0x20] =	vst v3  }
0x25: {  	[tilespmem:$0x60] =	vst v2;
	v2 =	vadd.s32 v0, v6  }
0x26: {  	[tilespmem:$0x10] =	vst v2;
	v2 =	vadd.s32 v0, v7  }
0x27: {  	[tilespmem:$0x40] =	vst v2;
	v1 =	vadd.s32 v0, v1  }
0x28: {  	s17 =	simm.s32 $0x10;
	[tilespmem:$0x0] =	vst v1  }
.LBB2_2:
0x29: {  	[tilespmem:s14], [sflag:$0x1] =	stream.indirect.gather [hbm4b:s4+s13], $0x80, s3, s13, $0xb8;
	[tilespmem:$0x18100] =	vst v63  }
0x2a: {  	s18 =	smov.u32 s17  }
0x2b: {  	p0 =	sne.s32 s17, $0x9F0;
	s17 =	sadd.s32 $0x10, s17;
	_ =	swait.ge [sflag:s15], $0x4000  }
0x2c: {  	[sflag:s15] =	ssyncset.done $0x0  }
0x2d: {  	[sflag:s15] =	ssyncadd.s32 $0xFFFFC000  }
0x2e: {  	[spmem:s1] =	stream.indirect.scatter.add.f32 [tilespmem:s14], [sflag:$0x2], $0x80, s13, s13, $0xb8;
	[tilespmem:$0x18100] =	vst v63  }
0x2f: {  	_ =	swait.ge [sflag:s12], $0x4000  }
0x30: {  	[sflag:s12] =	ssyncset.done $0x0  }
0x31: {  	s19 =	sadd.s32 s18, s10;
	[sflag:s12] =	ssyncadd.s32 $0xFFFFC000  }
0x32: {  	[tilespmem:s3], [sflag:$0x2] =	stream.linear.gather [hbm4b:s19+s3], $0x80, $0x38;
	[tilespmem:$0x18100] =	vst v63  }
0x33: {  	_ =	swait.ge [sflag:s12], $0x80  }
0x34: {  	[sflag:s12] =	ssyncset.done $0x0  }
0x35: {  	s18 =	sadd.s32 s18, s9;
	[sflag:s12] =	ssyncadd.s32 $0xFFFFFF80  }
0x36: {  	[tilespmem:s13], [sflag:$0x2] =	stream.linear.gather [hbm4b:s18+s3], $0x80, $0x38;
	[tilespmem:$0x18100] =	vst v63  }
0x37: {  	_ =	swait.ge [sflag:s12], $0x80  }
0x38: {  	[sflag:s12] =	ssyncset.done $0x0  }
0x39: {  	[sflag:s12] =	ssyncadd.s32 $0xFFFFFF80  }
0x3a: {  	v1 =	vld [tilespmem:$0x70]  }
0x3b: {  	v2 =	vld [tilespmem:$0x30]  }
0x3c: {  	v3 =	vld [tilespmem:$0x50]  }
0x3d: {  	v4 =	vld [tilespmem:$0x60]  }
0x3e: {  	v5 =	vld [tilespmem:$0x20]  }
0x3f: {  	v6 =	vld [tilespmem:$0x10];
	v1 =	vadd.s32 v0, v1  }
0x40: {  	v2 =	vadd.s32 v0, v2;
	v7 =	vld [tilespmem:$0x40];
	[tilespmem:$0x70] =	vst v1  }
0x41: {  	v1 =	vld [tilespmem:$0x0];
	[tilespmem:$0x30] =	vst v2;
	v2 =	vadd.s32 v0, v3  }
0x42: {  	[tilespmem:$0x50] =	vst v2;
	v2 =	vadd.s32 v0, v4  }
.Ltmp0:
0x43: {  	v3 =	vadd.s32 v0, v5;
	[tilespmem:$0x60] =	vst v2;
	(pc) =	sbr.rel @p0 .LBB2_2-.Ltmp0, $4  }
0x44: {  	v2 =	vadd.s32 v0, v6;
	[tilespmem:$0x20] =	vst v3  }
0x45: {  	[tilespmem:$0x10] =	vst v2;
	v2 =	vadd.s32 v0, v7  }
0x46: {  	v1 =	vadd.s32 v0, v1;
	[tilespmem:$0x40] =	vst v2  }
0x47: {  	[tilespmem:$0x0] =	vst v1  }
0x48: {  	[tilespmem:s14], [sflag:$0x1] =	stream.indirect.gather [hbm4b:s4+s13], $0x80, s3, s13, $0xb8;
	[tilespmem:$0x18100] =	vst v63  }
0x49: {  	_ =	swait.ge [sflag:s15], $0x4000  }
0x4a: {  	[sflag:s15] =	ssyncset.done $0x0  }
0x4b: {  	[sflag:s15] =	ssyncadd.s32 $0xFFFFC000  }
0x4c: {  	[spmem:s1] =	stream.indirect.scatter.add.f32 [tilespmem:s14], [sflag:$0x2], $0x80, s13, s13, $0xb8;
	[tilespmem:$0x18100] =	vst v63  }
0x4d: {  	_ =	swait.ge [sflag:s12], $0x4000  }
0x4e: {  	s16 =	sadd.s32 $0x1, s16;
	[sflag:s12] =	ssyncset.done $0x0  }
0x4f: {  	p0 =	sne.s32 s16, s8;
	[sflag:s12] =	ssyncadd.s32 $0xFFFFC000  }
.Ltmp1:
0x50: {  	[bflag:$0x0] =	sbarrier.arrive $0xFFFF;
	(pc) =	sbr.rel @p0 .LBB2_1-.Ltmp1, $4  }
0x51: {  	[hbm:s7], [sflag:s6] =	dma.local [spmem:s11], $0x2800  }
0x52: {  	_ =	swait.ge [sflag:s12], $0x2800  }
0x53: {  	[sflag:s12] =	ssyncset.done $0x0  }
0x54: {  	[sflag:s12] =	ssyncadd.s32 $0xFFFFD800  }
0x55: {  	_ =	sfence.sel $0x180000  }
0x56: {  	[bflag:$0x0] =	sbarrier.arrive $0xFFFF  }
0x57: {  	p0 =	sne.s32 s2, $0x0;
	_ =	strace $0x9000004D  }
0x58: {  	s0 =	sadd.s32 @!p0 $0x100000, s0;
	[bflag:$0x2] =	sbarrier.arrive $0xFFFF  }
0x59: {  	[sflag:s0] =	ssyncadd.tile.s32 @!p0 $0x1;
	_ =	shalt  }
.Lfunc_end2:
_tile_overlayer_lowered:
.L_overlay_start_2:
0x5a: {  	(tag) =	ssettag $0x2  }
0x5b: {  	s0 =	rddreg [dreg:$0x0];
	s2 =	stileid.u32  }
0x5c: {  	s1 =	rddreg [dreg:$0x1];
	p0 =	sne.s32 s2, $0x0  }
0x5d: {  	s3 =	rddreg [dreg:$0x2];
	[bflag:$0x3] =	sbarrier.arrive $0xFFFF;
	s2 =	simm.s32 @!p0 $0x1C02  }
0x5e: {  	[timem:s3], [sflag:s2] =	dma.local @!p0 [hbm:s0], s1  }
0x5f: {  	s0 =	simm.s32 @!p0 $0x2  }
0x60: {  	_ =	swait.ge @!p0 [sflag:s0], s1  }
0x61: {  	s1 =	ssub.s32 @!p0 $0x0, s1;
	[sflag:s0] =	ssyncset.done @!p0 $0x0  }
0x62: {  	[sflag:s0] =	ssyncadd.s32 @!p0 s1  }
0x63: {  	[bflag:$0x3] =	sbarrier.arrive $0xFFFF  }
0x64: {  	_ =	shalt  }

// kernel: kernel.22.cloned.1.call-start
scs
__scs_entry_jumppad:
0x0: {  	(pc) =	sbr.rel $0x88, $3  }
0x1: {  	(tag) =	ssettag $0x0;
	lr =	simm.s32 $0x1  }
0x2: {  	[smem:$0x3F95] =	sst lr;
	_ =	strace $0xD0000000  }
0x3: {  	_ = 	snop  }
0x4: {  	_ = 	snop  }
0x5: {  	_ = 	snop  }
0x6: {  	_ = 	snop  }
0x7: {  	_ = 	snop  }
__scs_overlays_trampoline_lowered:
0x8: {  	[smem:$0x3FA4] =	sst s0  }
0x9: {  	[smem:$0x3FA5] =	sst s1  }
0xa: {  	[smem:$0x3FA6] =	sst s2  }
0xb: {  	[smem:$0x3FA7] =	sst s3  }
0xc: {  	[smem:$0x3FA8] =	sst s4  }
0xd: {  	[smem:$0x3FA9] =	sst s5  }
0xe: {  	[smem:$0x3FAA] =	sst s6  }
0xf: {  	[smem:$0x3FAB] =	sst s7  }
0x10: {  	[smem:$0x3FAC] =	sst s8  }
0x11: {  	[smem:$0x3FAD] =	sst s9;
	s0 =	simm.s32 @!p0 $0x0  }
0x12: {  	s1 =	sld [smem:$0x3F93];
	s0 =	simm.s32 @p0 $0x1  }
0x13: {  	[smem:$0x3FAE] =	sst s0;
	s0 =	simm.s32 @!p1 $0x0  }
0x14: {  	s2 =	sld [smem:$0x3F92];
	s0 =	simm.s32 @p1 $0x1  }
0x15: {  	[smem:$0x3FAF] =	sst s0;
	s0 =	simm.s32 @!p2 $0x0  }
0x16: {  	s3 =	sld [smem:$0x3FDB];
	s0 =	simm.s32 @p2 $0x1  }
0x17: {  	s4 =	simm.s32 $0x1BF5;
	[smem:$0x3FB1] =	sst s0  }
0x18: {  	s0 =	sld [smem:$0x3F94];
	_ =	swait.ge [sflag:s4], $0x0  }
0x19: {  	s7 =	sld [smem:$0x3F95]  }
0x1a: {  	s8 =	sadd.s32 $0xFFFFE003, lr  }
0x1b: {  	s9 =	sadd.s32 $0xFFFFFEF7, lr;
	s5 =	simm.s32 $0xFFFFFFFF;
	p2 =	slt.u32 s8, $0xFFFFF086  }
0x1c: {  	p1 =	slt.u32 s9, $0xF7A;
	s5 =	simm.s32 @!p2 $0x0  }
0x1d: {  	s5 =	simm.s32 @p1 $0x1;
	p0 =	seq.s32 s7, s2  }
0x1e: {  	s7 =	smul.u32 @!p0 $0xF7A, s2;
	p2 =	seq.s32 @!p0 s5, $0x0  }
0x1f: {  	s9 =	smul.u32 $0xF7A, s1;
	s8 =	simm.s32 @!p0 $0x1BF5;
	p2 =	por !p2, p0  }
0x20: {  	[sflag:s8] =	ssyncset.s32 @!p0 $0xFFFFF086;
	s6 =	sadd.s32 @!p0 s3, s7;
	s7 =	simm.s32 @!p0 $0x108  }
0x21: {  	s3 =	sadd.s32 s3, s9;
	s6 =	sadd.s32 @!p0 $0x88, s6;
	s7 =	simm.s32 @p2 $0x1082  }
0x22: {  	[simem:s7], [sflag:s8] =	dma.local @!p0 [hbm:s6], $0xF7A  }
0x23: {  	s9 =	sor.u32 $0xD0000000, s2;
	s6 =	simm.s32 $0x108;
	_ =	swait.ge @!p0 [sflag:s8], $0x0  }
0x24: {  	s3 =	sadd.s32 $0x88, s3;
	s6 =	simm.s32 @!p1 $0x1082;
	[sflag:s4] =	ssyncset.s32 $0xFFFFF086  }
0x25: {  	[simem:s6], [sflag:s4] =	dma.local [hbm:s3], $0xF7A  }
0x26: {  	[smem:$0x3F95] =	sst s1;
	(tag) =	ssettag s2;
	_ =	strace s9  }
0x27: {  	s1 =	sld [smem:$0x3FA5]  }
0x28: {  	s2 =	sld [smem:$0x3FA6]  }
0x29: {  	s4 =	sld [smem:$0x3FA8]  }
0x2a: {  	p0 =	seq.s32 s5, $0x0;
	s5 =	sld [smem:$0x3FA9]  }
0x2b: {  	s6 =	sld [smem:$0x3FAA]  }
0x2c: {  	s7 =	sld [smem:$0x3FAB]  }
0x2d: {  	s3 =	simm.s32 $0x108;
	s8 =	sld [smem:$0x3FAC]  }
0x2e: {  	s3 =	simm.s32 @!p0 $0x1082;
	s9 =	sld [smem:$0x3FAD]  }
0x2f: {  	lr =	sadd.s32 s0, s3;
	s0 =	sld [smem:$0x3FA4]  }
0x30: {  	s3 =	sld [smem:$0x3FA7]  }
0x31: {  	[smem:$0x3FB0] =	sst s10  }
0x32: {  	s10 =	sld [smem:$0x3FAE];
	_ =	sdelay $0x3  }
0x33: {  	p0 =	seq.s32 s10, $0x1;
	s10 =	sld [smem:$0x3FB0];
	_ =	sdelay $0x3  }
0x34: {  	[smem:$0x3FB0] =	sst s10  }
0x35: {  	s10 =	sld [smem:$0x3FAF];
	_ =	sdelay $0x3  }
0x36: {  	p1 =	seq.s32 s10, $0x1;
	s10 =	sld [smem:$0x3FB0];
	_ =	sdelay $0x3  }
0x37: {  	[smem:$0x3FB0] =	sst s10  }
0x38: {  	s10 =	sld [smem:$0x3FB1]  }
0x39: {  	_ = 	snop;
	(pc) =	sbr.ind lr, $3  }
0x3a: {  	_ = 	snop  }
0x3b: {  	_ = 	snop  }
0x3c: {  	p2 =	seq.s32 s10, $0x1;
	s10 =	sld [smem:$0x3FB0]  }
0x3d: {  	_ =	shalt  }
0x3e: {  	_ =	shalt  }
0x3f: {  	_ =	shalt  }
0x40: {  	_ =	shalt  }
0x41: {  	_ =	shalt  }
0x42: {  	_ =	shalt  }
0x43: {  	_ =	shalt  }
0x44: {  	_ =	shalt  }
0x45: {  	_ =	shalt  }
0x46: {  	_ =	shalt  }
0x47: {  	_ =	shalt  }
0x48: {  	_ =	shalt  }
0x49: {  	_ =	shalt  }
0x4a: {  	_ =	shalt  }
0x4b: {  	_ =	shalt  }
0x4c: {  	_ =	shalt  }
0x4d: {  	_ =	shalt  }
0x4e: {  	_ =	shalt  }
0x4f: {  	_ =	shalt  }
0x50: {  	_ =	shalt  }
0x51: {  	_ =	shalt  }
0x52: {  	_ =	shalt  }
0x53: {  	_ =	shalt  }
0x54: {  	_ =	shalt  }
0x55: {  	_ =	shalt  }
0x56: {  	_ =	shalt  }
0x57: {  	_ =	shalt  }
0x58: {  	_ =	shalt  }
0x59: {  	_ =	shalt  }
0x5a: {  	_ =	shalt  }
0x5b: {  	_ =	shalt  }
0x5c: {  	_ =	shalt  }
0x5d: {  	_ =	shalt  }
0x5e: {  	_ =	shalt  }
0x5f: {  	_ =	shalt  }
0x60: {  	_ =	shalt  }
0x61: {  	_ =	shalt  }
0x62: {  	_ =	shalt  }
0x63: {  	_ =	shalt  }
0x64: {  	_ =	shalt  }
0x65: {  	_ =	shalt  }
0x66: {  	_ =	shalt  }
0x67: {  	_ =	shalt  }
0x68: {  	_ =	shalt  }
0x69: {  	_ =	shalt  }
0x6a: {  	_ =	shalt  }
0x6b: {  	_ =	shalt  }
0x6c: {  	_ =	shalt  }
0x6d: {  	_ =	shalt  }
0x6e: {  	_ =	shalt  }
0x6f: {  	_ =	shalt  }
0x70: {  	_ =	shalt  }
0x71: {  	_ =	shalt  }
0x72: {  	_ =	shalt  }
0x73: {  	_ =	shalt  }
0x74: {  	_ =	shalt  }
0x75: {  	_ =	shalt  }
0x76: {  	_ =	shalt  }
0x77: {  	_ =	shalt  }
0x78: {  	_ =	shalt  }
0x79: {  	_ =	shalt  }
0x7a: {  	_ =	shalt  }
0x7b: {  	_ =	shalt  }
0x7c: {  	_ =	shalt  }
0x7d: {  	_ =	shalt  }
0x7e: {  	_ =	shalt  }
0x7f: {  	_ =	shalt  }
0x80: {  	_ =	shalt  }
0x81: {  	_ =	shalt  }
0x82: {  	_ =	shalt  }
0x83: {  	_ =	shalt  }
0x84: {  	_ =	shalt  }
0x85: {  	_ =	shalt  }
0x86: {  	_ =	shalt  }
0x87: {  	_ =	shalt  }
.Lfunc_end0:
.L_simem_size_0:
called_computation.3_lowered:
.L_overlay_start_0:
0x88: {  	s2 =	sld [smem:$0x3FD9]  }
0x89: {  	s3 =	sld [smem:$0x3FFE];
	_ =	sdelay $0x1  }
0x8a: {  	s1 =	srdreg.scid  }
0x8b: {  	s0 =	sand.u32 $0x1, s1  }
0x8c: {  	s16 =	sshll.u32 s0, $0xA;
	s2 =	sadd.s32 s3, s2  }
0x8d: {  	s2 =	sadd.s32 s2, s16  }
0x8e: {  	[smem:$0x3FBC] =	sst s2  }
0x8f: {  	_ = 	snop  }
0x90: {  	(tm) =	ssettm $0x1  }
0x91: {  	s17 =	sld [smem:$0x3FFB];
	_ =	sdelay $0x3  }
0x92: {  	_ =	strace s17  }
0x93: {  	s2 =	sld [smem:$0x3FFC];
	_ =	sdelay $0x3  }
0x94: {  	_ =	strace s2  }
0x95: {  	s2 =	sld [smem:$0x3FFD];
	_ =	sdelay $0x3  }
0x96: {  	_ =	strace s2  }
0x97: {  	_ =	strace $0x8FFFFFFF  }
0x98: {  	s18 =	sld [smem:$0x3FDB];
	_ =	sdelay $0x1  }
0x99: {  	s19 =	simm.s32 $_scs_section_size  }
0x9a: {  	s4 =	simm.s32 $_size__tile_overlayer_lowered;
	s5 =	simm.s32 $_tile_overlayer_lowered  }
0x9b: {  	s22 =	simm.s32 $0x1BFF;
	s21 =	sshll.u32 s5, $0x1;
	s2 =	sadd.s32 s19, s18  }
0x9c: {  	s6 =	simm.s32 $0x0;
	s20 =	sshll.u32 s4, $0x1;
	s4 =	sadd.s32 s21, s2  }
0x9d: {  	[timem:s6], [sflag:s22] =	dma.local [hbm:s4], s20  }
0x9e: {  	_ =	swait.ge [sflag:s22], s20  }
0x9f: {  	s3 =	ssub.s32 $0x0, s20;
	[sflag:s22] =	ssyncset.done $0x0  }
0xa0: {  	[sflag:s22] =	ssyncadd.s32 s3;
	_ =	sdelay $0x1  }
0xa1: {  	s23 =	simm.s32 $0x1B8B  }
0xa2: {  	_ =	swait.ge [sflag:s23], $0x1  }
0xa3: {  	[sflag:s23] =	ssyncset.done $0x0  }
0xa4: {  	s25 =	simm.s32 $0x1B8E;
	s24 =	sld [smem:$0x3FFE];
	[sflag:s23] =	ssyncadd.s32 $0xFFFFFFFF  }
0xa5: {  	s26 =	simm.s32 $execute0_lowered;
	[smem:$0x3FD2] =	sst s25  }
0xa6: {  	s4 =	sshll.u32 s26, $0x1;
	_ =	strace $0x8000004F;
	[dreg:$0x1] =	wrdreg $0xFFFFFFFF  }
0xa7: {  	s28 =	simm.s32 $_size_execute0_lowered;
	s2 =	sadd.s32 s2, s4;
	[dreg:$0x0] =	wrdreg $0x0  }
0xa8: {  	s4 =	sshll.u32 s28, $0x1;
	[dreg:$0x2] =	wrdreg s2  }
0xa9: {  	[dreg:$0x3] =	wrdreg s4  }
0xaa: {  	[dreg:$0x4] =	wrdreg $0xC0  }
0xab: {  	_ =	task [dreg:s6], $0x5FFFF  }
0xac: {  	[dreg:$0x1] =	wrdreg $0xFFFFFFFF  }
0xad: {  	[dreg:$0x0] =	wrdreg $0x60  }
0xae: {  	[dreg:$0x2] =	wrdreg s24  }
0xaf: {  	[dreg:$0x3] =	wrdreg $0x41000  }
0xb0: {  	[dreg:$0x4] =	wrdreg $0x9  }
0xb1: {  	_ =	task.clear_ibuf [dreg:s6], $0x5FFFF;
	_ =	strace $0x9000004F  }
0xb2: {  	s29 =	simm.s32 $0x9;
	_ =	strace $0x80000051  }
0xb3: {  	_ =	swait.ge [sflag:s29], $0x1  }
0xb4: {  	[sflag:s29] =	ssyncadd.s32 $0xFFFFFFFF  }
0xb5: {  	_ =	strace $0x90000051  }
0xb6: {  	_ =	sfence  }
0xb7: {  	s30 =	sld [smem:$0x0];
	_ =	sdelay $0x2  }
0xb8: {  	s31 =	sshll.u32 s1, $0xD;
	s1 =	sshrl.u32 s1, $0x2  }
0xb9: {  	s3 =	sand.u32 $0x4000, s31;
	s1 =	sadd.s32 s1, s30  }
0xba: {  	s0 =	sor.u32 s3, s0;
	s1 =	sshll.u32 s1, $0x11  }
0xbb: {  	s0 =	sor.u32 s1, s0  }
0xbc: {  	s0 =	sadd.s32 $0x8F2B, s0  }
0xbd: {  	[sflag:s0] =	ssyncadd.remote.s32 $0x1  }
0xbe: {  	_ =	sfence.sel $0xFFFF  }
0xbf: {  	[dreg:$0x0] =	wrdreg $0xFFFFFFFF;
	(pc) =	sbr.abs _section_cstart, $3  }
0xc0: {  	[dreg:$0x1] =	wrdreg $0xFFFFFFFF  }
0xc1: {  	_ =	task.clear_ibuf [dreg:s6], $0x2FFFF;
	_ =	strace $0x9FFFFFFF  }
0xc2: {  	(tm) =	ssettm $0x7FFFFFFF  }
0xc3: {  	_ =	shalt  }
tec
execute0_lowered:
.L_overlay_start_1:
0x0: {  	(tag) =	ssettag $0x1  }
0x1: {  	s5 =	rddreg [dreg:$0x0]  }
0x2: {  	s1 =	rddreg [dreg:$0x1];
	s2 =	srdreg.scid  }
0x3: {  	s0 =	rddreg [dreg:$0x2];
	s3 =	simm.s32 $0x0;
	s6 =	sand.u32 $0x1, s2  }
0x4: {  	s13 =	simm.s32 $0x80;
	s2 =	stileid.u32;
	s14 =	smul.u32 $0x2800, s6  }
0x5: {  	s15 =	simm.s32 $0x1;
	s16 =	simm.s32 $0x0;
	s7 =	smul.u32 $0x280, s2  }
0x6: {  	[smem:$0x7FF] =	sst s3;
	s4 =	sadd.s32 $0xD400, s5;
	s8 =	smul.u32 $0xA00, s2  }
0x7: {  	_ =	strace $0x80000050;
	s9 =	smul.u32 $0x50000, s2;
	s6 =	ssub.s32 $0x2, s6  }
0x8: {  	s31 =	sshll.u32 s2, $0x6;
	s30 =	sshrl.u32 s6, $0x1;
	s7 =	sadd.s32 s7, s14  }
0x9: {  	s10 =	sadd.s32 s8, s5;
	s9 =	sshrl.u32 s9, $0x2;
	s11 =	ssub.s32 s6, s30  }
0xa: {  	s6 =	sor.u32 $0x1C02, s31;
	v0 =	vmov s14;
	s14 =	simm.s32 $0x100;
	s7 =	sshll.u32 s7, $0x4  }
0xb: {  	s12 =	sadd.s32 s9, s1;
	s8 =	smax.u32 s11, $0x1;
	s9 =	sadd.s32 $0x3400, s10  }
0xc: {  	s10 =	sadd.s32 $0x5D400, s10;
	s29 =	sadd.s32 s7, s5;
	s5 =	sadd.s32 s4, s7  }
0xd: {  	s11 =	sshrl.u32 s12, $0x3;
	s12 =	simm.s32 $0x2;
	s7 =	sadd.s32 $0x67400, s29  }
.LBB2_1:
0xe: {  	[spmem:s11], [sflag:s6] =	dma.local [hbm:s5], $0x2800  }
0xf: {  	_ =	swait.ge [sflag:s12], $0x2800  }
0x10: {  	[sflag:s12] =	ssyncset.done $0x0  }
0x11: {  	[sflag:s12] =	ssyncadd.s32 $0xFFFFD800  }
0x12: {  	s17 =	sadd.s32 $0x0, s10;
	[bflag:$0x0] =	sbarrier.arrive $0xFFFF  }
0x13: {  	[tilespmem:s3], [sflag:$0x2] =	stream.linear.gather [hbm4b:s17+s3], $0x80, $0x38;
	[tilespmem:$0x18100] =	vst v63  }
0x14: {  	_ =	swait.ge [sflag:s12], $0x80  }
0x15: {  	[sflag:s12] =	ssyncset.done $0x0  }
0x16: {  	s31 =	sadd.s32 $0x0, s9;
	[sflag:s12] =	ssyncadd.s32 $0xFFFFFF80  }
0x17: {  	[tilespmem:s13], [sflag:$0x2] =	stream.linear.gather [hbm4b:s31+s3], $0x80, $0x38;
	[tilespmem:$0x18100] =	vst v63  }
0x18: {  	_ =	swait.ge [sflag:s12], $0x80  }
0x19: {  	[sflag:s12] =	ssyncset.done $0x0  }
0x1a: {  	[sflag:s12] =	ssyncadd.s32 $0xFFFFFF80  }
0x1b: {  	v1 =	vld [tilespmem:$0x70]  }
0x1c: {  	v2 =	vld [tilespmem:$0x30]  }
0x1d: {  	v3 =	vld [tilespmem:$0x50]  }
0x1e: {  	v5 =	vld [tilespmem:$0x20]  }
0x1f: {  	v4 =	vld [tilespmem:$0x60]  }
0x20: {  	v6 =	vld [tilespmem:$0x10];
	v1 =	vadd.s32 v0, v1  }
0x21: {  	v7 =	vld [tilespmem:$0x40];
	v2 =	vadd.s32 v0, v2;
	[tilespmem:$0x70] =	vst v1  }
0x22: {  	v1 =	vld [tilespmem:$0x0];
	[tilespmem:$0x30] =	vst v2;
	v2 =	vadd.s32 v0, v3  }
0x23: {  	v3 =	vadd.s32 v0, v5;
	[tilespmem:$0x50] =	vst v2  }
0x24: {  	v2 =	vadd.s32 v0, v4;
	[tilespmem:$0x20] =	vst v3  }
0x25: {  	[tilespmem:$0x60] =	vst v2;
	v2 =	vadd.s32 v0, v6  }
0x26: {  	[tilespmem:$0x10] =	vst v2;
	v2 =	vadd.s32 v0, v7  }
0x27: {  	[tilespmem:$0x40] =	vst v2;
	v1 =	vadd.s32 v0, v1  }
0x28: {  	s17 =	simm.s32 $0x10;
	[tilespmem:$0x0] =	vst v1  }
.LBB2_2:
0x29: {  	[tilespmem:s14], [sflag:$0x1] =	stream.indirect.gather [hbm4b:s4+s13], $0x80, s3, s13, $0xb8;
	[tilespmem:$0x18100] =	vst v63  }
0x2a: {  	s18 =	smov.u32 s17  }
0x2b: {  	p0 =	sne.s32 s17, $0x9F0;
	s17 =	sadd.s32 $0x10, s17;
	_ =	swait.ge [sflag:s15], $0x4000  }
0x2c: {  	[sflag:s15] =	ssyncset.done $0x0  }
0x2d: {  	[sflag:s15] =	ssyncadd.s32 $0xFFFFC000  }
0x2e: {  	[spmem:s1] =	stream.indirect.scatter.add.f32 [tilespmem:s14], [sflag:$0x2], $0x80, s13, s13, $0xb8;
	[tilespmem:$0x18100] =	vst v63  }
0x2f: {  	_ =	swait.ge [sflag:s12], $0x4000  }
0x30: {  	[sflag:s12] =	ssyncset.done $0x0  }
0x31: {  	s19 =	sadd.s32 s18, s10;
	[sflag:s12] =	ssyncadd.s32 $0xFFFFC000  }
0x32: {  	[tilespmem:s3], [sflag:$0x2] =	stream.linear.gather [hbm4b:s19+s3], $0x80, $0x38;
	[tilespmem:$0x18100] =	vst v63  }
0x33: {  	_ =	swait.ge [sflag:s12], $0x80  }
0x34: {  	[sflag:s12] =	ssyncset.done $0x0  }
0x35: {  	s18 =	sadd.s32 s18, s9;
	[sflag:s12] =	ssyncadd.s32 $0xFFFFFF80  }
0x36: {  	[tilespmem:s13], [sflag:$0x2] =	stream.linear.gather [hbm4b:s18+s3], $0x80, $0x38;
	[tilespmem:$0x18100] =	vst v63  }
0x37: {  	_ =	swait.ge [sflag:s12], $0x80  }
0x38: {  	[sflag:s12] =	ssyncset.done $0x0  }
0x39: {  	[sflag:s12] =	ssyncadd.s32 $0xFFFFFF80  }
0x3a: {  	v1 =	vld [tilespmem:$0x70]  }
0x3b: {  	v2 =	vld [tilespmem:$0x30]  }
0x3c: {  	v3 =	vld [tilespmem:$0x50]  }
0x3d: {  	v4 =	vld [tilespmem:$0x60]  }
0x3e: {  	v5 =	vld [tilespmem:$0x20]  }
0x3f: {  	v6 =	vld [tilespmem:$0x10];
	v1 =	vadd.s32 v0, v1  }
0x40: {  	v2 =	vadd.s32 v0, v2;
	v7 =	vld [tilespmem:$0x40];
	[tilespmem:$0x70] =	vst v1  }
0x41: {  	v1 =	vld [tilespmem:$0x0];
	[tilespmem:$0x30] =	vst v2;
	v2 =	vadd.s32 v0, v3  }
0x42: {  	[tilespmem:$0x50] =	vst v2;
	v2 =	vadd.s32 v0, v4  }
.Ltmp0:
0x43: {  	v3 =	vadd.s32 v0, v5;
	[tilespmem:$0x60] =	vst v2;
	(pc) =	sbr.rel @p0 .LBB2_2-.Ltmp0, $4  }
0x44: {  	v2 =	vadd.s32 v0, v6;
	[tilespmem:$0x20] =	vst v3  }
0x45: {  	[tilespmem:$0x10] =	vst v2;
	v2 =	vadd.s32 v0, v7  }
0x46: {  	v1 =	vadd.s32 v0, v1;
	[tilespmem:$0x40] =	vst v2  }
0x47: {  	[tilespmem:$0x0] =	vst v1  }
0x48: {  	[tilespmem:s14], [sflag:$0x1] =	stream.indirect.gather [hbm4b:s4+s13], $0x80, s3, s13, $0xb8;
	[tilespmem:$0x18100] =	vst v63  }
0x49: {  	_ =	swait.ge [sflag:s15], $0x4000  }
0x4a: {  	[sflag:s15] =	ssyncset.done $0x0  }
0x4b: {  	[sflag:s15] =	ssyncadd.s32 $0xFFFFC000  }
0x4c: {  	[spmem:s1] =	stream.indirect.scatter.add.f32 [tilespmem:s14], [sflag:$0x2], $0x80, s13, s13, $0xb8;
	[tilespmem:$0x18100] =	vst v63  }
0x4d: {  	_ =	swait.ge [sflag:s12], $0x4000  }
0x4e: {  	s16 =	sadd.s32 $0x1, s16;
	[sflag:s12] =	ssyncset.done $0x0  }
0x4f: {  	p0 =	sne.s32 s16, s8;
	[sflag:s12] =	ssyncadd.s32 $0xFFFFC000  }
.Ltmp1:
0x50: {  	[bflag:$0x0] =	sbarrier.arrive $0xFFFF;
	(pc) =	sbr.rel @p0 .LBB2_1-.Ltmp1, $4  }
0x51: {  	[hbm:s7], [sflag:s6] =	dma.local [spmem:s11], $0x2800  }
0x52: {  	_ =	swait.ge [sflag:s12], $0x2800  }
0x53: {  	[sflag:s12] =	ssyncset.done $0x0  }
0x54: {  	[sflag:s12] =	ssyncadd.s32 $0xFFFFD800  }
0x55: {  	_ =	sfence.sel $0x180000  }
0x56: {  	[bflag:$0x0] =	sbarrier.arrive $0xFFFF  }
0x57: {  	p0 =	sne.s32 s2, $0x0;
	_ =	strace $0x90000050  }
0x58: {  	s0 =	sadd.s32 @!p0 $0x100000, s0;
	[bflag:$0x2] =	sbarrier.arrive $0xFFFF  }
0x59: {  	[sflag:s0] =	ssyncadd.tile.s32 @!p0 $0x1;
	_ =	shalt  }
.Lfunc_end2:
_tile_overlayer_lowered:
.L_overlay_start_2:
0x5a: {  	(tag) =	ssettag $0x2  }
0x5b: {  	s0 =	rddreg [dreg:$0x0];
	s2 =	stileid.u32  }
0x5c: {  	s1 =	rddreg [dreg:$0x1];
	p0 =	sne.s32 s2, $0x0  }
0x5d: {  	s3 =	rddreg [dreg:$0x2];
	[bflag:$0x3] =	sbarrier.arrive $0xFFFF;
	s2 =	simm.s32 @!p0 $0x1C02  }
0x5e: {  	[timem:s3], [sflag:s2] =	dma.local @!p0 [hbm:s0], s1  }
0x5f: {  	s0 =	simm.s32 @!p0 $0x2  }
0x60: {  	_ =	swait.ge @!p0 [sflag:s0], s1  }
0x61: {  	s1 =	ssub.s32 @!p0 $0x0, s1;
	[sflag:s0] =	ssyncset.done @!p0 $0x0  }
0x62: {  	[sflag:s0] =	ssyncadd.s32 @!p0 s1  }
0x63: {  	[bflag:$0x3] =	sbarrier.arrive $0xFFFF  }
0x64: {  	_ =	shalt  }

// kernel: kernel.25.cloned.1.call-start
scs
__scs_entry_jumppad:
0x0: {  	(pc) =	sbr.rel $0x88, $3  }
0x1: {  	(tag) =	ssettag $0x0;
	lr =	simm.s32 $0x1  }
0x2: {  	[smem:$0x3F95] =	sst lr;
	_ =	strace $0xD0000000  }
0x3: {  	_ = 	snop  }
0x4: {  	_ = 	snop  }
0x5: {  	_ = 	snop  }
0x6: {  	_ = 	snop  }
0x7: {  	_ = 	snop  }
__scs_overlays_trampoline_lowered:
0x8: {  	[smem:$0x3FA4] =	sst s0  }
0x9: {  	[smem:$0x3FA5] =	sst s1  }
0xa: {  	[smem:$0x3FA6] =	sst s2  }
0xb: {  	[smem:$0x3FA7] =	sst s3  }
0xc: {  	[smem:$0x3FA8] =	sst s4  }
0xd: {  	[smem:$0x3FA9] =	sst s5  }
0xe: {  	[smem:$0x3FAA] =	sst s6  }
0xf: {  	[smem:$0x3FAB] =	sst s7  }
0x10: {  	[smem:$0x3FAC] =	sst s8  }
0x11: {  	[smem:$0x3FAD] =	sst s9;
	s0 =	simm.s32 @!p0 $0x0  }
0x12: {  	s1 =	sld [smem:$0x3F93];
	s0 =	simm.s32 @p0 $0x1  }
0x13: {  	[smem:$0x3FAE] =	sst s0;
	s0 =	simm.s32 @!p1 $0x0  }
0x14: {  	s2 =	sld [smem:$0x3F92];
	s0 =	simm.s32 @p1 $0x1  }
0x15: {  	[smem:$0x3FAF] =	sst s0;
	s0 =	simm.s32 @!p2 $0x0  }
0x16: {  	s3 =	sld [smem:$0x3FDB];
	s0 =	simm.s32 @p2 $0x1  }
0x17: {  	s4 =	simm.s32 $0x1BF5;
	[smem:$0x3FB1] =	sst s0  }
0x18: {  	s0 =	sld [smem:$0x3F94];
	_ =	swait.ge [sflag:s4], $0x0  }
0x19: {  	s7 =	sld [smem:$0x3F95]  }
0x1a: {  	s8 =	sadd.s32 $0xFFFFE003, lr  }
0x1b: {  	s9 =	sadd.s32 $0xFFFFFEF7, lr;
	s5 =	simm.s32 $0xFFFFFFFF;
	p2 =	slt.u32 s8, $0xFFFFF086  }
0x1c: {  	p1 =	slt.u32 s9, $0xF7A;
	s5 =	simm.s32 @!p2 $0x0  }
0x1d: {  	s5 =	simm.s32 @p1 $0x1;
	p0 =	seq.s32 s7, s2  }
0x1e: {  	s7 =	smul.u32 @!p0 $0xF7A, s2;
	p2 =	seq.s32 @!p0 s5, $0x0  }
0x1f: {  	s9 =	smul.u32 $0xF7A, s1;
	s8 =	simm.s32 @!p0 $0x1BF5;
	p2 =	por !p2, p0  }
0x20: {  	[sflag:s8] =	ssyncset.s32 @!p0 $0xFFFFF086;
	s6 =	sadd.s32 @!p0 s3, s7;
	s7 =	simm.s32 @!p0 $0x108  }
0x21: {  	s3 =	sadd.s32 s3, s9;
	s6 =	sadd.s32 @!p0 $0x88, s6;
	s7 =	simm.s32 @p2 $0x1082  }
0x22: {  	[simem:s7], [sflag:s8] =	dma.local @!p0 [hbm:s6], $0xF7A  }
0x23: {  	s9 =	sor.u32 $0xD0000000, s2;
	s6 =	simm.s32 $0x108;
	_ =	swait.ge @!p0 [sflag:s8], $0x0  }
0x24: {  	s3 =	sadd.s32 $0x88, s3;
	s6 =	simm.s32 @!p1 $0x1082;
	[sflag:s4] =	ssyncset.s32 $0xFFFFF086  }
0x25: {  	[simem:s6], [sflag:s4] =	dma.local [hbm:s3], $0xF7A  }
0x26: {  	[smem:$0x3F95] =	sst s1;
	(tag) =	ssettag s2;
	_ =	strace s9  }
0x27: {  	s1 =	sld [smem:$0x3FA5]  }
0x28: {  	s2 =	sld [smem:$0x3FA6]  }
0x29: {  	s4 =	sld [smem:$0x3FA8]  }
0x2a: {  	p0 =	seq.s32 s5, $0x0;
	s5 =	sld [smem:$0x3FA9]  }
0x2b: {  	s6 =	sld [smem:$0x3FAA]  }
0x2c: {  	s7 =	sld [smem:$0x3FAB]  }
0x2d: {  	s3 =	simm.s32 $0x108;
	s8 =	sld [smem:$0x3FAC]  }
0x2e: {  	s3 =	simm.s32 @!p0 $0x1082;
	s9 =	sld [smem:$0x3FAD]  }
0x2f: {  	lr =	sadd.s32 s0, s3;
	s0 =	sld [smem:$0x3FA4]  }
0x30: {  	s3 =	sld [smem:$0x3FA7]  }
0x31: {  	[smem:$0x3FB0] =	sst s10  }
0x32: {  	s10 =	sld [smem:$0x3FAE];
	_ =	sdelay $0x3  }
0x33: {  	p0 =	seq.s32 s10, $0x1;
	s10 =	sld [smem:$0x3FB0];
	_ =	sdelay $0x3  }
0x34: {  	[smem:$0x3FB0] =	sst s10  }
0x35: {  	s10 =	sld [smem:$0x3FAF];
	_ =	sdelay $0x3  }
0x36: {  	p1 =	seq.s32 s10, $0x1;
	s10 =	sld [smem:$0x3FB0];
	_ =	sdelay $0x3  }
0x37: {  	[smem:$0x3FB0] =	sst s10  }
0x38: {  	s10 =	sld [smem:$0x3FB1]  }
0x39: {  	_ = 	snop;
	(pc) =	sbr.ind lr, $3  }
0x3a: {  	_ = 	snop  }
0x3b: {  	_ = 	snop  }
0x3c: {  	p2 =	seq.s32 s10, $0x1;
	s10 =	sld [smem:$0x3FB0]  }
0x3d: {  	_ =	shalt  }
0x3e: {  	_ =	shalt  }
0x3f: {  	_ =	shalt  }
0x40: {  	_ =	shalt  }
0x41: {  	_ =	shalt  }
0x42: {  	_ =	shalt  }
0x43: {  	_ =	shalt  }
0x44: {  	_ =	shalt  }
0x45: {  	_ =	shalt  }
0x46: {  	_ =	shalt  }
0x47: {  	_ =	shalt  }
0x48: {  	_ =	shalt  }
0x49: {  	_ =	shalt  }
0x4a: {  	_ =	shalt  }
0x4b: {  	_ =	shalt  }
0x4c: {  	_ =	shalt  }
0x4d: {  	_ =	shalt  }
0x4e: {  	_ =	shalt  }
0x4f: {  	_ =	shalt  }
0x50: {  	_ =	shalt  }
0x51: {  	_ =	shalt  }
0x52: {  	_ =	shalt  }
0x53: {  	_ =	shalt  }
0x54: {  	_ =	shalt  }
0x55: {  	_ =	shalt  }
0x56: {  	_ =	shalt  }
0x57: {  	_ =	shalt  }
0x58: {  	_ =	shalt  }
0x59: {  	_ =	shalt  }
0x5a: {  	_ =	shalt  }
0x5b: {  	_ =	shalt  }
0x5c: {  	_ =	shalt  }
0x5d: {  	_ =	shalt  }
0x5e: {  	_ =	shalt  }
0x5f: {  	_ =	shalt  }
0x60: {  	_ =	shalt  }
0x61: {  	_ =	shalt  }
0x62: {  	_ =	shalt  }
0x63: {  	_ =	shalt  }
0x64: {  	_ =	shalt  }
0x65: {  	_ =	shalt  }
0x66: {  	_ =	shalt  }
0x67: {  	_ =	shalt  }
0x68: {  	_ =	shalt  }
0x69: {  	_ =	shalt  }
0x6a: {  	_ =	shalt  }
0x6b: {  	_ =	shalt  }
0x6c: {  	_ =	shalt  }
0x6d: {  	_ =	shalt  }
0x6e: {  	_ =	shalt  }
0x6f: {  	_ =	shalt  }
0x70: {  	_ =	shalt  }
0x71: {  	_ =	shalt  }
0x72: {  	_ =	shalt  }
0x73: {  	_ =	shalt  }
0x74: {  	_ =	shalt  }
0x75: {  	_ =	shalt  }
0x76: {  	_ =	shalt  }
0x77: {  	_ =	shalt  }
0x78: {  	_ =	shalt  }
0x79: {  	_ =	shalt  }
0x7a: {  	_ =	shalt  }
0x7b: {  	_ =	shalt  }
0x7c: {  	_ =	shalt  }
0x7d: {  	_ =	shalt  }
0x7e: {  	_ =	shalt  }
0x7f: {  	_ =	shalt  }
0x80: {  	_ =	shalt  }
0x81: {  	_ =	shalt  }
0x82: {  	_ =	shalt  }
0x83: {  	_ =	shalt  }
0x84: {  	_ =	shalt  }
0x85: {  	_ =	shalt  }
0x86: {  	_ =	shalt  }
0x87: {  	_ =	shalt  }
.Lfunc_end0:
.L_simem_size_0:
called_computation.4_lowered:
.L_overlay_start_0:
0x88: {  	s2 =	sld [smem:$0x3FD9]  }
0x89: {  	s3 =	sld [smem:$0x3FFE];
	_ =	sdelay $0x1  }
0x8a: {  	s1 =	srdreg.scid  }
0x8b: {  	s0 =	sand.u32 $0x1, s1  }
0x8c: {  	s16 =	sshll.u32 s0, $0xA;
	s2 =	sadd.s32 s3, s2  }
0x8d: {  	s2 =	sadd.s32 s2, s16  }
0x8e: {  	[smem:$0x3FBC] =	sst s2  }
0x8f: {  	_ = 	snop  }
0x90: {  	(tm) =	ssettm $0x1  }
0x91: {  	s17 =	sld [smem:$0x3FFB];
	_ =	sdelay $0x3  }
0x92: {  	_ =	strace s17  }
0x93: {  	s2 =	sld [smem:$0x3FFC];
	_ =	sdelay $0x3  }
0x94: {  	_ =	strace s2  }
0x95: {  	s2 =	sld [smem:$0x3FFD];
	_ =	sdelay $0x3  }
0x96: {  	_ =	strace s2  }
0x97: {  	_ =	strace $0x8FFFFFFF  }
0x98: {  	s18 =	sld [smem:$0x3FDB];
	_ =	sdelay $0x1  }
0x99: {  	s19 =	simm.s32 $_scs_section_size  }
0x9a: {  	s4 =	simm.s32 $_size__tile_overlayer_lowered;
	s5 =	simm.s32 $_tile_overlayer_lowered  }
0x9b: {  	s22 =	simm.s32 $0x1BFF;
	s21 =	sshll.u32 s5, $0x1;
	s2 =	sadd.s32 s19, s18  }
0x9c: {  	s6 =	simm.s32 $0x0;
	s20 =	sshll.u32 s4, $0x1;
	s4 =	sadd.s32 s21, s2  }
0x9d: {  	[timem:s6], [sflag:s22] =	dma.local [hbm:s4], s20  }
0x9e: {  	_ =	swait.ge [sflag:s22], s20  }
0x9f: {  	s3 =	ssub.s32 $0x0, s20;
	[sflag:s22] =	ssyncset.done $0x0  }
0xa0: {  	[sflag:s22] =	ssyncadd.s32 s3;
	_ =	sdelay $0x1  }
0xa1: {  	s23 =	simm.s32 $0x1B8B  }
0xa2: {  	_ =	swait.ge [sflag:s23], $0x1  }
0xa3: {  	[sflag:s23] =	ssyncset.done $0x0  }
0xa4: {  	s25 =	simm.s32 $0x1B8E;
	s24 =	sld [smem:$0x3FFE];
	[sflag:s23] =	ssyncadd.s32 $0xFFFFFFFF  }
0xa5: {  	s26 =	simm.s32 $execute0_lowered;
	[smem:$0x3FD2] =	sst s25  }
0xa6: {  	s4 =	sshll.u32 s26, $0x1;
	_ =	strace $0x80000052;
	[dreg:$0x1] =	wrdreg $0xFFFFFFFF  }
0xa7: {  	s28 =	simm.s32 $_size_execute0_lowered;
	s2 =	sadd.s32 s2, s4;
	[dreg:$0x0] =	wrdreg $0x0  }
0xa8: {  	s4 =	sshll.u32 s28, $0x1;
	[dreg:$0x2] =	wrdreg s2  }
0xa9: {  	[dreg:$0x3] =	wrdreg s4  }
0xaa: {  	[dreg:$0x4] =	wrdreg $0xC0  }
0xab: {  	_ =	task [dreg:s6], $0x5FFFF  }
0xac: {  	[dreg:$0x1] =	wrdreg $0xFFFFFFFF  }
0xad: {  	[dreg:$0x0] =	wrdreg $0x60  }
0xae: {  	[dreg:$0x2] =	wrdreg s24  }
0xaf: {  	[dreg:$0x3] =	wrdreg $0x41000  }
0xb0: {  	[dreg:$0x4] =	wrdreg $0x9  }
0xb1: {  	_ =	task.clear_ibuf [dreg:s6], $0x5FFFF;
	_ =	strace $0x90000052  }
0xb2: {  	s29 =	simm.s32 $0x9;
	_ =	strace $0x80000054  }
0xb3: {  	_ =	swait.ge [sflag:s29], $0x1  }
0xb4: {  	[sflag:s29] =	ssyncadd.s32 $0xFFFFFFFF  }
0xb5: {  	_ =	strace $0x90000054  }
0xb6: {  	_ =	sfence  }
0xb7: {  	s30 =	sld [smem:$0x0];
	_ =	sdelay $0x2  }
0xb8: {  	s31 =	sshll.u32 s1, $0xD;
	s1 =	sshrl.u32 s1, $0x2  }
0xb9: {  	s3 =	sand.u32 $0x4000, s31;
	s1 =	sadd.s32 s1, s30  }
0xba: {  	s0 =	sor.u32 s3, s0;
	s1 =	sshll.u32 s1, $0x11  }
0xbb: {  	s0 =	sor.u32 s1, s0  }
0xbc: {  	s0 =	sadd.s32 $0x8F2B, s0  }
0xbd: {  	[sflag:s0] =	ssyncadd.remote.s32 $0x1  }
0xbe: {  	_ =	sfence.sel $0xFFFF  }
0xbf: {  	[dreg:$0x0] =	wrdreg $0xFFFFFFFF;
	(pc) =	sbr.abs _section_cstart, $3  }
0xc0: {  	[dreg:$0x1] =	wrdreg $0xFFFFFFFF  }
0xc1: {  	_ =	task.clear_ibuf [dreg:s6], $0x2FFFF;
	_ =	strace $0x9FFFFFFF  }
0xc2: {  	(tm) =	ssettm $0x7FFFFFFF  }
0xc3: {  	_ =	shalt  }
tec
execute0_lowered:
.L_overlay_start_1:
0x0: {  	(tag) =	ssettag $0x1  }
0x1: {  	s5 =	rddreg [dreg:$0x0]  }
0x2: {  	s0 =	srdreg.scid;
	s2 =	stileid.u32  }
0x3: {  	s1 =	rddreg [dreg:$0x1];
	s7 =	smul.u32 $0x280, s2  }
0x4: {  	s3 =	simm.s32 $0x0;
	s17 =	simm.s32 $0x2;
	s8 =	smul.u32 $0x50000, s2  }
0x5: {  	s18 =	simm.s32 $0x80;
	s20 =	simm.s32 $0x1;
	s10 =	smul.u32 $0x2800, s2  }
0x6: {  	s15 =	sand.u32 $0x1, s0;
	s0 =	rddreg [dreg:$0x2];
	s13 =	smul.u32 $0x500, s2  }
0x7: {  	s21 =	simm.s32 $0x0;
	[smem:$0x7FF] =	sst s3;
	s6 =	smul.u32 $0x5000, s15  }
0x8: {  	s4 =	sadd.s32 $0xD400, s5;
	s16 =	sshll.u32 s2, $0x6;
	s19 =	smul.u32 $0x2800, s15  }
0x9: {  	_ =	strace $0x80000053;
	s30 =	ssub.s32 $0x2, s15;
	p0 =	sne.s32 s15, $0x0  }
0xa: {  	s15 =	sor.u32 $0x1C02, s16;
	s9 =	sshrl.u32 s30, $0x1;
	s31 =	sshrl.u32 s8, $0x2  }
0xb: {  	s12 =	sadd.s32 s6, s5;
	s29 =	sadd.s32 s7, s19;
	s9 =	ssub.s32 s30, s9  }
0xc: {  	v0 =	vmov s19;
	s19 =	simm.s32 $0x100;
	s6 =	sshll.u32 s29, $0x4;
	s8 =	smax.u32 s9, $0x1  }
0xd: {  	s14 =	sadd.s32 s13, s12;
	s11 =	sadd.s32 s6, s5;
	s5 =	sadd.s32 s31, s1  }
0xe: {  	s6 =	sadd.s32 s4, s10;
	s13 =	sadd.s32 $0x3400, s14;
	s14 =	sadd.s32 $0x5D400, s14  }
0xf: {  	s7 =	sadd.s32 $0x67400, s11;
	s9 =	sadd.s32 $0x4000, s5;
	s10 =	sadd.s32 $0x8000, s5  }
0x10: {  	v1 =	vimm.f32 $0.0e+00;
	s11 =	sadd.s32 $0xC000, s5;
	s12 =	sadd.s32 $0x10000, s5;
	s16 =	sshrl.u32 s5, $0x3  }
.LBB2_1:
.Ltmp0:
0x11: {  	(pc) =	sbr.rel @p0 .LBB2_3-.Ltmp0, $1  }
0x12: {  	_ =	sdelay $0x3  }
.Ltmp1:
0x13: {  	(pc) =	sbr.rel .LBB2_6-.Ltmp1, $4  }
0x14: {  	[spmem:s16], [sflag:s15] =	dma.local [hbm:s6], $0x2800  }
0x15: {  	_ =	swait.ge [sflag:s17], $0x2800  }
0x16: {  	[sflag:s17] =	ssyncset.done $0x0  }
0x17: {  	[sflag:s17] =	ssyncadd.s32 $0xFFFFD800  }
.LBB2_3:
0x18: {  	s22 =	sshra.s32 s3, $0x2;
	s23 =	sadd.s32 $0x200, s3  }
.LBB2_4:
0x19: {  	p1 =	seq.s32 s23, $0xFE00;
	[tilespmem:s22+$0x170] =	vst v1  }
0x1a: {  	[tilespmem:s22+$0x100] =	vst v1  }
0x1b: {  	[tilespmem:s22+$0x110] =	vst v1  }
.Ltmp2:
0x1c: {  	[tilespmem:s22+$0x120] =	vst v1;
	(pc) =	sbr.rel @!p1 .LBB2_4-.Ltmp2, $4  }
0x1d: {  	[tilespmem:s22+$0x130] =	vst v1  }
0x1e: {  	[tilespmem:s22+$0x140] =	vst v1  }
0x1f: {  	[tilespmem:s22+$0x150] =	vst v1  }
0x20: {  	[tilespmem:s22+$0x160] =	vst v1;
	s22 =	sshra.s32 s23, $0x2;
	s23 =	sadd.s32 $0x200, s23  }
0x21: {  	[tilespmem:s22+$0x170] =	vst v1  }
0x22: {  	[tilespmem:s22+$0x100] =	vst v1  }
0x23: {  	[tilespmem:s22+$0x110] =	vst v1  }
0x24: {  	[tilespmem:s22+$0x120] =	vst v1  }
0x25: {  	[tilespmem:s22+$0x130] =	vst v1  }
0x26: {  	[tilespmem:s22+$0x140] =	vst v1  }
0x27: {  	[tilespmem:s22+$0x150] =	vst v1  }
0x28: {  	[tilespmem:s22+$0x160] =	vst v1  }
0x29: {  	[spmem:s5] =	stream.linear.scatter [tilespmem:s19], [sflag:$0x2], $0x4000, $0x38;
	[tilespmem:$0x18100] =	vst v63  }
0x2a: {  	_ =	swait.ge [sflag:s17], $0x4000  }
0x2b: {  	[sflag:s17] =	ssyncset.done $0x0  }
0x2c: {  	[sflag:s17] =	ssyncadd.s32 $0xFFFFC000  }
0x2d: {  	[spmem:s9] =	stream.linear.scatter [tilespmem:s19], [sflag:$0x2], $0x4000, $0x38;
	[tilespmem:$0x18100] =	vst v63  }
0x2e: {  	_ =	swait.ge [sflag:s17], $0x4000  }
0x2f: {  	[sflag:s17] =	ssyncset.done $0x0  }
0x30: {  	[sflag:s17] =	ssyncadd.s32 $0xFFFFC000  }
0x31: {  	[spmem:s10] =	stream.linear.scatter [tilespmem:s19], [sflag:$0x2], $0x4000, $0x38;
	[tilespmem:$0x18100] =	vst v63  }
0x32: {  	_ =	swait.ge [sflag:s17], $0x4000  }
0x33: {  	[sflag:s17] =	ssyncset.done $0x0  }
0x34: {  	[sflag:s17] =	ssyncadd.s32 $0xFFFFC000  }
0x35: {  	[spmem:s11] =	stream.linear.scatter [tilespmem:s19], [sflag:$0x2], $0x4000, $0x38;
	[tilespmem:$0x18100] =	vst v63  }
0x36: {  	_ =	swait.ge [sflag:s17], $0x4000  }
0x37: {  	[sflag:s17] =	ssyncset.done $0x0  }
0x38: {  	[sflag:s17] =	ssyncadd.s32 $0xFFFFC000  }
0x39: {  	[spmem:s12] =	stream.linear.scatter [tilespmem:s19], [sflag:$0x2], $0x4000, $0x38;
	[tilespmem:$0x18100] =	vst v63  }
0x3a: {  	_ =	swait.ge [sflag:s17], $0x4000  }
0x3b: {  	[sflag:s17] =	ssyncset.done $0x0  }
0x3c: {  	[sflag:s17] =	ssyncadd.s32 $0xFFFFC000  }
.LBB2_6:
0x3d: {  	[bflag:$0x0] =	sbarrier.arrive $0xFFFF;
	s22 =	sadd.s32 $0x0, s14  }
0x3e: {  	[tilespmem:s3], [sflag:$0x2] =	stream.linear.gather [hbm4b:s22+s3], $0x80, $0x38;
	[tilespmem:$0x18100] =	vst v63  }
0x3f: {  	_ =	swait.ge [sflag:s17], $0x80  }
0x40: {  	[sflag:s17] =	ssyncset.done $0x0  }
0x41: {  	s31 =	sadd.s32 $0x0, s13;
	[sflag:s17] =	ssyncadd.s32 $0xFFFFFF80  }
0x42: {  	[tilespmem:s18], [sflag:$0x2] =	stream.linear.gather [hbm4b:s31+s3], $0x80, $0x38;
	[tilespmem:$0x18100] =	vst v63  }
0x43: {  	_ =	swait.ge [sflag:s17], $0x80  }
0x44: {  	[sflag:s17] =	ssyncset.done $0x0  }
0x45: {  	[sflag:s17] =	ssyncadd.s32 $0xFFFFFF80  }
0x46: {  	v2 =	vld [tilespmem:$0x70]  }
0x47: {  	v3 =	vld [tilespmem:$0x30]  }
0x48: {  	v6 =	vld [tilespmem:$0x20]  }
0x49: {  	v4 =	vld [tilespmem:$0x50]  }
0x4a: {  	v5 =	vld [tilespmem:$0x60]  }
0x4b: {  	v7 =	vld [tilespmem:$0x10];
	v2 =	vadd.s32 v0, v2  }
0x4c: {  	v8 =	vld [tilespmem:$0x40];
	v3 =	vadd.s32 v0, v3;
	[tilespmem:$0x70] =	vst v2  }
0x4d: {  	v63 =	vadd.s32 v0, v6;
	v2 =	vld [tilespmem:$0x0];
	[tilespmem:$0x30] =	vst v3  }
0x4e: {  	v3 =	vadd.s32 v0, v4;
	[tilespmem:$0x20] =	vst v63  }
0x4f: {  	[tilespmem:$0x50] =	vst v3;
	v3 =	vadd.s32 v0, v5  }
0x50: {  	[tilespmem:$0x60] =	vst v3;
	v3 =	vadd.s32 v0, v7  }
0x51: {  	[tilespmem:$0x10] =	vst v3;
	v3 =	vadd.s32 v0, v8  }
0x52: {  	[tilespmem:$0x40] =	vst v3;
	v2 =	vadd.s32 v0, v2  }
0x53: {  	s22 =	simm.s32 $0x10;
	[tilespmem:$0x0] =	vst v2  }
.LBB2_7:
0x54: {  	[tilespmem:s19], [sflag:$0x1] =	stream.indirect.gather [hbm4b:s4+s18], $0x80, s3, s18, $0xb8;
	[tilespmem:$0x18100] =	vst v63  }
0x55: {  	s23 =	smov.u32 s22  }
0x56: {  	p1 =	sne.s32 s22, $0x4F0;
	s22 =	sadd.s32 $0x10, s22;
	_ =	swait.ge [sflag:s20], $0x4000  }
0x57: {  	[sflag:s20] =	ssyncset.done $0x0  }
0x58: {  	[sflag:s20] =	ssyncadd.s32 $0xFFFFC000  }
0x59: {  	[spmem:s1] =	stream.indirect.scatter.add.f32 [tilespmem:s19], [sflag:$0x2], $0x80, s18, s18, $0xb8;
	[tilespmem:$0x18100] =	vst v63  }
0x5a: {  	_ =	swait.ge [sflag:s17], $0x4000  }
0x5b: {  	[sflag:s17] =	ssyncset.done $0x0  }
0x5c: {  	s24 =	sadd.s32 s23, s14;
	[sflag:s17] =	ssyncadd.s32 $0xFFFFC000  }
0x5d: {  	[tilespmem:s3], [sflag:$0x2] =	stream.linear.gather [hbm4b:s24+s3], $0x80, $0x38;
	[tilespmem:$0x18100] =	vst v63  }
0x5e: {  	_ =	swait.ge [sflag:s17], $0x80  }
0x5f: {  	[sflag:s17] =	ssyncset.done $0x0  }
0x60: {  	s23 =	sadd.s32 s23, s13;
	[sflag:s17] =	ssyncadd.s32 $0xFFFFFF80  }
0x61: {  	[tilespmem:s18], [sflag:$0x2] =	stream.linear.gather [hbm4b:s23+s3], $0x80, $0x38;
	[tilespmem:$0x18100] =	vst v63  }
0x62: {  	_ =	swait.ge [sflag:s17], $0x80  }
0x63: {  	[sflag:s17] =	ssyncset.done $0x0  }
0x64: {  	[sflag:s17] =	ssyncadd.s32 $0xFFFFFF80  }
0x65: {  	v2 =	vld [tilespmem:$0x70]  }
0x66: {  	v3 =	vld [tilespmem:$0x30]  }
0x67: {  	v4 =	vld [tilespmem:$0x50]  }
0x68: {  	v5 =	vld [tilespmem:$0x60]  }
0x69: {  	v6 =	vld [tilespmem:$0x20]  }
0x6a: {  	v7 =	vld [tilespmem:$0x10];
	v2 =	vadd.s32 v0, v2  }
0x6b: {  	v3 =	vadd.s32 v0, v3;
	v8 =	vld [tilespmem:$0x40];
	[tilespmem:$0x70] =	vst v2  }
0x6c: {  	v2 =	vld [tilespmem:$0x0];
	[tilespmem:$0x30] =	vst v3;
	v3 =	vadd.s32 v0, v4  }
0x6d: {  	[tilespmem:$0x50] =	vst v3;
	v3 =	vadd.s32 v0, v5  }
.Ltmp3:
0x6e: {  	v4 =	vadd.s32 v0, v6;
	[tilespmem:$0x60] =	vst v3;
	(pc) =	sbr.rel @p1 .LBB2_7-.Ltmp3, $4  }
0x6f: {  	v3 =	vadd.s32 v0, v7;
	[tilespmem:$0x20] =	vst v4  }
0x70: {  	[tilespmem:$0x10] =	vst v3;
	v3 =	vadd.s32 v0, v8  }
0x71: {  	v2 =	vadd.s32 v0, v2;
	[tilespmem:$0x40] =	vst v3  }
0x72: {  	[tilespmem:$0x0] =	vst v2  }
0x73: {  	[tilespmem:s19], [sflag:$0x1] =	stream.indirect.gather [hbm4b:s4+s18], $0x80, s3, s18, $0xb8;
	[tilespmem:$0x18100] =	vst v63  }
0x74: {  	_ =	swait.ge [sflag:s20], $0x4000  }
0x75: {  	[sflag:s20] =	ssyncset.done $0x0  }
0x76: {  	[sflag:s20] =	ssyncadd.s32 $0xFFFFC000  }
0x77: {  	[spmem:s1] =	stream.indirect.scatter.add.f32 [tilespmem:s19], [sflag:$0x2], $0x80, s18, s18, $0xb8;
	[tilespmem:$0x18100] =	vst v63  }
0x78: {  	_ =	swait.ge [sflag:s17], $0x4000  }
0x79: {  	s21 =	sadd.s32 $0x1, s21;
	[sflag:s17] =	ssyncset.done $0x0  }
0x7a: {  	p1 =	sne.s32 s21, s8;
	[sflag:s17] =	ssyncadd.s32 $0xFFFFC000  }
.Ltmp4:
0x7b: {  	[bflag:$0x0] =	sbarrier.arrive $0xFFFF;
	(pc) =	sbr.rel @p1 .LBB2_1-.Ltmp4, $4  }
0x7c: {  	[hbm:s7], [sflag:s15] =	dma.local [spmem:s16], $0x2800  }
0x7d: {  	_ =	swait.ge [sflag:s17], $0x2800  }
0x7e: {  	[sflag:s17] =	ssyncset.done $0x0  }
0x7f: {  	[sflag:s17] =	ssyncadd.s32 $0xFFFFD800  }
0x80: {  	_ =	sfence.sel $0x180000  }
0x81: {  	[bflag:$0x0] =	sbarrier.arrive $0xFFFF  }
0x82: {  	p0 =	sne.s32 s2, $0x0;
	_ =	strace $0x90000053  }
0x83: {  	s0 =	sadd.s32 @!p0 $0x100000, s0;
	[bflag:$0x2] =	sbarrier.arrive $0xFFFF  }
0x84: {  	[sflag:s0] =	ssyncadd.tile.s32 @!p0 $0x1;
	_ =	shalt  }
.Lfunc_end2:
_tile_overlayer_lowered:
.L_overlay_start_2:
0x85: {  	(tag) =	ssettag $0x2  }
0x86: {  	s0 =	rddreg [dreg:$0x0];
	s2 =	stileid.u32  }
0x87: {  	s1 =	rddreg [dreg:$0x1];
	p0 =	sne.s32 s2, $0x0  }
0x88: {  	s3 =	rddreg [dreg:$0x2];
	[bflag:$0x3] =	sbarrier.arrive $0xFFFF;
	s2 =	simm.s32 @!p0 $0x1C02  }
0x89: {  	[timem:s3], [sflag:s2] =	dma.local @!p0 [hbm:s0], s1  }
0x8a: {  	s0 =	simm.s32 @!p0 $0x2  }
0x8b: {  	_ =	swait.ge @!p0 [sflag:s0], s1  }
0x8c: {  	s1 =	ssub.s32 @!p0 $0x0, s1;
	[sflag:s0] =	ssyncset.done @!p0 $0x0  }
0x8d: {  	[sflag:s0] =	ssyncadd.s32 @!p0 s1  }
0x8e: {  	[bflag:$0x3] =	sbarrier.arrive $0xFFFF  }
0x8f: {  	_ =	shalt  }

</sc_bundles>
